<compile_context>
chip_gen: v7x
topology: tpu7x:2x2x1
jax: 0.10.2.dev20260603
libtpu: 0.0.44.dev20260713+nightly
codegen_flags: <defaults>
</compile_context>

<pallas_src>
import functools

import jax
import jax.numpy as jnp
from jax import lax
from jax.experimental import pallas as pl
from jax.experimental.pallas import tpu as pltpu
from jax.experimental.pallas import tpu_sc as plsc

B = 1024
S = 200
DIM = 64
PADDIM = 128
VOCAB_ROWS = 1000000

_info = plsc.get_sparse_core_info()
NC, NS, L = _info.num_cores, _info.num_subcores, _info.num_lanes
NW = NC * NS
ROWS_PER_W = B // NW
TOK_PER_W = ROWS_PER_W * S
CHUNK = 80
NCHUNKS = TOK_PER_W // CHUNK
VPR = DIM // 16
RING = 4
LEAD = 2
NIDV = TOK_PER_W // 16


def _make_kernel():
  mesh = plsc.VectorSubcoreMesh(core_axis_name="c", subcore_axis_name="s")

  gbufs_s = [pltpu.VMEM((CHUNK, DIM), jnp.float32) for _ in range(RING)]
  sem_s = [pltpu.SemaphoreType.DMA for _ in range(2 * RING)]

  @functools.partial(
      pl.kernel,
      mesh=mesh,
      compiler_params=pltpu.CompilerParams(
          use_tc_tiling_on_sc=False, needs_layout_passes=False),
      out_type=jax.ShapeDtypeStruct((B * S, DIM), jnp.float32),
      scratch_types=[
          pltpu.VMEM((S, DIM), jnp.float32),
          pltpu.VMEM((DIM, S), jnp.float32),
          pltpu.VMEM((S, ROWS_PER_W), jnp.float32),
          pltpu.VMEM((TOK_PER_W,), jnp.int32),
      ] + gbufs_s + sem_s,
  )
  def k(idsf_hbm, table_hbm, pos_hbm, out_hbm, pos_v, post_v, idsf_v, idx_v,
        *rest):
    gbufs = rest[:RING]
    gsems = rest[RING:2 * RING]
    ssems = rest[2 * RING:]
    wid = lax.axis_index("s") * NC + lax.axis_index("c")
    pltpu.sync_copy(pos_hbm.at[:, pl.ds(0, S)], post_v)
    row0 = wid * ROWS_PER_W
    base0 = wid * TOK_PER_W
    pltpu.sync_copy(idsf_hbm.at[:, pl.ds(row0, ROWS_PER_W)], idsf_v)

    lanes = lax.iota(jnp.int32, 16)

    def cvt_body(v, carry):
      f = lanes + v * 16
      r = lax.div(f, S)
      p = f - r * S
      x = plsc.load_gather(idsf_v, [p, r])
      idx_v[pl.ds(v * 16, 16)] = (
          plsc.bitcast(x, jnp.int32) & jnp.int32(0x007FFFFF)) * 2
      return carry

    lax.fori_loop(0, NIDV, cvt_body, 0, unroll=8)

    def pos_body(pr, carry):
      prv = lanes * 0 + pr
      for kk in range(VPR):
        x = plsc.load_gather(post_v, [lanes + 16 * kk, prv])
        pos_v[pr, pl.ds(kk * 16, 16)] = x
      return carry

    lax.fori_loop(0, S, pos_body, 0, unroll=8)

    def issue_gather(c, b):
      pltpu.async_copy(
          table_hbm.at[idx_v.at[pl.ds(c * CHUNK, CHUNK)]], gbufs[b], gsems[b])

    def wait_gather(b):
      pltpu.make_async_copy(
          table_hbm.at[pl.ds(0, CHUNK)], gbufs[b], gsems[b]).wait()

    def wait_store(b):
      pltpu.make_async_copy(
          gbufs[b], out_hbm.at[pl.ds(0, CHUNK)], ssems[b]).wait()

    for c in range(LEAD):
      issue_gather(c, c % RING)

    def step(c, b):
      @pl.when(c + LEAD < NCHUNKS)
      def _():
        bp = (b + LEAD) % RING

        @pl.when(c >= RING - LEAD)
        def _():
          wait_store(bp)

        issue_gather(c + LEAD, bp)

      wait_gather(b)
      gcur = gbufs[b]
      prow0 = lax.rem(c * CHUNK, S)

      def row_body(rr, carry2):
        pr = lax.rem(prow0 + rr, S)
        for kk in range(VPR):
          sl = pl.ds(kk * 16, 16)
          plsc.addupdate(gcur.at[rr, sl], pos_v[pr, sl])
        return carry2

      lax.fori_loop(0, CHUNK, row_body, 0, unroll=8)
      pltpu.async_copy(
          gcur, out_hbm.at[pl.ds(base0 + c * CHUNK, CHUNK)], ssems[b])

    def ring_body(j, carry):
      for b in range(RING):
        step(j * RING + b, b)
      return carry

    lax.fori_loop(0, NCHUNKS // RING, ring_body, 0)

    for b in range(RING):
      wait_store(b)

  return k


_kernel = _make_kernel()


def kernel(input_ids, token_table, position_embedding):
  Bq, Sq = input_ids.shape
  ids_tagged = input_ids.astype(jnp.int32) | jnp.int32(0x4B000000)
  ids_f = lax.bitcast_convert_type(ids_tagged, jnp.float32)
  table_p = jnp.pad(token_table, ((0, 0), (0, PADDIM - DIM)))
  table_p = table_p.reshape(2 * VOCAB_ROWS, DIM)
  out = _kernel(ids_f.T, table_p, position_embedding[0].T)
  return out.reshape(Bq, Sq, DIM)

# --- scband reference (transcript-rebuilt; emitter-appended) ---
"""Pipeline reference for scband-text-embedding-21431886807527 (READ-ONLY COPY).

The authoritative reference and input builder live on the scoring server;
editing this copy changes nothing except your own understanding.
"""

import jax, jax.numpy as jnp
import numpy as np

VOCAB = 1000000
DIM = 64
MAX_SEQ = 512
B = 1024
S = 200

def setup_inputs(seed: int = 0) -> dict:
    key = jax.random.key(seed)
    k1, k2, k3 = jax.random.split(key, 3)
    input_ids = jax.random.randint(k1, (B, S), 0, VOCAB)
    token_table = jax.random.normal(k2, (VOCAB, DIM), dtype=jnp.float32) * 0.02
    # module initializes position_embedding to zeros; use small random to make grads nontrivial but keep zeros-faithful option
    position_embedding = jnp.zeros((1, MAX_SEQ, DIM), dtype=jnp.float32)
    return {"input_ids": input_ids, "token_table": token_table, "position_embedding": position_embedding}

def reference(input_ids, token_table, position_embedding):
    Bq, Sq = input_ids.shape
    x_token = jnp.take(token_table, input_ids, axis=0)  # [B, S, DIM] gather
    x_pos = position_embedding[:, :Sq, :]
    x = x_token + x_pos
    # dropout_rate=0.0 / eval mode -> identity
    return x

if __name__ == "__main__":
    import jax
    _d = setup_inputs()
    print(jax.jit(kernel)(*tuple(_d.values())))

</pallas_src>

<mosaic_0001>
#map = affine_map<(d0, d1) -> (0, 0)>
module attributes {stable_mosaic.version = 14 : i64} {
  func.func @k(%arg0: i32, %arg1: i32, %arg2: memref<200x1024xf32, #tpu.memory_space<hbm>>, %arg3: memref<2000000x64xf32, #tpu.memory_space<hbm>>, %arg4: memref<64x512xf32, #tpu.memory_space<hbm>>, %arg5: memref<204800x64xf32, #tpu.memory_space<hbm>>, %arg6: memref<200x64xf32, #tpu.memory_space<vmem>>, %arg7: memref<64x200xf32, #tpu.memory_space<vmem>>, %arg8: memref<200x32xf32, #tpu.memory_space<vmem>>, %arg9: memref<6400xi32, #tpu.memory_space<vmem>>, %arg10: memref<80x64xf32, #tpu.memory_space<vmem>>, %arg11: memref<80x64xf32, #tpu.memory_space<vmem>>, %arg12: memref<80x64xf32, #tpu.memory_space<vmem>>, %arg13: memref<80x64xf32, #tpu.memory_space<vmem>>, %arg14: memref<!tpu.dma_semaphore, #tpu.memory_space<semaphore_mem>>, %arg15: memref<!tpu.dma_semaphore, #tpu.memory_space<semaphore_mem>>, %arg16: memref<!tpu.dma_semaphore, #tpu.memory_space<semaphore_mem>>, %arg17: memref<!tpu.dma_semaphore, #tpu.memory_space<semaphore_mem>>, %arg18: memref<!tpu.dma_semaphore, #tpu.memory_space<semaphore_mem>>, %arg19: memref<!tpu.dma_semaphore, #tpu.memory_space<semaphore_mem>>, %arg20: memref<!tpu.dma_semaphore, #tpu.memory_space<semaphore_mem>>, %arg21: memref<!tpu.dma_semaphore, #tpu.memory_space<semaphore_mem>>) attributes {dimension_semantics = [#tpu.dimension_semantics<core_parallel>, #tpu.dimension_semantics<subcore_parallel>], iteration_bounds = array<i64: 2, 16>, scalar_prefetch = 0 : i64, scratch_operands = 16 : i64, tpu.core_type = #tpu.core_type<sc_vector_subcore>, window_params = [{transform_indices = #map}, {transform_indices = #map}, {transform_indices = #map}, {transform_indices = #map}]} {
    %mul3A = arith.constant 2 : i32
    %mul3A_0 = arith.muli %arg1, %mul3A : i32
    %add3A = arith.addi %mul3A_0, %arg0 : i32
    "tpu.region"() ({
      %run_scoped3A = tpu.sem_alloc : memref<!tpu.dma_semaphore, #tpu.memory_space<semaphore_mem>>
      %dma_start3A_54 = arith.constant 0 : i32
      %dma_start3A_55 = arith.constant 0 : i32
      %dma_start3A_56 = tpu.memref_slice %arg4[%dma_start3A_54, %dma_start3A_55] : memref<64x512xf32, #tpu.memory_space<hbm>> -> memref<64x200xf32, #tpu.memory_space<hbm>>
      %dma_start3A_57 = arith.constant 0 : i32
      %dma_start3A_58 = arith.constant 0 : i32
      %dma_start3A_59 = tpu.memref_slice %arg4[%dma_start3A_57, %dma_start3A_58] : memref<64x512xf32, #tpu.memory_space<hbm>> -> memref<64x200xf32, #tpu.memory_space<hbm>>
      tpu.enqueue_dma source(%dma_start3A_59 : memref<64x200xf32, #tpu.memory_space<hbm>>) target(%arg7 : memref<64x200xf32, #tpu.memory_space<vmem>>) target_semaphore(%run_scoped3A : memref<!tpu.dma_semaphore, #tpu.memory_space<semaphore_mem>>)
      %dma_wait3A_60 = arith.constant 0 : i32
      %dma_wait3A_61 = arith.constant 0 : i32
      %dma_wait3A_62 = tpu.memref_slice %arg4[%dma_wait3A_60, %dma_wait3A_61] : memref<64x512xf32, #tpu.memory_space<hbm>> -> memref<64x200xf32, #tpu.memory_space<hbm>>
      %dma_wait3A_63 = arith.constant 0 : i32
      %dma_wait3A_64 = arith.constant 0 : i32
      %dma_wait3A_65 = tpu.memref_slice %arg4[%dma_wait3A_63, %dma_wait3A_64] : memref<64x512xf32, #tpu.memory_space<hbm>> -> memref<64x200xf32, #tpu.memory_space<hbm>>
      tpu.wait_dma2 semaphore(%run_scoped3A : memref<!tpu.dma_semaphore, #tpu.memory_space<semaphore_mem>>) src(%dma_wait3A_65 : memref<64x200xf32, #tpu.memory_space<hbm>>) dst(%arg7 : memref<64x200xf32, #tpu.memory_space<vmem>>)
      tpu.yield
    }) : () -> ()
    %mul3A_1 = arith.constant 32 : i32
    %mul3A_2 = arith.muli %add3A, %mul3A_1 : i32
    %mul3A_3 = arith.constant 6400 : i32
    %mul3A_4 = arith.muli %add3A, %mul3A_3 : i32
    "tpu.region"() ({
      %run_scoped3A = tpu.sem_alloc : memref<!tpu.dma_semaphore, #tpu.memory_space<semaphore_mem>>
      %dma_start3A_54 = arith.constant 0 : i32
      %dma_start3A_55 = tpu.memref_slice %arg2[%dma_start3A_54, %mul3A_2] : memref<200x1024xf32, #tpu.memory_space<hbm>> -> memref<200x32xf32, #tpu.memory_space<hbm>>
      %dma_start3A_56 = arith.constant 0 : i32
      %dma_start3A_57 = tpu.memref_slice %arg2[%dma_start3A_56, %mul3A_2] : memref<200x1024xf32, #tpu.memory_space<hbm>> -> memref<200x32xf32, #tpu.memory_space<hbm>>
      tpu.enqueue_dma source(%dma_start3A_57 : memref<200x32xf32, #tpu.memory_space<hbm>>) target(%arg8 : memref<200x32xf32, #tpu.memory_space<vmem>>) target_semaphore(%run_scoped3A : memref<!tpu.dma_semaphore, #tpu.memory_space<semaphore_mem>>)
      %dma_wait3A_58 = arith.constant 0 : i32
      %dma_wait3A_59 = tpu.memref_slice %arg2[%dma_wait3A_58, %mul3A_2] : memref<200x1024xf32, #tpu.memory_space<hbm>> -> memref<200x32xf32, #tpu.memory_space<hbm>>
      %dma_wait3A_60 = arith.constant 0 : i32
      %dma_wait3A_61 = tpu.memref_slice %arg2[%dma_wait3A_60, %mul3A_2] : memref<200x1024xf32, #tpu.memory_space<hbm>> -> memref<200x32xf32, #tpu.memory_space<hbm>>
      tpu.wait_dma2 semaphore(%run_scoped3A : memref<!tpu.dma_semaphore, #tpu.memory_space<semaphore_mem>>) src(%dma_wait3A_61 : memref<200x32xf32, #tpu.memory_space<hbm>>) dst(%arg8 : memref<200x32xf32, #tpu.memory_space<vmem>>)
      tpu.yield
    }) : () -> ()
    %iota3A = tpu.iota {dimensions = array<i32: 0>} : vector<16xi32>
    %scan3A = arith.constant 0 : i32
    %scan3A_5 = arith.constant 0 : i32
    %scan3A_6 = arith.constant 400 : i32
    %scan3A_7 = arith.addi %scan3A_5, %scan3A_6 : i32
    %scan3A_8 = arith.constant 8 : i32
    scf.for %scan3A_54 = %scan3A_5 to %scan3A_7 step %scan3A_8  : i32 {
      %mul3A_55 = arith.constant 16 : i32
      %mul3A_56 = arith.muli %scan3A_54, %mul3A_55 : i32
      %add3A_57 = vector.broadcast %mul3A_56 : i32 to vector<16xi32>
      %add3A_58 = arith.addi %iota3A, %add3A_57 : vector<16xi32>
      %div3A = arith.constant 200 : i32
      %div3A_59 = vector.broadcast %div3A : i32 to vector<16xi32>
      %div3A_60 = arith.divsi %add3A_58, %div3A_59 : vector<16xi32>
      %mul3A_61 = arith.constant 200 : i32
      %mul3A_62 = vector.broadcast %mul3A_61 : i32 to vector<16xi32>
      %mul3A_63 = arith.muli %div3A_60, %mul3A_62 : vector<16xi32>
      %sub3A = arith.subi %add3A_58, %mul3A_63 : vector<16xi32>
      %gather3A = tpu.vector_load_idx %arg8[%sub3A, %div3A_60] : memref<200x32xf32, #tpu.memory_space<vmem>>[vector<16xi32>, vector<16xi32>], vector<16xf32>,
      %bitcast3A = vector.bitcast %gather3A : vector<16xf32> to vector<16xi32>
      %and3A = arith.constant 8388607 : i32
      %and3A_64 = vector.broadcast %and3A : i32 to vector<16xi32>
      %and3A_65 = arith.andi %bitcast3A, %and3A_64 : vector<16xi32>
      %mul3A_66 = arith.constant 2 : i32
      %mul3A_67 = vector.broadcast %mul3A_66 : i32 to vector<16xi32>
      %mul3A_68 = arith.muli %and3A_65, %mul3A_67 : vector<16xi32>
      %mul3A_69 = arith.constant 16 : i32
      %mul3A_70 = arith.muli %scan3A_54, %mul3A_69 : i32
      %swap3A = arith.index_cast %mul3A_70 : i32 to index
      %swap3A_71 = tpu.vector_load %arg9[%swap3A] {strides = array<i32>} : memref<6400xi32, #tpu.memory_space<vmem>>, vector<16xi32>,
      tpu.vector_store %arg9[%swap3A], %mul3A_68 {strides = array<i32>} : memref<6400xi32, #tpu.memory_space<vmem>>, vector<16xi32>,
      %scan3A_72 = arith.constant 1 : i32
      %scan3A_73 = arith.addi %scan3A_54, %scan3A_72 : i32
      %mul3A_74 = arith.constant 16 : i32
      %mul3A_75 = arith.muli %scan3A_73, %mul3A_74 : i32
      %add3A_76 = vector.broadcast %mul3A_75 : i32 to vector<16xi32>
      %add3A_77 = arith.addi %iota3A, %add3A_76 : vector<16xi32>
      %div3A_78 = arith.constant 200 : i32
      %div3A_79 = vector.broadcast %div3A_78 : i32 to vector<16xi32>
      %div3A_80 = arith.divsi %add3A_77, %div3A_79 : vector<16xi32>
      %mul3A_81 = arith.constant 200 : i32
      %mul3A_82 = vector.broadcast %mul3A_81 : i32 to vector<16xi32>
      %mul3A_83 = arith.muli %div3A_80, %mul3A_82 : vector<16xi32>
      %sub3A_84 = arith.subi %add3A_77, %mul3A_83 : vector<16xi32>
      %gather3A_85 = tpu.vector_load_idx %arg8[%sub3A_84, %div3A_80] : memref<200x32xf32, #tpu.memory_space<vmem>>[vector<16xi32>, vector<16xi32>], vector<16xf32>,
      %bitcast3A_86 = vector.bitcast %gather3A_85 : vector<16xf32> to vector<16xi32>
      %and3A_87 = arith.constant 8388607 : i32
      %and3A_88 = vector.broadcast %and3A_87 : i32 to vector<16xi32>
      %and3A_89 = arith.andi %bitcast3A_86, %and3A_88 : vector<16xi32>
      %mul3A_90 = arith.constant 2 : i32
      %mul3A_91 = vector.broadcast %mul3A_90 : i32 to vector<16xi32>
      %mul3A_92 = arith.muli %and3A_89, %mul3A_91 : vector<16xi32>
      %mul3A_93 = arith.constant 16 : i32
      %mul3A_94 = arith.muli %scan3A_73, %mul3A_93 : i32
      %swap3A_95 = arith.index_cast %mul3A_94 : i32 to index
      %swap3A_96 = tpu.vector_load %arg9[%swap3A_95] {strides = array<i32>} : memref<6400xi32, #tpu.memory_space<vmem>>, vector<16xi32>,
      tpu.vector_store %arg9[%swap3A_95], %mul3A_92 {strides = array<i32>} : memref<6400xi32, #tpu.memory_space<vmem>>, vector<16xi32>,
      %scan3A_97 = arith.constant 2 : i32
      %scan3A_98 = arith.addi %scan3A_54, %scan3A_97 : i32
      %mul3A_99 = arith.constant 16 : i32
      %mul3A_100 = arith.muli %scan3A_98, %mul3A_99 : i32
      %add3A_101 = vector.broadcast %mul3A_100 : i32 to vector<16xi32>
      %add3A_102 = arith.addi %iota3A, %add3A_101 : vector<16xi32>
      %div3A_103 = arith.constant 200 : i32
      %div3A_104 = vector.broadcast %div3A_103 : i32 to vector<16xi32>
      %div3A_105 = arith.divsi %add3A_102, %div3A_104 : vector<16xi32>
      %mul3A_106 = arith.constant 200 : i32
      %mul3A_107 = vector.broadcast %mul3A_106 : i32 to vector<16xi32>
      %mul3A_108 = arith.muli %div3A_105, %mul3A_107 : vector<16xi32>
      %sub3A_109 = arith.subi %add3A_102, %mul3A_108 : vector<16xi32>
      %gather3A_110 = tpu.vector_load_idx %arg8[%sub3A_109, %div3A_105] : memref<200x32xf32, #tpu.memory_space<vmem>>[vector<16xi32>, vector<16xi32>], vector<16xf32>,
      %bitcast3A_111 = vector.bitcast %gather3A_110 : vector<16xf32> to vector<16xi32>
      %and3A_112 = arith.constant 8388607 : i32
      %and3A_113 = vector.broadcast %and3A_112 : i32 to vector<16xi32>
      %and3A_114 = arith.andi %bitcast3A_111, %and3A_113 : vector<16xi32>
      %mul3A_115 = arith.constant 2 : i32
      %mul3A_116 = vector.broadcast %mul3A_115 : i32 to vector<16xi32>
      %mul3A_117 = arith.muli %and3A_114, %mul3A_116 : vector<16xi32>
      %mul3A_118 = arith.constant 16 : i32
      %mul3A_119 = arith.muli %scan3A_98, %mul3A_118 : i32
      %swap3A_120 = arith.index_cast %mul3A_119 : i32 to index
      %swap3A_121 = tpu.vector_load %arg9[%swap3A_120] {strides = array<i32>} : memref<6400xi32, #tpu.memory_space<vmem>>, vector<16xi32>,
      tpu.vector_store %arg9[%swap3A_120], %mul3A_117 {strides = array<i32>} : memref<6400xi32, #tpu.memory_space<vmem>>, vector<16xi32>,
      %scan3A_122 = arith.constant 3 : i32
      %scan3A_123 = arith.addi %scan3A_54, %scan3A_122 : i32
      %mul3A_124 = arith.constant 16 : i32
      %mul3A_125 = arith.muli %scan3A_123, %mul3A_124 : i32
      %add3A_126 = vector.broadcast %mul3A_125 : i32 to vector<16xi32>
      %add3A_127 = arith.addi %iota3A, %add3A_126 : vector<16xi32>
      %div3A_128 = arith.constant 200 : i32
      %div3A_129 = vector.broadcast %div3A_128 : i32 to vector<16xi32>
      %div3A_130 = arith.divsi %add3A_127, %div3A_129 : vector<16xi32>
      %mul3A_131 = arith.constant 200 : i32
      %mul3A_132 = vector.broadcast %mul3A_131 : i32 to vector<16xi32>
      %mul3A_133 = arith.muli %div3A_130, %mul3A_132 : vector<16xi32>
      %sub3A_134 = arith.subi %add3A_127, %mul3A_133 : vector<16xi32>
      %gather3A_135 = tpu.vector_load_idx %arg8[%sub3A_134, %div3A_130] : memref<200x32xf32, #tpu.memory_space<vmem>>[vector<16xi32>, vector<16xi32>], vector<16xf32>,
      %bitcast3A_136 = vector.bitcast %gather3A_135 : vector<16xf32> to vector<16xi32>
      %and3A_137 = arith.constant 8388607 : i32
      %and3A_138 = vector.broadcast %and3A_137 : i32 to vector<16xi32>
      %and3A_139 = arith.andi %bitcast3A_136, %and3A_138 : vector<16xi32>
      %mul3A_140 = arith.constant 2 : i32
      %mul3A_141 = vector.broadcast %mul3A_140 : i32 to vector<16xi32>
      %mul3A_142 = arith.muli %and3A_139, %mul3A_141 : vector<16xi32>
      %mul3A_143 = arith.constant 16 : i32
      %mul3A_144 = arith.muli %scan3A_123, %mul3A_143 : i32
      %swap3A_145 = arith.index_cast %mul3A_144 : i32 to index
      %swap3A_146 = tpu.vector_load %arg9[%swap3A_145] {strides = array<i32>} : memref<6400xi32, #tpu.memory_space<vmem>>, vector<16xi32>,
      tpu.vector_store %arg9[%swap3A_145], %mul3A_142 {strides = array<i32>} : memref<6400xi32, #tpu.memory_space<vmem>>, vector<16xi32>,
      %scan3A_147 = arith.constant 4 : i32
      %scan3A_148 = arith.addi %scan3A_54, %scan3A_147 : i32
      %mul3A_149 = arith.constant 16 : i32
      %mul3A_150 = arith.muli %scan3A_148, %mul3A_149 : i32
      %add3A_151 = vector.broadcast %mul3A_150 : i32 to vector<16xi32>
      %add3A_152 = arith.addi %iota3A, %add3A_151 : vector<16xi32>
      %div3A_153 = arith.constant 200 : i32
      %div3A_154 = vector.broadcast %div3A_153 : i32 to vector<16xi32>
      %div3A_155 = arith.divsi %add3A_152, %div3A_154 : vector<16xi32>
      %mul3A_156 = arith.constant 200 : i32
      %mul3A_157 = vector.broadcast %mul3A_156 : i32 to vector<16xi32>
      %mul3A_158 = arith.muli %div3A_155, %mul3A_157 : vector<16xi32>
      %sub3A_159 = arith.subi %add3A_152, %mul3A_158 : vector<16xi32>
      %gather3A_160 = tpu.vector_load_idx %arg8[%sub3A_159, %div3A_155] : memref<200x32xf32, #tpu.memory_space<vmem>>[vector<16xi32>, vector<16xi32>], vector<16xf32>,
      %bitcast3A_161 = vector.bitcast %gather3A_160 : vector<16xf32> to vector<16xi32>
      %and3A_162 = arith.constant 8388607 : i32
      %and3A_163 = vector.broadcast %and3A_162 : i32 to vector<16xi32>
      %and3A_164 = arith.andi %bitcast3A_161, %and3A_163 : vector<16xi32>
      %mul3A_165 = arith.constant 2 : i32
      %mul3A_166 = vector.broadcast %mul3A_165 : i32 to vector<16xi32>
      %mul3A_167 = arith.muli %and3A_164, %mul3A_166 : vector<16xi32>
      %mul3A_168 = arith.constant 16 : i32
      %mul3A_169 = arith.muli %scan3A_148, %mul3A_168 : i32
      %swap3A_170 = arith.index_cast %mul3A_169 : i32 to index
      %swap3A_171 = tpu.vector_load %arg9[%swap3A_170] {strides = array<i32>} : memref<6400xi32, #tpu.memory_space<vmem>>, vector<16xi32>,
      tpu.vector_store %arg9[%swap3A_170], %mul3A_167 {strides = array<i32>} : memref<6400xi32, #tpu.memory_space<vmem>>, vector<16xi32>,
      %scan3A_172 = arith.constant 5 : i32
      %scan3A_173 = arith.addi %scan3A_54, %scan3A_172 : i32
      %mul3A_174 = arith.constant 16 : i32
      %mul3A_175 = arith.muli %scan3A_173, %mul3A_174 : i32
      %add3A_176 = vector.broadcast %mul3A_175 : i32 to vector<16xi32>
      %add3A_177 = arith.addi %iota3A, %add3A_176 : vector<16xi32>
      %div3A_178 = arith.constant 200 : i32
      %div3A_179 = vector.broadcast %div3A_178 : i32 to vector<16xi32>
      %div3A_180 = arith.divsi %add3A_177, %div3A_179 : vector<16xi32>
      %mul3A_181 = arith.constant 200 : i32
      %mul3A_182 = vector.broadcast %mul3A_181 : i32 to vector<16xi32>
      %mul3A_183 = arith.muli %div3A_180, %mul3A_182 : vector<16xi32>
      %sub3A_184 = arith.subi %add3A_177, %mul3A_183 : vector<16xi32>
      %gather3A_185 = tpu.vector_load_idx %arg8[%sub3A_184, %div3A_180] : memref<200x32xf32, #tpu.memory_space<vmem>>[vector<16xi32>, vector<16xi32>], vector<16xf32>,
      %bitcast3A_186 = vector.bitcast %gather3A_185 : vector<16xf32> to vector<16xi32>
      %and3A_187 = arith.constant 8388607 : i32
      %and3A_188 = vector.broadcast %and3A_187 : i32 to vector<16xi32>
      %and3A_189 = arith.andi %bitcast3A_186, %and3A_188 : vector<16xi32>
      %mul3A_190 = arith.constant 2 : i32
      %mul3A_191 = vector.broadcast %mul3A_190 : i32 to vector<16xi32>
      %mul3A_192 = arith.muli %and3A_189, %mul3A_191 : vector<16xi32>
      %mul3A_193 = arith.constant 16 : i32
      %mul3A_194 = arith.muli %scan3A_173, %mul3A_193 : i32
      %swap3A_195 = arith.index_cast %mul3A_194 : i32 to index
      %swap3A_196 = tpu.vector_load %arg9[%swap3A_195] {strides = array<i32>} : memref<6400xi32, #tpu.memory_space<vmem>>, vector<16xi32>,
      tpu.vector_store %arg9[%swap3A_195], %mul3A_192 {strides = array<i32>} : memref<6400xi32, #tpu.memory_space<vmem>>, vector<16xi32>,
      %scan3A_197 = arith.constant 6 : i32
      %scan3A_198 = arith.addi %scan3A_54, %scan3A_197 : i32
      %mul3A_199 = arith.constant 16 : i32
      %mul3A_200 = arith.muli %scan3A_198, %mul3A_199 : i32
      %add3A_201 = vector.broadcast %mul3A_200 : i32 to vector<16xi32>
      %add3A_202 = arith.addi %iota3A, %add3A_201 : vector<16xi32>
      %div3A_203 = arith.constant 200 : i32
      %div3A_204 = vector.broadcast %div3A_203 : i32 to vector<16xi32>
      %div3A_205 = arith.divsi %add3A_202, %div3A_204 : vector<16xi32>
      %mul3A_206 = arith.constant 200 : i32
      %mul3A_207 = vector.broadcast %mul3A_206 : i32 to vector<16xi32>
      %mul3A_208 = arith.muli %div3A_205, %mul3A_207 : vector<16xi32>
      %sub3A_209 = arith.subi %add3A_202, %mul3A_208 : vector<16xi32>
      %gather3A_210 = tpu.vector_load_idx %arg8[%sub3A_209, %div3A_205] : memref<200x32xf32, #tpu.memory_space<vmem>>[vector<16xi32>, vector<16xi32>], vector<16xf32>,
      %bitcast3A_211 = vector.bitcast %gather3A_210 : vector<16xf32> to vector<16xi32>
      %and3A_212 = arith.constant 8388607 : i32
      %and3A_213 = vector.broadcast %and3A_212 : i32 to vector<16xi32>
      %and3A_214 = arith.andi %bitcast3A_211, %and3A_213 : vector<16xi32>
      %mul3A_215 = arith.constant 2 : i32
      %mul3A_216 = vector.broadcast %mul3A_215 : i32 to vector<16xi32>
      %mul3A_217 = arith.muli %and3A_214, %mul3A_216 : vector<16xi32>
      %mul3A_218 = arith.constant 16 : i32
      %mul3A_219 = arith.muli %scan3A_198, %mul3A_218 : i32
      %swap3A_220 = arith.index_cast %mul3A_219 : i32 to index
      %swap3A_221 = tpu.vector_load %arg9[%swap3A_220] {strides = array<i32>} : memref<6400xi32, #tpu.memory_space<vmem>>, vector<16xi32>,
      tpu.vector_store %arg9[%swap3A_220], %mul3A_217 {strides = array<i32>} : memref<6400xi32, #tpu.memory_space<vmem>>, vector<16xi32>,
      %scan3A_222 = arith.constant 7 : i32
      %scan3A_223 = arith.addi %scan3A_54, %scan3A_222 : i32
      %mul3A_224 = arith.constant 16 : i32
      %mul3A_225 = arith.muli %scan3A_223, %mul3A_224 : i32
      %add3A_226 = vector.broadcast %mul3A_225 : i32 to vector<16xi32>
      %add3A_227 = arith.addi %iota3A, %add3A_226 : vector<16xi32>
      %div3A_228 = arith.constant 200 : i32
      %div3A_229 = vector.broadcast %div3A_228 : i32 to vector<16xi32>
      %div3A_230 = arith.divsi %add3A_227, %div3A_229 : vector<16xi32>
      %mul3A_231 = arith.constant 200 : i32
      %mul3A_232 = vector.broadcast %mul3A_231 : i32 to vector<16xi32>
      %mul3A_233 = arith.muli %div3A_230, %mul3A_232 : vector<16xi32>
      %sub3A_234 = arith.subi %add3A_227, %mul3A_233 : vector<16xi32>
      %gather3A_235 = tpu.vector_load_idx %arg8[%sub3A_234, %div3A_230] : memref<200x32xf32, #tpu.memory_space<vmem>>[vector<16xi32>, vector<16xi32>], vector<16xf32>,
      %bitcast3A_236 = vector.bitcast %gather3A_235 : vector<16xf32> to vector<16xi32>
      %and3A_237 = arith.constant 8388607 : i32
      %and3A_238 = vector.broadcast %and3A_237 : i32 to vector<16xi32>
      %and3A_239 = arith.andi %bitcast3A_236, %and3A_238 : vector<16xi32>
      %mul3A_240 = arith.constant 2 : i32
      %mul3A_241 = vector.broadcast %mul3A_240 : i32 to vector<16xi32>
      %mul3A_242 = arith.muli %and3A_239, %mul3A_241 : vector<16xi32>
      %mul3A_243 = arith.constant 16 : i32
      %mul3A_244 = arith.muli %scan3A_223, %mul3A_243 : i32
      %swap3A_245 = arith.index_cast %mul3A_244 : i32 to index
      %swap3A_246 = tpu.vector_load %arg9[%swap3A_245] {strides = array<i32>} : memref<6400xi32, #tpu.memory_space<vmem>>, vector<16xi32>,
      tpu.vector_store %arg9[%swap3A_245], %mul3A_242 {strides = array<i32>} : memref<6400xi32, #tpu.memory_space<vmem>>, vector<16xi32>,
    }
    %scan3A_9 = arith.constant 400 : i32
    %scan3A_10 = arith.constant 0 : i32
    %scan3A_11 = arith.constant 0 : i32
    %scan3A_12 = arith.constant 200 : i32
    %scan3A_13 = arith.addi %scan3A_11, %scan3A_12 : i32
    %scan3A_14 = arith.constant 8 : i32
    scf.for %scan3A_54 = %scan3A_11 to %scan3A_13 step %scan3A_14  : i32 {
      %mul3A_55 = arith.constant 0 : i32
      %mul3A_56 = vector.broadcast %mul3A_55 : i32 to vector<16xi32>
      %mul3A_57 = arith.muli %iota3A, %mul3A_56 : vector<16xi32>
      %add3A_58 = vector.broadcast %scan3A_54 : i32 to vector<16xi32>
      %add3A_59 = arith.addi %mul3A_57, %add3A_58 : vector<16xi32>
      %add3A_60 = arith.constant 0 : i32
      %add3A_61 = vector.broadcast %add3A_60 : i32 to vector<16xi32>
      %add3A_62 = arith.addi %iota3A, %add3A_61 : vector<16xi32>
      %gather3A = tpu.vector_load_idx %arg7[%add3A_62, %add3A_59] : memref<64x200xf32, #tpu.memory_space<vmem>>[vector<16xi32>, vector<16xi32>], vector<16xf32>,
      %swap3A = arith.index_cast %scan3A_54 : i32 to index
      %swap3A_63 = arith.constant 0 : index
      %swap3A_64 = tpu.vector_load %arg6[%swap3A, %swap3A_63] {strides = array<i32>} : memref<200x64xf32, #tpu.memory_space<vmem>>, vector<16xf32>,
      tpu.vector_store %arg6[%swap3A, %swap3A_63], %gather3A {strides = array<i32>} : memref<200x64xf32, #tpu.memory_space<vmem>>, vector<16xf32>,
      %add3A_65 = arith.constant 16 : i32
      %add3A_66 = vector.broadcast %add3A_65 : i32 to vector<16xi32>
      %add3A_67 = arith.addi %iota3A, %add3A_66 : vector<16xi32>
      %gather3A_68 = tpu.vector_load_idx %arg7[%add3A_67, %add3A_59] : memref<64x200xf32, #tpu.memory_space<vmem>>[vector<16xi32>, vector<16xi32>], vector<16xf32>,
      %swap3A_69 = arith.index_cast %scan3A_54 : i32 to index
      %swap3A_70 = arith.constant 16 : index
      %swap3A_71 = tpu.vector_load %arg6[%swap3A_69, %swap3A_70] {strides = array<i32>} : memref<200x64xf32, #tpu.memory_space<vmem>>, vector<16xf32>,
      tpu.vector_store %arg6[%swap3A_69, %swap3A_70], %gather3A_68 {strides = array<i32>} : memref<200x64xf32, #tpu.memory_space<vmem>>, vector<16xf32>,
      %add3A_72 = arith.constant 32 : i32
      %add3A_73 = vector.broadcast %add3A_72 : i32 to vector<16xi32>
      %add3A_74 = arith.addi %iota3A, %add3A_73 : vector<16xi32>
      %gather3A_75 = tpu.vector_load_idx %arg7[%add3A_74, %add3A_59] : memref<64x200xf32, #tpu.memory_space<vmem>>[vector<16xi32>, vector<16xi32>], vector<16xf32>,
      %swap3A_76 = arith.index_cast %scan3A_54 : i32 to index
      %swap3A_77 = arith.constant 32 : index
      %swap3A_78 = tpu.vector_load %arg6[%swap3A_76, %swap3A_77] {strides = array<i32>} : memref<200x64xf32, #tpu.memory_space<vmem>>, vector<16xf32>,
      tpu.vector_store %arg6[%swap3A_76, %swap3A_77], %gather3A_75 {strides = array<i32>} : memref<200x64xf32, #tpu.memory_space<vmem>>, vector<16xf32>,
      %add3A_79 = arith.constant 48 : i32
      %add3A_80 = vector.broadcast %add3A_79 : i32 to vector<16xi32>
      %add3A_81 = arith.addi %iota3A, %add3A_80 : vector<16xi32>
      %gather3A_82 = tpu.vector_load_idx %arg7[%add3A_81, %add3A_59] : memref<64x200xf32, #tpu.memory_space<vmem>>[vector<16xi32>, vector<16xi32>], vector<16xf32>,
      %swap3A_83 = arith.index_cast %scan3A_54 : i32 to index
      %swap3A_84 = arith.constant 48 : index
      %swap3A_85 = tpu.vector_load %arg6[%swap3A_83, %swap3A_84] {strides = array<i32>} : memref<200x64xf32, #tpu.memory_space<vmem>>, vector<16xf32>,
      tpu.vector_store %arg6[%swap3A_83, %swap3A_84], %gather3A_82 {strides = array<i32>} : memref<200x64xf32, #tpu.memory_space<vmem>>, vector<16xf32>,
      %scan3A_86 = arith.constant 1 : i32
      %scan3A_87 = arith.addi %scan3A_54, %scan3A_86 : i32
      %mul3A_88 = arith.constant 0 : i32
      %mul3A_89 = vector.broadcast %mul3A_88 : i32 to vector<16xi32>
      %mul3A_90 = arith.muli %iota3A, %mul3A_89 : vector<16xi32>
      %add3A_91 = vector.broadcast %scan3A_87 : i32 to vector<16xi32>
      %add3A_92 = arith.addi %mul3A_90, %add3A_91 : vector<16xi32>
      %add3A_93 = arith.constant 0 : i32
      %add3A_94 = vector.broadcast %add3A_93 : i32 to vector<16xi32>
      %add3A_95 = arith.addi %iota3A, %add3A_94 : vector<16xi32>
      %gather3A_96 = tpu.vector_load_idx %arg7[%add3A_95, %add3A_92] : memref<64x200xf32, #tpu.memory_space<vmem>>[vector<16xi32>, vector<16xi32>], vector<16xf32>,
      %swap3A_97 = arith.index_cast %scan3A_87 : i32 to index
      %swap3A_98 = arith.constant 0 : index
      %swap3A_99 = tpu.vector_load %arg6[%swap3A_97, %swap3A_98] {strides = array<i32>} : memref<200x64xf32, #tpu.memory_space<vmem>>, vector<16xf32>,
      tpu.vector_store %arg6[%swap3A_97, %swap3A_98], %gather3A_96 {strides = array<i32>} : memref<200x64xf32, #tpu.memory_space<vmem>>, vector<16xf32>,
      %add3A_100 = arith.constant 16 : i32
      %add3A_101 = vector.broadcast %add3A_100 : i32 to vector<16xi32>
      %add3A_102 = arith.addi %iota3A, %add3A_101 : vector<16xi32>
      %gather3A_103 = tpu.vector_load_idx %arg7[%add3A_102, %add3A_92] : memref<64x200xf32, #tpu.memory_space<vmem>>[vector<16xi32>, vector<16xi32>], vector<16xf32>,
      %swap3A_104 = arith.index_cast %scan3A_87 : i32 to index
      %swap3A_105 = arith.constant 16 : index
      %swap3A_106 = tpu.vector_load %arg6[%swap3A_104, %swap3A_105] {strides = array<i32>} : memref<200x64xf32, #tpu.memory_space<vmem>>, vector<16xf32>,
      tpu.vector_store %arg6[%swap3A_104, %swap3A_105], %gather3A_103 {strides = array<i32>} : memref<200x64xf32, #tpu.memory_space<vmem>>, vector<16xf32>,
      %add3A_107 = arith.constant 32 : i32
      %add3A_108 = vector.broadcast %add3A_107 : i32 to vector<16xi32>
      %add3A_109 = arith.addi %iota3A, %add3A_108 : vector<16xi32>
      %gather3A_110 = tpu.vector_load_idx %arg7[%add3A_109, %add3A_92] : memref<64x200xf32, #tpu.memory_space<vmem>>[vector<16xi32>, vector<16xi32>], vector<16xf32>,
      %swap3A_111 = arith.index_cast %scan3A_87 : i32 to index
      %swap3A_112 = arith.constant 32 : index
      %swap3A_113 = tpu.vector_load %arg6[%swap3A_111, %swap3A_112] {strides = array<i32>} : memref<200x64xf32, #tpu.memory_space<vmem>>, vector<16xf32>,
      tpu.vector_store %arg6[%swap3A_111, %swap3A_112], %gather3A_110 {strides = array<i32>} : memref<200x64xf32, #tpu.memory_space<vmem>>, vector<16xf32>,
      %add3A_114 = arith.constant 48 : i32
      %add3A_115 = vector.broadcast %add3A_114 : i32 to vector<16xi32>
      %add3A_116 = arith.addi %iota3A, %add3A_115 : vector<16xi32>
      %gather3A_117 = tpu.vector_load_idx %arg7[%add3A_116, %add3A_92] : memref<64x200xf32, #tpu.memory_space<vmem>>[vector<16xi32>, vector<16xi32>], vector<16xf32>,
      %swap3A_118 = arith.index_cast %scan3A_87 : i32 to index
      %swap3A_119 = arith.constant 48 : index
      %swap3A_120 = tpu.vector_load %arg6[%swap3A_118, %swap3A_119] {strides = array<i32>} : memref<200x64xf32, #tpu.memory_space<vmem>>, vector<16xf32>,
      tpu.vector_store %arg6[%swap3A_118, %swap3A_119], %gather3A_117 {strides = array<i32>} : memref<200x64xf32, #tpu.memory_space<vmem>>, vector<16xf32>,
      %scan3A_121 = arith.constant 2 : i32
      %scan3A_122 = arith.addi %scan3A_54, %scan3A_121 : i32
      %mul3A_123 = arith.constant 0 : i32
      %mul3A_124 = vector.broadcast %mul3A_123 : i32 to vector<16xi32>
      %mul3A_125 = arith.muli %iota3A, %mul3A_124 : vector<16xi32>
      %add3A_126 = vector.broadcast %scan3A_122 : i32 to vector<16xi32>
      %add3A_127 = arith.addi %mul3A_125, %add3A_126 : vector<16xi32>
      %add3A_128 = arith.constant 0 : i32
      %add3A_129 = vector.broadcast %add3A_128 : i32 to vector<16xi32>
      %add3A_130 = arith.addi %iota3A, %add3A_129 : vector<16xi32>
      %gather3A_131 = tpu.vector_load_idx %arg7[%add3A_130, %add3A_127] : memref<64x200xf32, #tpu.memory_space<vmem>>[vector<16xi32>, vector<16xi32>], vector<16xf32>,
      %swap3A_132 = arith.index_cast %scan3A_122 : i32 to index
      %swap3A_133 = arith.constant 0 : index
      %swap3A_134 = tpu.vector_load %arg6[%swap3A_132, %swap3A_133] {strides = array<i32>} : memref<200x64xf32, #tpu.memory_space<vmem>>, vector<16xf32>,
      tpu.vector_store %arg6[%swap3A_132, %swap3A_133], %gather3A_131 {strides = array<i32>} : memref<200x64xf32, #tpu.memory_space<vmem>>, vector<16xf32>,
      %add3A_135 = arith.constant 16 : i32
      %add3A_136 = vector.broadcast %add3A_135 : i32 to vector<16xi32>
      %add3A_137 = arith.addi %iota3A, %add3A_136 : vector<16xi32>
      %gather3A_138 = tpu.vector_load_idx %arg7[%add3A_137, %add3A_127] : memref<64x200xf32, #tpu.memory_space<vmem>>[vector<16xi32>, vector<16xi32>], vector<16xf32>,
      %swap3A_139 = arith.index_cast %scan3A_122 : i32 to index
      %swap3A_140 = arith.constant 16 : index
      %swap3A_141 = tpu.vector_load %arg6[%swap3A_139, %swap3A_140] {strides = array<i32>} : memref<200x64xf32, #tpu.memory_space<vmem>>, vector<16xf32>,
      tpu.vector_store %arg6[%swap3A_139, %swap3A_140], %gather3A_138 {strides = array<i32>} : memref<200x64xf32, #tpu.memory_space<vmem>>, vector<16xf32>,
      %add3A_142 = arith.constant 32 : i32
      %add3A_143 = vector.broadcast %add3A_142 : i32 to vector<16xi32>
      %add3A_144 = arith.addi %iota3A, %add3A_143 : vector<16xi32>
      %gather3A_145 = tpu.vector_load_idx %arg7[%add3A_144, %add3A_127] : memref<64x200xf32, #tpu.memory_space<vmem>>[vector<16xi32>, vector<16xi32>], vector<16xf32>,
      %swap3A_146 = arith.index_cast %scan3A_122 : i32 to index
      %swap3A_147 = arith.constant 32 : index
      %swap3A_148 = tpu.vector_load %arg6[%swap3A_146, %swap3A_147] {strides = array<i32>} : memref<200x64xf32, #tpu.memory_space<vmem>>, vector<16xf32>,
      tpu.vector_store %arg6[%swap3A_146, %swap3A_147], %gather3A_145 {strides = array<i32>} : memref<200x64xf32, #tpu.memory_space<vmem>>, vector<16xf32>,
      %add3A_149 = arith.constant 48 : i32
      %add3A_150 = vector.broadcast %add3A_149 : i32 to vector<16xi32>
      %add3A_151 = arith.addi %iota3A, %add3A_150 : vector<16xi32>
      %gather3A_152 = tpu.vector_load_idx %arg7[%add3A_151, %add3A_127] : memref<64x200xf32, #tpu.memory_space<vmem>>[vector<16xi32>, vector<16xi32>], vector<16xf32>,
      %swap3A_153 = arith.index_cast %scan3A_122 : i32 to index
      %swap3A_154 = arith.constant 48 : index
      %swap3A_155 = tpu.vector_load %arg6[%swap3A_153, %swap3A_154] {strides = array<i32>} : memref<200x64xf32, #tpu.memory_space<vmem>>, vector<16xf32>,
      tpu.vector_store %arg6[%swap3A_153, %swap3A_154], %gather3A_152 {strides = array<i32>} : memref<200x64xf32, #tpu.memory_space<vmem>>, vector<16xf32>,
      %scan3A_156 = arith.constant 3 : i32
      %scan3A_157 = arith.addi %scan3A_54, %scan3A_156 : i32
      %mul3A_158 = arith.constant 0 : i32
      %mul3A_159 = vector.broadcast %mul3A_158 : i32 to vector<16xi32>
      %mul3A_160 = arith.muli %iota3A, %mul3A_159 : vector<16xi32>
      %add3A_161 = vector.broadcast %scan3A_157 : i32 to vector<16xi32>
      %add3A_162 = arith.addi %mul3A_160, %add3A_161 : vector<16xi32>
      %add3A_163 = arith.constant 0 : i32
      %add3A_164 = vector.broadcast %add3A_163 : i32 to vector<16xi32>
      %add3A_165 = arith.addi %iota3A, %add3A_164 : vector<16xi32>
      %gather3A_166 = tpu.vector_load_idx %arg7[%add3A_165, %add3A_162] : memref<64x200xf32, #tpu.memory_space<vmem>>[vector<16xi32>, vector<16xi32>], vector<16xf32>,
      %swap3A_167 = arith.index_cast %scan3A_157 : i32 to index
      %swap3A_168 = arith.constant 0 : index
      %swap3A_169 = tpu.vector_load %arg6[%swap3A_167, %swap3A_168] {strides = array<i32>} : memref<200x64xf32, #tpu.memory_space<vmem>>, vector<16xf32>,
      tpu.vector_store %arg6[%swap3A_167, %swap3A_168], %gather3A_166 {strides = array<i32>} : memref<200x64xf32, #tpu.memory_space<vmem>>, vector<16xf32>,
      %add3A_170 = arith.constant 16 : i32
      %add3A_171 = vector.broadcast %add3A_170 : i32 to vector<16xi32>
      %add3A_172 = arith.addi %iota3A, %add3A_171 : vector<16xi32>
      %gather3A_173 = tpu.vector_load_idx %arg7[%add3A_172, %add3A_162] : memref<64x200xf32, #tpu.memory_space<vmem>>[vector<16xi32>, vector<16xi32>], vector<16xf32>,
      %swap3A_174 = arith.index_cast %scan3A_157 : i32 to index
      %swap3A_175 = arith.constant 16 : index
      %swap3A_176 = tpu.vector_load %arg6[%swap3A_174, %swap3A_175] {strides = array<i32>} : memref<200x64xf32, #tpu.memory_space<vmem>>, vector<16xf32>,
      tpu.vector_store %arg6[%swap3A_174, %swap3A_175], %gather3A_173 {strides = array<i32>} : memref<200x64xf32, #tpu.memory_space<vmem>>, vector<16xf32>,
      %add3A_177 = arith.constant 32 : i32
      %add3A_178 = vector.broadcast %add3A_177 : i32 to vector<16xi32>
      %add3A_179 = arith.addi %iota3A, %add3A_178 : vector<16xi32>
      %gather3A_180 = tpu.vector_load_idx %arg7[%add3A_179, %add3A_162] : memref<64x200xf32, #tpu.memory_space<vmem>>[vector<16xi32>, vector<16xi32>], vector<16xf32>,
      %swap3A_181 = arith.index_cast %scan3A_157 : i32 to index
      %swap3A_182 = arith.constant 32 : index
      %swap3A_183 = tpu.vector_load %arg6[%swap3A_181, %swap3A_182] {strides = array<i32>} : memref<200x64xf32, #tpu.memory_space<vmem>>, vector<16xf32>,
      tpu.vector_store %arg6[%swap3A_181, %swap3A_182], %gather3A_180 {strides = array<i32>} : memref<200x64xf32, #tpu.memory_space<vmem>>, vector<16xf32>,
      %add3A_184 = arith.constant 48 : i32
      %add3A_185 = vector.broadcast %add3A_184 : i32 to vector<16xi32>
      %add3A_186 = arith.addi %iota3A, %add3A_185 : vector<16xi32>
      %gather3A_187 = tpu.vector_load_idx %arg7[%add3A_186, %add3A_162] : memref<64x200xf32, #tpu.memory_space<vmem>>[vector<16xi32>, vector<16xi32>], vector<16xf32>,
      %swap3A_188 = arith.index_cast %scan3A_157 : i32 to index
      %swap3A_189 = arith.constant 48 : index
      %swap3A_190 = tpu.vector_load %arg6[%swap3A_188, %swap3A_189] {strides = array<i32>} : memref<200x64xf32, #tpu.memory_space<vmem>>, vector<16xf32>,
      tpu.vector_store %arg6[%swap3A_188, %swap3A_189], %gather3A_187 {strides = array<i32>} : memref<200x64xf32, #tpu.memory_space<vmem>>, vector<16xf32>,
      %scan3A_191 = arith.constant 4 : i32
      %scan3A_192 = arith.addi %scan3A_54, %scan3A_191 : i32
      %mul3A_193 = arith.constant 0 : i32
      %mul3A_194 = vector.broadcast %mul3A_193 : i32 to vector<16xi32>
      %mul3A_195 = arith.muli %iota3A, %mul3A_194 : vector<16xi32>
      %add3A_196 = vector.broadcast %scan3A_192 : i32 to vector<16xi32>
      %add3A_197 = arith.addi %mul3A_195, %add3A_196 : vector<16xi32>
      %add3A_198 = arith.constant 0 : i32
      %add3A_199 = vector.broadcast %add3A_198 : i32 to vector<16xi32>
      %add3A_200 = arith.addi %iota3A, %add3A_199 : vector<16xi32>
      %gather3A_201 = tpu.vector_load_idx %arg7[%add3A_200, %add3A_197] : memref<64x200xf32, #tpu.memory_space<vmem>>[vector<16xi32>, vector<16xi32>], vector<16xf32>,
      %swap3A_202 = arith.index_cast %scan3A_192 : i32 to index
      %swap3A_203 = arith.constant 0 : index
      %swap3A_204 = tpu.vector_load %arg6[%swap3A_202, %swap3A_203] {strides = array<i32>} : memref<200x64xf32, #tpu.memory_space<vmem>>, vector<16xf32>,
      tpu.vector_store %arg6[%swap3A_202, %swap3A_203], %gather3A_201 {strides = array<i32>} : memref<200x64xf32, #tpu.memory_space<vmem>>, vector<16xf32>,
      %add3A_205 = arith.constant 16 : i32
      %add3A_206 = vector.broadcast %add3A_205 : i32 to vector<16xi32>
      %add3A_207 = arith.addi %iota3A, %add3A_206 : vector<16xi32>
      %gather3A_208 = tpu.vector_load_idx %arg7[%add3A_207, %add3A_197] : memref<64x200xf32, #tpu.memory_space<vmem>>[vector<16xi32>, vector<16xi32>], vector<16xf32>,
      %swap3A_209 = arith.index_cast %scan3A_192 : i32 to index
      %swap3A_210 = arith.constant 16 : index
      %swap3A_211 = tpu.vector_load %arg6[%swap3A_209, %swap3A_210] {strides = array<i32>} : memref<200x64xf32, #tpu.memory_space<vmem>>, vector<16xf32>,
      tpu.vector_store %arg6[%swap3A_209, %swap3A_210], %gather3A_208 {strides = array<i32>} : memref<200x64xf32, #tpu.memory_space<vmem>>, vector<16xf32>,
      %add3A_212 = arith.constant 32 : i32
      %add3A_213 = vector.broadcast %add3A_212 : i32 to vector<16xi32>
      %add3A_214 = arith.addi %iota3A, %add3A_213 : vector<16xi32>
      %gather3A_215 = tpu.vector_load_idx %arg7[%add3A_214, %add3A_197] : memref<64x200xf32, #tpu.memory_space<vmem>>[vector<16xi32>, vector<16xi32>], vector<16xf32>,
      %swap3A_216 = arith.index_cast %scan3A_192 : i32 to index
      %swap3A_217 = arith.constant 32 : index
      %swap3A_218 = tpu.vector_load %arg6[%swap3A_216, %swap3A_217] {strides = array<i32>} : memref<200x64xf32, #tpu.memory_space<vmem>>, vector<16xf32>,
      tpu.vector_store %arg6[%swap3A_216, %swap3A_217], %gather3A_215 {strides = array<i32>} : memref<200x64xf32, #tpu.memory_space<vmem>>, vector<16xf32>,
      %add3A_219 = arith.constant 48 : i32
      %add3A_220 = vector.broadcast %add3A_219 : i32 to vector<16xi32>
      %add3A_221 = arith.addi %iota3A, %add3A_220 : vector<16xi32>
      %gather3A_222 = tpu.vector_load_idx %arg7[%add3A_221, %add3A_197] : memref<64x200xf32, #tpu.memory_space<vmem>>[vector<16xi32>, vector<16xi32>], vector<16xf32>,
      %swap3A_223 = arith.index_cast %scan3A_192 : i32 to index
      %swap3A_224 = arith.constant 48 : index
      %swap3A_225 = tpu.vector_load %arg6[%swap3A_223, %swap3A_224] {strides = array<i32>} : memref<200x64xf32, #tpu.memory_space<vmem>>, vector<16xf32>,
      tpu.vector_store %arg6[%swap3A_223, %swap3A_224], %gather3A_222 {strides = array<i32>} : memref<200x64xf32, #tpu.memory_space<vmem>>, vector<16xf32>,
      %scan3A_226 = arith.constant 5 : i32
      %scan3A_227 = arith.addi %scan3A_54, %scan3A_226 : i32
      %mul3A_228 = arith.constant 0 : i32
      %mul3A_229 = vector.broadcast %mul3A_228 : i32 to vector<16xi32>
      %mul3A_230 = arith.muli %iota3A, %mul3A_229 : vector<16xi32>
      %add3A_231 = vector.broadcast %scan3A_227 : i32 to vector<16xi32>
      %add3A_232 = arith.addi %mul3A_230, %add3A_231 : vector<16xi32>
      %add3A_233 = arith.constant 0 : i32
      %add3A_234 = vector.broadcast %add3A_233 : i32 to vector<16xi32>
      %add3A_235 = arith.addi %iota3A, %add3A_234 : vector<16xi32>
      %gather3A_236 = tpu.vector_load_idx %arg7[%add3A_235, %add3A_232] : memref<64x200xf32, #tpu.memory_space<vmem>>[vector<16xi32>, vector<16xi32>], vector<16xf32>,
      %swap3A_237 = arith.index_cast %scan3A_227 : i32 to index
      %swap3A_238 = arith.constant 0 : index
      %swap3A_239 = tpu.vector_load %arg6[%swap3A_237, %swap3A_238] {strides = array<i32>} : memref<200x64xf32, #tpu.memory_space<vmem>>, vector<16xf32>,
      tpu.vector_store %arg6[%swap3A_237, %swap3A_238], %gather3A_236 {strides = array<i32>} : memref<200x64xf32, #tpu.memory_space<vmem>>, vector<16xf32>,
      %add3A_240 = arith.constant 16 : i32
      %add3A_241 = vector.broadcast %add3A_240 : i32 to vector<16xi32>
      %add3A_242 = arith.addi %iota3A, %add3A_241 : vector<16xi32>
      %gather3A_243 = tpu.vector_load_idx %arg7[%add3A_242, %add3A_232] : memref<64x200xf32, #tpu.memory_space<vmem>>[vector<16xi32>, vector<16xi32>], vector<16xf32>,
      %swap3A_244 = arith.index_cast %scan3A_227 : i32 to index
      %swap3A_245 = arith.constant 16 : index
      %swap3A_246 = tpu.vector_load %arg6[%swap3A_244, %swap3A_245] {strides = array<i32>} : memref<200x64xf32, #tpu.memory_space<vmem>>, vector<16xf32>,
      tpu.vector_store %arg6[%swap3A_244, %swap3A_245], %gather3A_243 {strides = array<i32>} : memref<200x64xf32, #tpu.memory_space<vmem>>, vector<16xf32>,
      %add3A_247 = arith.constant 32 : i32
      %add3A_248 = vector.broadcast %add3A_247 : i32 to vector<16xi32>
      %add3A_249 = arith.addi %iota3A, %add3A_248 : vector<16xi32>
      %gather3A_250 = tpu.vector_load_idx %arg7[%add3A_249, %add3A_232] : memref<64x200xf32, #tpu.memory_space<vmem>>[vector<16xi32>, vector<16xi32>], vector<16xf32>,
      %swap3A_251 = arith.index_cast %scan3A_227 : i32 to index
      %swap3A_252 = arith.constant 32 : index
      %swap3A_253 = tpu.vector_load %arg6[%swap3A_251, %swap3A_252] {strides = array<i32>} : memref<200x64xf32, #tpu.memory_space<vmem>>, vector<16xf32>,
      tpu.vector_store %arg6[%swap3A_251, %swap3A_252], %gather3A_250 {strides = array<i32>} : memref<200x64xf32, #tpu.memory_space<vmem>>, vector<16xf32>,
      %add3A_254 = arith.constant 48 : i32
      %add3A_255 = vector.broadcast %add3A_254 : i32 to vector<16xi32>
      %add3A_256 = arith.addi %iota3A, %add3A_255 : vector<16xi32>
      %gather3A_257 = tpu.vector_load_idx %arg7[%add3A_256, %add3A_232] : memref<64x200xf32, #tpu.memory_space<vmem>>[vector<16xi32>, vector<16xi32>], vector<16xf32>,
      %swap3A_258 = arith.index_cast %scan3A_227 : i32 to index
      %swap3A_259 = arith.constant 48 : index
      %swap3A_260 = tpu.vector_load %arg6[%swap3A_258, %swap3A_259] {strides = array<i32>} : memref<200x64xf32, #tpu.memory_space<vmem>>, vector<16xf32>,
      tpu.vector_store %arg6[%swap3A_258, %swap3A_259], %gather3A_257 {strides = array<i32>} : memref<200x64xf32, #tpu.memory_space<vmem>>, vector<16xf32>,
      %scan3A_261 = arith.constant 6 : i32
      %scan3A_262 = arith.addi %scan3A_54, %scan3A_261 : i32
      %mul3A_263 = arith.constant 0 : i32
      %mul3A_264 = vector.broadcast %mul3A_263 : i32 to vector<16xi32>
      %mul3A_265 = arith.muli %iota3A, %mul3A_264 : vector<16xi32>
      %add3A_266 = vector.broadcast %scan3A_262 : i32 to vector<16xi32>
      %add3A_267 = arith.addi %mul3A_265, %add3A_266 : vector<16xi32>
      %add3A_268 = arith.constant 0 : i32
      %add3A_269 = vector.broadcast %add3A_268 : i32 to vector<16xi32>
      %add3A_270 = arith.addi %iota3A, %add3A_269 : vector<16xi32>
      %gather3A_271 = tpu.vector_load_idx %arg7[%add3A_270, %add3A_267] : memref<64x200xf32, #tpu.memory_space<vmem>>[vector<16xi32>, vector<16xi32>], vector<16xf32>,
      %swap3A_272 = arith.index_cast %scan3A_262 : i32 to index
      %swap3A_273 = arith.constant 0 : index
      %swap3A_274 = tpu.vector_load %arg6[%swap3A_272, %swap3A_273] {strides = array<i32>} : memref<200x64xf32, #tpu.memory_space<vmem>>, vector<16xf32>,
      tpu.vector_store %arg6[%swap3A_272, %swap3A_273], %gather3A_271 {strides = array<i32>} : memref<200x64xf32, #tpu.memory_space<vmem>>, vector<16xf32>,
      %add3A_275 = arith.constant 16 : i32
      %add3A_276 = vector.broadcast %add3A_275 : i32 to vector<16xi32>
      %add3A_277 = arith.addi %iota3A, %add3A_276 : vector<16xi32>
      %gather3A_278 = tpu.vector_load_idx %arg7[%add3A_277, %add3A_267] : memref<64x200xf32, #tpu.memory_space<vmem>>[vector<16xi32>, vector<16xi32>], vector<16xf32>,
      %swap3A_279 = arith.index_cast %scan3A_262 : i32 to index
      %swap3A_280 = arith.constant 16 : index
      %swap3A_281 = tpu.vector_load %arg6[%swap3A_279, %swap3A_280] {strides = array<i32>} : memref<200x64xf32, #tpu.memory_space<vmem>>, vector<16xf32>,
      tpu.vector_store %arg6[%swap3A_279, %swap3A_280], %gather3A_278 {strides = array<i32>} : memref<200x64xf32, #tpu.memory_space<vmem>>, vector<16xf32>,
      %add3A_282 = arith.constant 32 : i32
      %add3A_283 = vector.broadcast %add3A_282 : i32 to vector<16xi32>
      %add3A_284 = arith.addi %iota3A, %add3A_283 : vector<16xi32>
      %gather3A_285 = tpu.vector_load_idx %arg7[%add3A_284, %add3A_267] : memref<64x200xf32, #tpu.memory_space<vmem>>[vector<16xi32>, vector<16xi32>], vector<16xf32>,
      %swap3A_286 = arith.index_cast %scan3A_262 : i32 to index
      %swap3A_287 = arith.constant 32 : index
      %swap3A_288 = tpu.vector_load %arg6[%swap3A_286, %swap3A_287] {strides = array<i32>} : memref<200x64xf32, #tpu.memory_space<vmem>>, vector<16xf32>,
      tpu.vector_store %arg6[%swap3A_286, %swap3A_287], %gather3A_285 {strides = array<i32>} : memref<200x64xf32, #tpu.memory_space<vmem>>, vector<16xf32>,
      %add3A_289 = arith.constant 48 : i32
      %add3A_290 = vector.broadcast %add3A_289 : i32 to vector<16xi32>
      %add3A_291 = arith.addi %iota3A, %add3A_290 : vector<16xi32>
      %gather3A_292 = tpu.vector_load_idx %arg7[%add3A_291, %add3A_267] : memref<64x200xf32, #tpu.memory_space<vmem>>[vector<16xi32>, vector<16xi32>], vector<16xf32>,
      %swap3A_293 = arith.index_cast %scan3A_262 : i32 to index
      %swap3A_294 = arith.constant 48 : index
      %swap3A_295 = tpu.vector_load %arg6[%swap3A_293, %swap3A_294] {strides = array<i32>} : memref<200x64xf32, #tpu.memory_space<vmem>>, vector<16xf32>,
      tpu.vector_store %arg6[%swap3A_293, %swap3A_294], %gather3A_292 {strides = array<i32>} : memref<200x64xf32, #tpu.memory_space<vmem>>, vector<16xf32>,
      %scan3A_296 = arith.constant 7 : i32
      %scan3A_297 = arith.addi %scan3A_54, %scan3A_296 : i32
      %mul3A_298 = arith.constant 0 : i32
      %mul3A_299 = vector.broadcast %mul3A_298 : i32 to vector<16xi32>
      %mul3A_300 = arith.muli %iota3A, %mul3A_299 : vector<16xi32>
      %add3A_301 = vector.broadcast %scan3A_297 : i32 to vector<16xi32>
      %add3A_302 = arith.addi %mul3A_300, %add3A_301 : vector<16xi32>
      %add3A_303 = arith.constant 0 : i32
      %add3A_304 = vector.broadcast %add3A_303 : i32 to vector<16xi32>
      %add3A_305 = arith.addi %iota3A, %add3A_304 : vector<16xi32>
      %gather3A_306 = tpu.vector_load_idx %arg7[%add3A_305, %add3A_302] : memref<64x200xf32, #tpu.memory_space<vmem>>[vector<16xi32>, vector<16xi32>], vector<16xf32>,
      %swap3A_307 = arith.index_cast %scan3A_297 : i32 to index
      %swap3A_308 = arith.constant 0 : index
      %swap3A_309 = tpu.vector_load %arg6[%swap3A_307, %swap3A_308] {strides = array<i32>} : memref<200x64xf32, #tpu.memory_space<vmem>>, vector<16xf32>,
      tpu.vector_store %arg6[%swap3A_307, %swap3A_308], %gather3A_306 {strides = array<i32>} : memref<200x64xf32, #tpu.memory_space<vmem>>, vector<16xf32>,
      %add3A_310 = arith.constant 16 : i32
      %add3A_311 = vector.broadcast %add3A_310 : i32 to vector<16xi32>
      %add3A_312 = arith.addi %iota3A, %add3A_311 : vector<16xi32>
      %gather3A_313 = tpu.vector_load_idx %arg7[%add3A_312, %add3A_302] : memref<64x200xf32, #tpu.memory_space<vmem>>[vector<16xi32>, vector<16xi32>], vector<16xf32>,
      %swap3A_314 = arith.index_cast %scan3A_297 : i32 to index
      %swap3A_315 = arith.constant 16 : index
      %swap3A_316 = tpu.vector_load %arg6[%swap3A_314, %swap3A_315] {strides = array<i32>} : memref<200x64xf32, #tpu.memory_space<vmem>>, vector<16xf32>,
      tpu.vector_store %arg6[%swap3A_314, %swap3A_315], %gather3A_313 {strides = array<i32>} : memref<200x64xf32, #tpu.memory_space<vmem>>, vector<16xf32>,
      %add3A_317 = arith.constant 32 : i32
      %add3A_318 = vector.broadcast %add3A_317 : i32 to vector<16xi32>
      %add3A_319 = arith.addi %iota3A, %add3A_318 : vector<16xi32>
      %gather3A_320 = tpu.vector_load_idx %arg7[%add3A_319, %add3A_302] : memref<64x200xf32, #tpu.memory_space<vmem>>[vector<16xi32>, vector<16xi32>], vector<16xf32>,
      %swap3A_321 = arith.index_cast %scan3A_297 : i32 to index
      %swap3A_322 = arith.constant 32 : index
      %swap3A_323 = tpu.vector_load %arg6[%swap3A_321, %swap3A_322] {strides = array<i32>} : memref<200x64xf32, #tpu.memory_space<vmem>>, vector<16xf32>,
      tpu.vector_store %arg6[%swap3A_321, %swap3A_322], %gather3A_320 {strides = array<i32>} : memref<200x64xf32, #tpu.memory_space<vmem>>, vector<16xf32>,
      %add3A_324 = arith.constant 48 : i32
      %add3A_325 = vector.broadcast %add3A_324 : i32 to vector<16xi32>
      %add3A_326 = arith.addi %iota3A, %add3A_325 : vector<16xi32>
      %gather3A_327 = tpu.vector_load_idx %arg7[%add3A_326, %add3A_302] : memref<64x200xf32, #tpu.memory_space<vmem>>[vector<16xi32>, vector<16xi32>], vector<16xf32>,
      %swap3A_328 = arith.index_cast %scan3A_297 : i32 to index
      %swap3A_329 = arith.constant 48 : index
      %swap3A_330 = tpu.vector_load %arg6[%swap3A_328, %swap3A_329] {strides = array<i32>} : memref<200x64xf32, #tpu.memory_space<vmem>>, vector<16xf32>,
      tpu.vector_store %arg6[%swap3A_328, %swap3A_329], %gather3A_327 {strides = array<i32>} : memref<200x64xf32, #tpu.memory_space<vmem>>, vector<16xf32>,
    }
    %scan3A_15 = arith.constant 200 : i32
    %dma_start3A = arith.constant 0 : i32
    %dma_start3A_16 = tpu.memref_slice %arg9[%dma_start3A] : memref<6400xi32, #tpu.memory_space<vmem>> -> memref<80xi32, #tpu.memory_space<vmem>>
    %dma_start3A_17 = arith.constant 0 : i32
    %dma_start3A_18 = arith.constant 0 : i32
    %dma_start3A_19 = tpu.memref_slice %arg3[%dma_start3A_17, %dma_start3A_18] : memref<2000000x64xf32, #tpu.memory_space<hbm>> -> memref<2000000x64xf32, #tpu.memory_space<hbm>>
    tpu.enqueue_indirect_dma source(%dma_start3A_19 : memref<2000000x64xf32, #tpu.memory_space<hbm>>) target(%arg10 : memref<80x64xf32, #tpu.memory_space<vmem>>) offsets(%dma_start3A_16 : memref<80xi32, #tpu.memory_space<vmem>>) semaphore(%arg14 : memref<!tpu.dma_semaphore, #tpu.memory_space<semaphore_mem>>)
    %dma_start3A_20 = arith.constant 80 : i32
    %dma_start3A_21 = tpu.memref_slice %arg9[%dma_start3A_20] : memref<6400xi32, #tpu.memory_space<vmem>> -> memref<80xi32, #tpu.memory_space<vmem>>
    %dma_start3A_22 = arith.constant 0 : i32
    %dma_start3A_23 = arith.constant 0 : i32
    %dma_start3A_24 = tpu.memref_slice %arg3[%dma_start3A_22, %dma_start3A_23] : memref<2000000x64xf32, #tpu.memory_space<hbm>> -> memref<2000000x64xf32, #tpu.memory_space<hbm>>
    tpu.enqueue_indirect_dma source(%dma_start3A_24 : memref<2000000x64xf32, #tpu.memory_space<hbm>>) target(%arg11 : memref<80x64xf32, #tpu.memory_space<vmem>>) offsets(%dma_start3A_21 : memref<80xi32, #tpu.memory_space<vmem>>) semaphore(%arg15 : memref<!tpu.dma_semaphore, #tpu.memory_space<semaphore_mem>>)
    %scan3A_25 = arith.constant 0 : i32
    %scan3A_26 = arith.constant 0 : i32
    %scan3A_27 = arith.constant 20 : i32
    %scan3A_28 = arith.addi %scan3A_26, %scan3A_27 : i32
    %scan3A_29 = arith.constant 1 : i32
    scf.for %scan3A_54 = %scan3A_26 to %scan3A_28 step %scan3A_29  : i32 {
      %mul3A_55 = arith.constant 4 : i32
      %mul3A_56 = arith.muli %scan3A_54, %mul3A_55 : i32
      %add3A_57 = arith.constant 0 : i32
      %add3A_58 = arith.addi %mul3A_56, %add3A_57 : i32
      %add3A_59 = arith.constant 2 : i32
      %add3A_60 = arith.addi %add3A_58, %add3A_59 : i32
      %lt3A = arith.constant 80 : i32
      %lt3A_61 = arith.cmpi slt, %add3A_60, %lt3A : i32
      %convert_element_type3A = arith.extui %lt3A_61 : i1 to i32
      %cond3A = arith.constant 0 : i32
      %cond3A_62 = arith.cmpi ne, %convert_element_type3A, %cond3A : i32
      scf.if %cond3A_62 {
        %ge3A = arith.constant 2 : i32
        %ge3A_187 = arith.cmpi sge, %add3A_58, %ge3A : i32
        %convert_element_type3A_188 = arith.extui %ge3A_187 : i1 to i32
        %cond3A_189 = arith.constant 0 : i32
        %cond3A_190 = arith.cmpi ne, %convert_element_type3A_188, %cond3A_189 : i32
        scf.if %cond3A_190 {
          %dma_wait3A_199 = arith.constant 0 : i32
          %dma_wait3A_200 = arith.constant 0 : i32
          %dma_wait3A_201 = tpu.memref_slice %arg5[%dma_wait3A_199, %dma_wait3A_200] : memref<204800x64xf32, #tpu.memory_space<hbm>> -> memref<80x64xf32, #tpu.memory_space<hbm>>
          %dma_wait3A_202 = arith.constant 0 : i32
          %dma_wait3A_203 = arith.constant 0 : i32
          %dma_wait3A_204 = tpu.memref_slice %arg5[%dma_wait3A_202, %dma_wait3A_203] : memref<204800x64xf32, #tpu.memory_space<hbm>> -> memref<80x64xf32, #tpu.memory_space<hbm>>
          tpu.wait_dma2 semaphore(%arg20 : memref<!tpu.dma_semaphore, #tpu.memory_space<semaphore_mem>>) src(%arg12 : memref<80x64xf32, #tpu.memory_space<vmem>>) dst(%dma_wait3A_204 : memref<80x64xf32, #tpu.memory_space<hbm>>)
        } else {
        }
        %add3A_191 = arith.constant 2 : i32
        %add3A_192 = arith.addi %add3A_58, %add3A_191 : i32
        %mul3A_193 = arith.constant 80 : i32
        %mul3A_194 = arith.muli %add3A_192, %mul3A_193 : i32
        %dma_start3A_195 = tpu.memref_slice %arg9[%mul3A_194] : memref<6400xi32, #tpu.memory_space<vmem>> -> memref<80xi32, #tpu.memory_space<vmem>>
        %dma_start3A_196 = arith.constant 0 : i32
        %dma_start3A_197 = arith.constant 0 : i32
        %dma_start3A_198 = tpu.memref_slice %arg3[%dma_start3A_196, %dma_start3A_197] : memref<2000000x64xf32, #tpu.memory_space<hbm>> -> memref<2000000x64xf32, #tpu.memory_space<hbm>>
        tpu.enqueue_indirect_dma source(%dma_start3A_198 : memref<2000000x64xf32, #tpu.memory_space<hbm>>) target(%arg12 : memref<80x64xf32, #tpu.memory_space<vmem>>) offsets(%dma_start3A_195 : memref<80xi32, #tpu.memory_space<vmem>>) semaphore(%arg16 : memref<!tpu.dma_semaphore, #tpu.memory_space<semaphore_mem>>)
      } else {
      }
      %dma_wait3A_63 = arith.constant 0 : i32
      %dma_wait3A_64 = arith.constant 0 : i32
      %dma_wait3A_65 = tpu.memref_slice %arg3[%dma_wait3A_63, %dma_wait3A_64] : memref<2000000x64xf32, #tpu.memory_space<hbm>> -> memref<80x64xf32, #tpu.memory_space<hbm>>
      %dma_wait3A_66 = arith.constant 0 : i32
      %dma_wait3A_67 = arith.constant 0 : i32
      %dma_wait3A_68 = tpu.memref_slice %arg3[%dma_wait3A_66, %dma_wait3A_67] : memref<2000000x64xf32, #tpu.memory_space<hbm>> -> memref<80x64xf32, #tpu.memory_space<hbm>>
      tpu.wait_dma2 semaphore(%arg14 : memref<!tpu.dma_semaphore, #tpu.memory_space<semaphore_mem>>) src(%dma_wait3A_68 : memref<80x64xf32, #tpu.memory_space<hbm>>) dst(%arg10 : memref<80x64xf32, #tpu.memory_space<vmem>>)
      %mul3A_69 = arith.constant 80 : i32
      %mul3A_70 = arith.muli %add3A_58, %mul3A_69 : i32
      %rem3A = arith.constant 200 : i32
      %rem3A_71 = arith.remsi %mul3A_70, %rem3A : i32
      %scan3A_72 = arith.constant 0 : i32
      %scan3A_73 = arith.constant 0 : i32
      %scan3A_74 = arith.constant 80 : i32
      %scan3A_75 = arith.addi %scan3A_73, %scan3A_74 : i32
      %scan3A_76 = arith.constant 8 : i32
      scf.for %scan3A_187 = %scan3A_73 to %scan3A_75 step %scan3A_76  : i32 {
        %add3A_188 = arith.addi %rem3A_71, %scan3A_187 : i32
        %rem3A_189 = arith.constant 200 : i32
        %rem3A_190 = arith.remsi %add3A_188, %rem3A_189 : i32
        %get3A = arith.index_cast %rem3A_190 : i32 to index
        %get3A_191 = arith.constant 0 : index
        %get3A_192 = tpu.vector_load %arg6[%get3A, %get3A_191] {strides = array<i32>} : memref<200x64xf32, #tpu.memory_space<vmem>>, vector<16xf32>,
        %swap3A = arith.index_cast %scan3A_187 : i32 to index
        %swap3A_193 = arith.constant 0 : index
        %swap3A_194 = tpu.vector_load %arg10[%swap3A, %swap3A_193] {strides = array<i32>} : memref<80x64xf32, #tpu.memory_space<vmem>>, vector<16xf32>,
        tpu.vector_store %arg10[%swap3A, %swap3A_193], %get3A_192 {add = true, strides = array<i32>} : memref<80x64xf32, #tpu.memory_space<vmem>>, vector<16xf32>,
        %get3A_195 = arith.index_cast %rem3A_190 : i32 to index
        %get3A_196 = arith.constant 16 : index
        %get3A_197 = tpu.vector_load %arg6[%get3A_195, %get3A_196] {strides = array<i32>} : memref<200x64xf32, #tpu.memory_space<vmem>>, vector<16xf32>,
        %swap3A_198 = arith.index_cast %scan3A_187 : i32 to index
        %swap3A_199 = arith.constant 16 : index
        %swap3A_200 = tpu.vector_load %arg10[%swap3A_198, %swap3A_199] {strides = array<i32>} : memref<80x64xf32, #tpu.memory_space<vmem>>, vector<16xf32>,
        tpu.vector_store %arg10[%swap3A_198, %swap3A_199], %get3A_197 {add = true, strides = array<i32>} : memref<80x64xf32, #tpu.memory_space<vmem>>, vector<16xf32>,
        %get3A_201 = arith.index_cast %rem3A_190 : i32 to index
        %get3A_202 = arith.constant 32 : index
        %get3A_203 = tpu.vector_load %arg6[%get3A_201, %get3A_202] {strides = array<i32>} : memref<200x64xf32, #tpu.memory_space<vmem>>, vector<16xf32>,
        %swap3A_204 = arith.index_cast %scan3A_187 : i32 to index
        %swap3A_205 = arith.constant 32 : index
        %swap3A_206 = tpu.vector_load %arg10[%swap3A_204, %swap3A_205] {strides = array<i32>} : memref<80x64xf32, #tpu.memory_space<vmem>>, vector<16xf32>,
        tpu.vector_store %arg10[%swap3A_204, %swap3A_205], %get3A_203 {add = true, strides = array<i32>} : memref<80x64xf32, #tpu.memory_space<vmem>>, vector<16xf32>,
        %get3A_207 = arith.index_cast %rem3A_190 : i32 to index
        %get3A_208 = arith.constant 48 : index
        %get3A_209 = tpu.vector_load %arg6[%get3A_207, %get3A_208] {strides = array<i32>} : memref<200x64xf32, #tpu.memory_space<vmem>>, vector<16xf32>,
        %swap3A_210 = arith.index_cast %scan3A_187 : i32 to index
        %swap3A_211 = arith.constant 48 : index
        %swap3A_212 = tpu.vector_load %arg10[%swap3A_210, %swap3A_211] {strides = array<i32>} : memref<80x64xf32, #tpu.memory_space<vmem>>, vector<16xf32>,
        tpu.vector_store %arg10[%swap3A_210, %swap3A_211], %get3A_209 {add = true, strides = array<i32>} : memref<80x64xf32, #tpu.memory_space<vmem>>, vector<16xf32>,
        %scan3A_213 = arith.constant 1 : i32
        %scan3A_214 = arith.addi %scan3A_187, %scan3A_213 : i32
        %add3A_215 = arith.addi %rem3A_71, %scan3A_214 : i32
        %rem3A_216 = arith.constant 200 : i32
        %rem3A_217 = arith.remsi %add3A_215, %rem3A_216 : i32
        %get3A_218 = arith.index_cast %rem3A_217 : i32 to index
        %get3A_219 = arith.constant 0 : index
        %get3A_220 = tpu.vector_load %arg6[%get3A_218, %get3A_219] {strides = array<i32>} : memref<200x64xf32, #tpu.memory_space<vmem>>, vector<16xf32>,
        %swap3A_221 = arith.index_cast %scan3A_214 : i32 to index
        %swap3A_222 = arith.constant 0 : index
        %swap3A_223 = tpu.vector_load %arg10[%swap3A_221, %swap3A_222] {strides = array<i32>} : memref<80x64xf32, #tpu.memory_space<vmem>>, vector<16xf32>,
        tpu.vector_store %arg10[%swap3A_221, %swap3A_222], %get3A_220 {add = true, strides = array<i32>} : memref<80x64xf32, #tpu.memory_space<vmem>>, vector<16xf32>,
        %get3A_224 = arith.index_cast %rem3A_217 : i32 to index
        %get3A_225 = arith.constant 16 : index
        %get3A_226 = tpu.vector_load %arg6[%get3A_224, %get3A_225] {strides = array<i32>} : memref<200x64xf32, #tpu.memory_space<vmem>>, vector<16xf32>,
        %swap3A_227 = arith.index_cast %scan3A_214 : i32 to index
        %swap3A_228 = arith.constant 16 : index
        %swap3A_229 = tpu.vector_load %arg10[%swap3A_227, %swap3A_228] {strides = array<i32>} : memref<80x64xf32, #tpu.memory_space<vmem>>, vector<16xf32>,
        tpu.vector_store %arg10[%swap3A_227, %swap3A_228], %get3A_226 {add = true, strides = array<i32>} : memref<80x64xf32, #tpu.memory_space<vmem>>, vector<16xf32>,
        %get3A_230 = arith.index_cast %rem3A_217 : i32 to index
        %get3A_231 = arith.constant 32 : index
        %get3A_232 = tpu.vector_load %arg6[%get3A_230, %get3A_231] {strides = array<i32>} : memref<200x64xf32, #tpu.memory_space<vmem>>, vector<16xf32>,
        %swap3A_233 = arith.index_cast %scan3A_214 : i32 to index
        %swap3A_234 = arith.constant 32 : index
        %swap3A_235 = tpu.vector_load %arg10[%swap3A_233, %swap3A_234] {strides = array<i32>} : memref<80x64xf32, #tpu.memory_space<vmem>>, vector<16xf32>,
        tpu.vector_store %arg10[%swap3A_233, %swap3A_234], %get3A_232 {add = true, strides = array<i32>} : memref<80x64xf32, #tpu.memory_space<vmem>>, vector<16xf32>,
        %get3A_236 = arith.index_cast %rem3A_217 : i32 to index
        %get3A_237 = arith.constant 48 : index
        %get3A_238 = tpu.vector_load %arg6[%get3A_236, %get3A_237] {strides = array<i32>} : memref<200x64xf32, #tpu.memory_space<vmem>>, vector<16xf32>,
        %swap3A_239 = arith.index_cast %scan3A_214 : i32 to index
        %swap3A_240 = arith.constant 48 : index
        %swap3A_241 = tpu.vector_load %arg10[%swap3A_239, %swap3A_240] {strides = array<i32>} : memref<80x64xf32, #tpu.memory_space<vmem>>, vector<16xf32>,
        tpu.vector_store %arg10[%swap3A_239, %swap3A_240], %get3A_238 {add = true, strides = array<i32>} : memref<80x64xf32, #tpu.memory_space<vmem>>, vector<16xf32>,
        %scan3A_242 = arith.constant 2 : i32
        %scan3A_243 = arith.addi %scan3A_187, %scan3A_242 : i32
        %add3A_244 = arith.addi %rem3A_71, %scan3A_243 : i32
        %rem3A_245 = arith.constant 200 : i32
        %rem3A_246 = arith.remsi %add3A_244, %rem3A_245 : i32
        %get3A_247 = arith.index_cast %rem3A_246 : i32 to index
        %get3A_248 = arith.constant 0 : index
        %get3A_249 = tpu.vector_load %arg6[%get3A_247, %get3A_248] {strides = array<i32>} : memref<200x64xf32, #tpu.memory_space<vmem>>, vector<16xf32>,
        %swap3A_250 = arith.index_cast %scan3A_243 : i32 to index
        %swap3A_251 = arith.constant 0 : index
        %swap3A_252 = tpu.vector_load %arg10[%swap3A_250, %swap3A_251] {strides = array<i32>} : memref<80x64xf32, #tpu.memory_space<vmem>>, vector<16xf32>,
        tpu.vector_store %arg10[%swap3A_250, %swap3A_251], %get3A_249 {add = true, strides = array<i32>} : memref<80x64xf32, #tpu.memory_space<vmem>>, vector<16xf32>,
        %get3A_253 = arith.index_cast %rem3A_246 : i32 to index
        %get3A_254 = arith.constant 16 : index
        %get3A_255 = tpu.vector_load %arg6[%get3A_253, %get3A_254] {strides = array<i32>} : memref<200x64xf32, #tpu.memory_space<vmem>>, vector<16xf32>,
        %swap3A_256 = arith.index_cast %scan3A_243 : i32 to index
        %swap3A_257 = arith.constant 16 : index
        %swap3A_258 = tpu.vector_load %arg10[%swap3A_256, %swap3A_257] {strides = array<i32>} : memref<80x64xf32, #tpu.memory_space<vmem>>, vector<16xf32>,
        tpu.vector_store %arg10[%swap3A_256, %swap3A_257], %get3A_255 {add = true, strides = array<i32>} : memref<80x64xf32, #tpu.memory_space<vmem>>, vector<16xf32>,
        %get3A_259 = arith.index_cast %rem3A_246 : i32 to index
        %get3A_260 = arith.constant 32 : index
        %get3A_261 = tpu.vector_load %arg6[%get3A_259, %get3A_260] {strides = array<i32>} : memref<200x64xf32, #tpu.memory_space<vmem>>, vector<16xf32>,
        %swap3A_262 = arith.index_cast %scan3A_243 : i32 to index
        %swap3A_263 = arith.constant 32 : index
        %swap3A_264 = tpu.vector_load %arg10[%swap3A_262, %swap3A_263] {strides = array<i32>} : memref<80x64xf32, #tpu.memory_space<vmem>>, vector<16xf32>,
        tpu.vector_store %arg10[%swap3A_262, %swap3A_263], %get3A_261 {add = true, strides = array<i32>} : memref<80x64xf32, #tpu.memory_space<vmem>>, vector<16xf32>,
        %get3A_265 = arith.index_cast %rem3A_246 : i32 to index
        %get3A_266 = arith.constant 48 : index
        %get3A_267 = tpu.vector_load %arg6[%get3A_265, %get3A_266] {strides = array<i32>} : memref<200x64xf32, #tpu.memory_space<vmem>>, vector<16xf32>,
        %swap3A_268 = arith.index_cast %scan3A_243 : i32 to index
        %swap3A_269 = arith.constant 48 : index
        %swap3A_270 = tpu.vector_load %arg10[%swap3A_268, %swap3A_269] {strides = array<i32>} : memref<80x64xf32, #tpu.memory_space<vmem>>, vector<16xf32>,
        tpu.vector_store %arg10[%swap3A_268, %swap3A_269], %get3A_267 {add = true, strides = array<i32>} : memref<80x64xf32, #tpu.memory_space<vmem>>, vector<16xf32>,
        %scan3A_271 = arith.constant 3 : i32
        %scan3A_272 = arith.addi %scan3A_187, %scan3A_271 : i32
        %add3A_273 = arith.addi %rem3A_71, %scan3A_272 : i32
        %rem3A_274 = arith.constant 200 : i32
        %rem3A_275 = arith.remsi %add3A_273, %rem3A_274 : i32
        %get3A_276 = arith.index_cast %rem3A_275 : i32 to index
        %get3A_277 = arith.constant 0 : index
        %get3A_278 = tpu.vector_load %arg6[%get3A_276, %get3A_277] {strides = array<i32>} : memref<200x64xf32, #tpu.memory_space<vmem>>, vector<16xf32>,
        %swap3A_279 = arith.index_cast %scan3A_272 : i32 to index
        %swap3A_280 = arith.constant 0 : index
        %swap3A_281 = tpu.vector_load %arg10[%swap3A_279, %swap3A_280] {strides = array<i32>} : memref<80x64xf32, #tpu.memory_space<vmem>>, vector<16xf32>,
        tpu.vector_store %arg10[%swap3A_279, %swap3A_280], %get3A_278 {add = true, strides = array<i32>} : memref<80x64xf32, #tpu.memory_space<vmem>>, vector<16xf32>,
        %get3A_282 = arith.index_cast %rem3A_275 : i32 to index
        %get3A_283 = arith.constant 16 : index
        %get3A_284 = tpu.vector_load %arg6[%get3A_282, %get3A_283] {strides = array<i32>} : memref<200x64xf32, #tpu.memory_space<vmem>>, vector<16xf32>,
        %swap3A_285 = arith.index_cast %scan3A_272 : i32 to index
        %swap3A_286 = arith.constant 16 : index
        %swap3A_287 = tpu.vector_load %arg10[%swap3A_285, %swap3A_286] {strides = array<i32>} : memref<80x64xf32, #tpu.memory_space<vmem>>, vector<16xf32>,
        tpu.vector_store %arg10[%swap3A_285, %swap3A_286], %get3A_284 {add = true, strides = array<i32>} : memref<80x64xf32, #tpu.memory_space<vmem>>, vector<16xf32>,
        %get3A_288 = arith.index_cast %rem3A_275 : i32 to index
        %get3A_289 = arith.constant 32 : index
        %get3A_290 = tpu.vector_load %arg6[%get3A_288, %get3A_289] {strides = array<i32>} : memref<200x64xf32, #tpu.memory_space<vmem>>, vector<16xf32>,
        %swap3A_291 = arith.index_cast %scan3A_272 : i32 to index
        %swap3A_292 = arith.constant 32 : index
        %swap3A_293 = tpu.vector_load %arg10[%swap3A_291, %swap3A_292] {strides = array<i32>} : memref<80x64xf32, #tpu.memory_space<vmem>>, vector<16xf32>,
        tpu.vector_store %arg10[%swap3A_291, %swap3A_292], %get3A_290 {add = true, strides = array<i32>} : memref<80x64xf32, #tpu.memory_space<vmem>>, vector<16xf32>,
        %get3A_294 = arith.index_cast %rem3A_275 : i32 to index
        %get3A_295 = arith.constant 48 : index
        %get3A_296 = tpu.vector_load %arg6[%get3A_294, %get3A_295] {strides = array<i32>} : memref<200x64xf32, #tpu.memory_space<vmem>>, vector<16xf32>,
        %swap3A_297 = arith.index_cast %scan3A_272 : i32 to index
        %swap3A_298 = arith.constant 48 : index
        %swap3A_299 = tpu.vector_load %arg10[%swap3A_297, %swap3A_298] {strides = array<i32>} : memref<80x64xf32, #tpu.memory_space<vmem>>, vector<16xf32>,
        tpu.vector_store %arg10[%swap3A_297, %swap3A_298], %get3A_296 {add = true, strides = array<i32>} : memref<80x64xf32, #tpu.memory_space<vmem>>, vector<16xf32>,
        %scan3A_300 = arith.constant 4 : i32
        %scan3A_301 = arith.addi %scan3A_187, %scan3A_300 : i32
        %add3A_302 = arith.addi %rem3A_71, %scan3A_301 : i32
        %rem3A_303 = arith.constant 200 : i32
        %rem3A_304 = arith.remsi %add3A_302, %rem3A_303 : i32
        %get3A_305 = arith.index_cast %rem3A_304 : i32 to index
        %get3A_306 = arith.constant 0 : index
        %get3A_307 = tpu.vector_load %arg6[%get3A_305, %get3A_306] {strides = array<i32>} : memref<200x64xf32, #tpu.memory_space<vmem>>, vector<16xf32>,
        %swap3A_308 = arith.index_cast %scan3A_301 : i32 to index
        %swap3A_309 = arith.constant 0 : index
        %swap3A_310 = tpu.vector_load %arg10[%swap3A_308, %swap3A_309] {strides = array<i32>} : memref<80x64xf32, #tpu.memory_space<vmem>>, vector<16xf32>,
        tpu.vector_store %arg10[%swap3A_308, %swap3A_309], %get3A_307 {add = true, strides = array<i32>} : memref<80x64xf32, #tpu.memory_space<vmem>>, vector<16xf32>,
        %get3A_311 = arith.index_cast %rem3A_304 : i32 to index
        %get3A_312 = arith.constant 16 : index
        %get3A_313 = tpu.vector_load %arg6[%get3A_311, %get3A_312] {strides = array<i32>} : memref<200x64xf32, #tpu.memory_space<vmem>>, vector<16xf32>,
        %swap3A_314 = arith.index_cast %scan3A_301 : i32 to index
        %swap3A_315 = arith.constant 16 : index
        %swap3A_316 = tpu.vector_load %arg10[%swap3A_314, %swap3A_315] {strides = array<i32>} : memref<80x64xf32, #tpu.memory_space<vmem>>, vector<16xf32>,
        tpu.vector_store %arg10[%swap3A_314, %swap3A_315], %get3A_313 {add = true, strides = array<i32>} : memref<80x64xf32, #tpu.memory_space<vmem>>, vector<16xf32>,
        %get3A_317 = arith.index_cast %rem3A_304 : i32 to index
        %get3A_318 = arith.constant 32 : index
        %get3A_319 = tpu.vector_load %arg6[%get3A_317, %get3A_318] {strides = array<i32>} : memref<200x64xf32, #tpu.memory_space<vmem>>, vector<16xf32>,
        %swap3A_320 = arith.index_cast %scan3A_301 : i32 to index
        %swap3A_321 = arith.constant 32 : index
        %swap3A_322 = tpu.vector_load %arg10[%swap3A_320, %swap3A_321] {strides = array<i32>} : memref<80x64xf32, #tpu.memory_space<vmem>>, vector<16xf32>,
        tpu.vector_store %arg10[%swap3A_320, %swap3A_321], %get3A_319 {add = true, strides = array<i32>} : memref<80x64xf32, #tpu.memory_space<vmem>>, vector<16xf32>,
        %get3A_323 = arith.index_cast %rem3A_304 : i32 to index
        %get3A_324 = arith.constant 48 : index
        %get3A_325 = tpu.vector_load %arg6[%get3A_323, %get3A_324] {strides = array<i32>} : memref<200x64xf32, #tpu.memory_space<vmem>>, vector<16xf32>,
        %swap3A_326 = arith.index_cast %scan3A_301 : i32 to index
        %swap3A_327 = arith.constant 48 : index
        %swap3A_328 = tpu.vector_load %arg10[%swap3A_326, %swap3A_327] {strides = array<i32>} : memref<80x64xf32, #tpu.memory_space<vmem>>, vector<16xf32>,
        tpu.vector_store %arg10[%swap3A_326, %swap3A_327], %get3A_325 {add = true, strides = array<i32>} : memref<80x64xf32, #tpu.memory_space<vmem>>, vector<16xf32>,
        %scan3A_329 = arith.constant 5 : i32
        %scan3A_330 = arith.addi %scan3A_187, %scan3A_329 : i32
        %add3A_331 = arith.addi %rem3A_71, %scan3A_330 : i32
        %rem3A_332 = arith.constant 200 : i32
        %rem3A_333 = arith.remsi %add3A_331, %rem3A_332 : i32
        %get3A_334 = arith.index_cast %rem3A_333 : i32 to index
        %get3A_335 = arith.constant 0 : index
        %get3A_336 = tpu.vector_load %arg6[%get3A_334, %get3A_335] {strides = array<i32>} : memref<200x64xf32, #tpu.memory_space<vmem>>, vector<16xf32>,
        %swap3A_337 = arith.index_cast %scan3A_330 : i32 to index
        %swap3A_338 = arith.constant 0 : index
        %swap3A_339 = tpu.vector_load %arg10[%swap3A_337, %swap3A_338] {strides = array<i32>} : memref<80x64xf32, #tpu.memory_space<vmem>>, vector<16xf32>,
        tpu.vector_store %arg10[%swap3A_337, %swap3A_338], %get3A_336 {add = true, strides = array<i32>} : memref<80x64xf32, #tpu.memory_space<vmem>>, vector<16xf32>,
        %get3A_340 = arith.index_cast %rem3A_333 : i32 to index
        %get3A_341 = arith.constant 16 : index
        %get3A_342 = tpu.vector_load %arg6[%get3A_340, %get3A_341] {strides = array<i32>} : memref<200x64xf32, #tpu.memory_space<vmem>>, vector<16xf32>,
        %swap3A_343 = arith.index_cast %scan3A_330 : i32 to index
        %swap3A_344 = arith.constant 16 : index
        %swap3A_345 = tpu.vector_load %arg10[%swap3A_343, %swap3A_344] {strides = array<i32>} : memref<80x64xf32, #tpu.memory_space<vmem>>, vector<16xf32>,
        tpu.vector_store %arg10[%swap3A_343, %swap3A_344], %get3A_342 {add = true, strides = array<i32>} : memref<80x64xf32, #tpu.memory_space<vmem>>, vector<16xf32>,
        %get3A_346 = arith.index_cast %rem3A_333 : i32 to index
        %get3A_347 = arith.constant 32 : index
        %get3A_348 = tpu.vector_load %arg6[%get3A_346, %get3A_347] {strides = array<i32>} : memref<200x64xf32, #tpu.memory_space<vmem>>, vector<16xf32>,
        %swap3A_349 = arith.index_cast %scan3A_330 : i32 to index
        %swap3A_350 = arith.constant 32 : index
        %swap3A_351 = tpu.vector_load %arg10[%swap3A_349, %swap3A_350] {strides = array<i32>} : memref<80x64xf32, #tpu.memory_space<vmem>>, vector<16xf32>,
        tpu.vector_store %arg10[%swap3A_349, %swap3A_350], %get3A_348 {add = true, strides = array<i32>} : memref<80x64xf32, #tpu.memory_space<vmem>>, vector<16xf32>,
        %get3A_352 = arith.index_cast %rem3A_333 : i32 to index
        %get3A_353 = arith.constant 48 : index
        %get3A_354 = tpu.vector_load %arg6[%get3A_352, %get3A_353] {strides = array<i32>} : memref<200x64xf32, #tpu.memory_space<vmem>>, vector<16xf32>,
        %swap3A_355 = arith.index_cast %scan3A_330 : i32 to index
        %swap3A_356 = arith.constant 48 : index
        %swap3A_357 = tpu.vector_load %arg10[%swap3A_355, %swap3A_356] {strides = array<i32>} : memref<80x64xf32, #tpu.memory_space<vmem>>, vector<16xf32>,
        tpu.vector_store %arg10[%swap3A_355, %swap3A_356], %get3A_354 {add = true, strides = array<i32>} : memref<80x64xf32, #tpu.memory_space<vmem>>, vector<16xf32>,
        %scan3A_358 = arith.constant 6 : i32
        %scan3A_359 = arith.addi %scan3A_187, %scan3A_358 : i32
        %add3A_360 = arith.addi %rem3A_71, %scan3A_359 : i32
        %rem3A_361 = arith.constant 200 : i32
        %rem3A_362 = arith.remsi %add3A_360, %rem3A_361 : i32
        %get3A_363 = arith.index_cast %rem3A_362 : i32 to index
        %get3A_364 = arith.constant 0 : index
        %get3A_365 = tpu.vector_load %arg6[%get3A_363, %get3A_364] {strides = array<i32>} : memref<200x64xf32, #tpu.memory_space<vmem>>, vector<16xf32>,
        %swap3A_366 = arith.index_cast %scan3A_359 : i32 to index
        %swap3A_367 = arith.constant 0 : index
        %swap3A_368 = tpu.vector_load %arg10[%swap3A_366, %swap3A_367] {strides = array<i32>} : memref<80x64xf32, #tpu.memory_space<vmem>>, vector<16xf32>,
        tpu.vector_store %arg10[%swap3A_366, %swap3A_367], %get3A_365 {add = true, strides = array<i32>} : memref<80x64xf32, #tpu.memory_space<vmem>>, vector<16xf32>,
        %get3A_369 = arith.index_cast %rem3A_362 : i32 to index
        %get3A_370 = arith.constant 16 : index
        %get3A_371 = tpu.vector_load %arg6[%get3A_369, %get3A_370] {strides = array<i32>} : memref<200x64xf32, #tpu.memory_space<vmem>>, vector<16xf32>,
        %swap3A_372 = arith.index_cast %scan3A_359 : i32 to index
        %swap3A_373 = arith.constant 16 : index
        %swap3A_374 = tpu.vector_load %arg10[%swap3A_372, %swap3A_373] {strides = array<i32>} : memref<80x64xf32, #tpu.memory_space<vmem>>, vector<16xf32>,
        tpu.vector_store %arg10[%swap3A_372, %swap3A_373], %get3A_371 {add = true, strides = array<i32>} : memref<80x64xf32, #tpu.memory_space<vmem>>, vector<16xf32>,
        %get3A_375 = arith.index_cast %rem3A_362 : i32 to index
        %get3A_376 = arith.constant 32 : index
        %get3A_377 = tpu.vector_load %arg6[%get3A_375, %get3A_376] {strides = array<i32>} : memref<200x64xf32, #tpu.memory_space<vmem>>, vector<16xf32>,
        %swap3A_378 = arith.index_cast %scan3A_359 : i32 to index
        %swap3A_379 = arith.constant 32 : index
        %swap3A_380 = tpu.vector_load %arg10[%swap3A_378, %swap3A_379] {strides = array<i32>} : memref<80x64xf32, #tpu.memory_space<vmem>>, vector<16xf32>,
        tpu.vector_store %arg10[%swap3A_378, %swap3A_379], %get3A_377 {add = true, strides = array<i32>} : memref<80x64xf32, #tpu.memory_space<vmem>>, vector<16xf32>,
        %get3A_381 = arith.index_cast %rem3A_362 : i32 to index
        %get3A_382 = arith.constant 48 : index
        %get3A_383 = tpu.vector_load %arg6[%get3A_381, %get3A_382] {strides = array<i32>} : memref<200x64xf32, #tpu.memory_space<vmem>>, vector<16xf32>,
        %swap3A_384 = arith.index_cast %scan3A_359 : i32 to index
        %swap3A_385 = arith.constant 48 : index
        %swap3A_386 = tpu.vector_load %arg10[%swap3A_384, %swap3A_385] {strides = array<i32>} : memref<80x64xf32, #tpu.memory_space<vmem>>, vector<16xf32>,
        tpu.vector_store %arg10[%swap3A_384, %swap3A_385], %get3A_383 {add = true, strides = array<i32>} : memref<80x64xf32, #tpu.memory_space<vmem>>, vector<16xf32>,
        %scan3A_387 = arith.constant 7 : i32
        %scan3A_388 = arith.addi %scan3A_187, %scan3A_387 : i32
        %add3A_389 = arith.addi %rem3A_71, %scan3A_388 : i32
        %rem3A_390 = arith.constant 200 : i32
        %rem3A_391 = arith.remsi %add3A_389, %rem3A_390 : i32
        %get3A_392 = arith.index_cast %rem3A_391 : i32 to index
        %get3A_393 = arith.constant 0 : index
        %get3A_394 = tpu.vector_load %arg6[%get3A_392, %get3A_393] {strides = array<i32>} : memref<200x64xf32, #tpu.memory_space<vmem>>, vector<16xf32>,
        %swap3A_395 = arith.index_cast %scan3A_388 : i32 to index
        %swap3A_396 = arith.constant 0 : index
        %swap3A_397 = tpu.vector_load %arg10[%swap3A_395, %swap3A_396] {strides = array<i32>} : memref<80x64xf32, #tpu.memory_space<vmem>>, vector<16xf32>,
        tpu.vector_store %arg10[%swap3A_395, %swap3A_396], %get3A_394 {add = true, strides = array<i32>} : memref<80x64xf32, #tpu.memory_space<vmem>>, vector<16xf32>,
        %get3A_398 = arith.index_cast %rem3A_391 : i32 to index
        %get3A_399 = arith.constant 16 : index
        %get3A_400 = tpu.vector_load %arg6[%get3A_398, %get3A_399] {strides = array<i32>} : memref<200x64xf32, #tpu.memory_space<vmem>>, vector<16xf32>,
        %swap3A_401 = arith.index_cast %scan3A_388 : i32 to index
        %swap3A_402 = arith.constant 16 : index
        %swap3A_403 = tpu.vector_load %arg10[%swap3A_401, %swap3A_402] {strides = array<i32>} : memref<80x64xf32, #tpu.memory_space<vmem>>, vector<16xf32>,
        tpu.vector_store %arg10[%swap3A_401, %swap3A_402], %get3A_400 {add = true, strides = array<i32>} : memref<80x64xf32, #tpu.memory_space<vmem>>, vector<16xf32>,
        %get3A_404 = arith.index_cast %rem3A_391 : i32 to index
        %get3A_405 = arith.constant 32 : index
        %get3A_406 = tpu.vector_load %arg6[%get3A_404, %get3A_405] {strides = array<i32>} : memref<200x64xf32, #tpu.memory_space<vmem>>, vector<16xf32>,
        %swap3A_407 = arith.index_cast %scan3A_388 : i32 to index
        %swap3A_408 = arith.constant 32 : index
        %swap3A_409 = tpu.vector_load %arg10[%swap3A_407, %swap3A_408] {strides = array<i32>} : memref<80x64xf32, #tpu.memory_space<vmem>>, vector<16xf32>,
        tpu.vector_store %arg10[%swap3A_407, %swap3A_408], %get3A_406 {add = true, strides = array<i32>} : memref<80x64xf32, #tpu.memory_space<vmem>>, vector<16xf32>,
        %get3A_410 = arith.index_cast %rem3A_391 : i32 to index
        %get3A_411 = arith.constant 48 : index
        %get3A_412 = tpu.vector_load %arg6[%get3A_410, %get3A_411] {strides = array<i32>} : memref<200x64xf32, #tpu.memory_space<vmem>>, vector<16xf32>,
        %swap3A_413 = arith.index_cast %scan3A_388 : i32 to index
        %swap3A_414 = arith.constant 48 : index
        %swap3A_415 = tpu.vector_load %arg10[%swap3A_413, %swap3A_414] {strides = array<i32>} : memref<80x64xf32, #tpu.memory_space<vmem>>, vector<16xf32>,
        tpu.vector_store %arg10[%swap3A_413, %swap3A_414], %get3A_412 {add = true, strides = array<i32>} : memref<80x64xf32, #tpu.memory_space<vmem>>, vector<16xf32>,
      }
      %scan3A_77 = arith.constant 80 : i32
      %mul3A_78 = arith.constant 80 : i32
      %mul3A_79 = arith.muli %add3A_58, %mul3A_78 : i32
      %add3A_80 = arith.addi %mul3A_4, %mul3A_79 : i32
      %dma_start3A_81 = arith.constant 0 : i32
      %dma_start3A_82 = tpu.memref_slice %arg5[%add3A_80, %dma_start3A_81] : memref<204800x64xf32, #tpu.memory_space<hbm>> -> memref<80x64xf32, #tpu.memory_space<hbm>>
      %dma_start3A_83 = arith.constant 0 : i32
      %dma_start3A_84 = tpu.memref_slice %arg5[%add3A_80, %dma_start3A_83] : memref<204800x64xf32, #tpu.memory_space<hbm>> -> memref<80x64xf32, #tpu.memory_space<hbm>>
      tpu.enqueue_dma source(%arg10 : memref<80x64xf32, #tpu.memory_space<vmem>>) target(%dma_start3A_84 : memref<80x64xf32, #tpu.memory_space<hbm>>) target_semaphore(%arg18 : memref<!tpu.dma_semaphore, #tpu.memory_space<semaphore_mem>>)
      %mul3A_85 = arith.constant 4 : i32
      %mul3A_86 = arith.muli %scan3A_54, %mul3A_85 : i32
      %add3A_87 = arith.constant 1 : i32
      %add3A_88 = arith.addi %mul3A_86, %add3A_87 : i32
      %add3A_89 = arith.constant 2 : i32
      %add3A_90 = arith.addi %add3A_88, %add3A_89 : i32
      %lt3A_91 = arith.constant 80 : i32
      %lt3A_92 = arith.cmpi slt, %add3A_90, %lt3A_91 : i32
      %convert_element_type3A_93 = arith.extui %lt3A_92 : i1 to i32
      %cond3A_94 = arith.constant 0 : i32
      %cond3A_95 = arith.cmpi ne, %convert_element_type3A_93, %cond3A_94 : i32
      scf.if %cond3A_95 {
        %ge3A = arith.constant 2 : i32
        %ge3A_187 = arith.cmpi sge, %add3A_88, %ge3A : i32
        %convert_element_type3A_188 = arith.extui %ge3A_187 : i1 to i32
        %cond3A_189 = arith.constant 0 : i32
        %cond3A_190 = arith.cmpi ne, %convert_element_type3A_188, %cond3A_189 : i32
        scf.if %cond3A_190 {
          %dma_wait3A_199 = arith.constant 0 : i32
          %dma_wait3A_200 = arith.constant 0 : i32
          %dma_wait3A_201 = tpu.memref_slice %arg5[%dma_wait3A_199, %dma_wait3A_200] : memref<204800x64xf32, #tpu.memory_space<hbm>> -> memref<80x64xf32, #tpu.memory_space<hbm>>
          %dma_wait3A_202 = arith.constant 0 : i32
          %dma_wait3A_203 = arith.constant 0 : i32
          %dma_wait3A_204 = tpu.memref_slice %arg5[%dma_wait3A_202, %dma_wait3A_203] : memref<204800x64xf32, #tpu.memory_space<hbm>> -> memref<80x64xf32, #tpu.memory_space<hbm>>
          tpu.wait_dma2 semaphore(%arg21 : memref<!tpu.dma_semaphore, #tpu.memory_space<semaphore_mem>>) src(%arg13 : memref<80x64xf32, #tpu.memory_space<vmem>>) dst(%dma_wait3A_204 : memref<80x64xf32, #tpu.memory_space<hbm>>)
        } else {
        }
        %add3A_191 = arith.constant 2 : i32
        %add3A_192 = arith.addi %add3A_88, %add3A_191 : i32
        %mul3A_193 = arith.constant 80 : i32
        %mul3A_194 = arith.muli %add3A_192, %mul3A_193 : i32
        %dma_start3A_195 = tpu.memref_slice %arg9[%mul3A_194] : memref<6400xi32, #tpu.memory_space<vmem>> -> memref<80xi32, #tpu.memory_space<vmem>>
        %dma_start3A_196 = arith.constant 0 : i32
        %dma_start3A_197 = arith.constant 0 : i32
        %dma_start3A_198 = tpu.memref_slice %arg3[%dma_start3A_196, %dma_start3A_197] : memref<2000000x64xf32, #tpu.memory_space<hbm>> -> memref<2000000x64xf32, #tpu.memory_space<hbm>>
        tpu.enqueue_indirect_dma source(%dma_start3A_198 : memref<2000000x64xf32, #tpu.memory_space<hbm>>) target(%arg13 : memref<80x64xf32, #tpu.memory_space<vmem>>) offsets(%dma_start3A_195 : memref<80xi32, #tpu.memory_space<vmem>>) semaphore(%arg17 : memref<!tpu.dma_semaphore, #tpu.memory_space<semaphore_mem>>)
      } else {
      }
      %dma_wait3A_96 = arith.constant 0 : i32
      %dma_wait3A_97 = arith.constant 0 : i32
      %dma_wait3A_98 = tpu.memref_slice %arg3[%dma_wait3A_96, %dma_wait3A_97] : memref<2000000x64xf32, #tpu.memory_space<hbm>> -> memref<80x64xf32, #tpu.memory_space<hbm>>
      %dma_wait3A_99 = arith.constant 0 : i32
      %dma_wait3A_100 = arith.constant 0 : i32
      %dma_wait3A_101 = tpu.memref_slice %arg3[%dma_wait3A_99, %dma_wait3A_100] : memref<2000000x64xf32, #tpu.memory_space<hbm>> -> memref<80x64xf32, #tpu.memory_space<hbm>>
      tpu.wait_dma2 semaphore(%arg15 : memref<!tpu.dma_semaphore, #tpu.memory_space<semaphore_mem>>) src(%dma_wait3A_101 : memref<80x64xf32, #tpu.memory_space<hbm>>) dst(%arg11 : memref<80x64xf32, #tpu.memory_space<vmem>>)
      %mul3A_102 = arith.constant 80 : i32
      %mul3A_103 = arith.muli %add3A_88, %mul3A_102 : i32
      %rem3A_104 = arith.constant 200 : i32
      %rem3A_105 = arith.remsi %mul3A_103, %rem3A_104 : i32
      %scan3A_106 = arith.constant 0 : i32
      %scan3A_107 = arith.constant 0 : i32
      %scan3A_108 = arith.constant 80 : i32
      %scan3A_109 = arith.addi %scan3A_107, %scan3A_108 : i32
      %scan3A_110 = arith.constant 8 : i32
      scf.for %scan3A_187 = %scan3A_107 to %scan3A_109 step %scan3A_110  : i32 {
        %add3A_188 = arith.addi %rem3A_105, %scan3A_187 : i32
        %rem3A_189 = arith.constant 200 : i32
        %rem3A_190 = arith.remsi %add3A_188, %rem3A_189 : i32
        %get3A = arith.index_cast %rem3A_190 : i32 to index
        %get3A_191 = arith.constant 0 : index
        %get3A_192 = tpu.vector_load %arg6[%get3A, %get3A_191] {strides = array<i32>} : memref<200x64xf32, #tpu.memory_space<vmem>>, vector<16xf32>,
        %swap3A = arith.index_cast %scan3A_187 : i32 to index
        %swap3A_193 = arith.constant 0 : index
        %swap3A_194 = tpu.vector_load %arg11[%swap3A, %swap3A_193] {strides = array<i32>} : memref<80x64xf32, #tpu.memory_space<vmem>>, vector<16xf32>,
        tpu.vector_store %arg11[%swap3A, %swap3A_193], %get3A_192 {add = true, strides = array<i32>} : memref<80x64xf32, #tpu.memory_space<vmem>>, vector<16xf32>,
        %get3A_195 = arith.index_cast %rem3A_190 : i32 to index
        %get3A_196 = arith.constant 16 : index
        %get3A_197 = tpu.vector_load %arg6[%get3A_195, %get3A_196] {strides = array<i32>} : memref<200x64xf32, #tpu.memory_space<vmem>>, vector<16xf32>,
        %swap3A_198 = arith.index_cast %scan3A_187 : i32 to index
        %swap3A_199 = arith.constant 16 : index
        %swap3A_200 = tpu.vector_load %arg11[%swap3A_198, %swap3A_199] {strides = array<i32>} : memref<80x64xf32, #tpu.memory_space<vmem>>, vector<16xf32>,
        tpu.vector_store %arg11[%swap3A_198, %swap3A_199], %get3A_197 {add = true, strides = array<i32>} : memref<80x64xf32, #tpu.memory_space<vmem>>, vector<16xf32>,
        %get3A_201 = arith.index_cast %rem3A_190 : i32 to index
        %get3A_202 = arith.constant 32 : index
        %get3A_203 = tpu.vector_load %arg6[%get3A_201, %get3A_202] {strides = array<i32>} : memref<200x64xf32, #tpu.memory_space<vmem>>, vector<16xf32>,
        %swap3A_204 = arith.index_cast %scan3A_187 : i32 to index
        %swap3A_205 = arith.constant 32 : index
        %swap3A_206 = tpu.vector_load %arg11[%swap3A_204, %swap3A_205] {strides = array<i32>} : memref<80x64xf32, #tpu.memory_space<vmem>>, vector<16xf32>,
        tpu.vector_store %arg11[%swap3A_204, %swap3A_205], %get3A_203 {add = true, strides = array<i32>} : memref<80x64xf32, #tpu.memory_space<vmem>>, vector<16xf32>,
        %get3A_207 = arith.index_cast %rem3A_190 : i32 to index
        %get3A_208 = arith.constant 48 : index
        %get3A_209 = tpu.vector_load %arg6[%get3A_207, %get3A_208] {strides = array<i32>} : memref<200x64xf32, #tpu.memory_space<vmem>>, vector<16xf32>,
        %swap3A_210 = arith.index_cast %scan3A_187 : i32 to index
        %swap3A_211 = arith.constant 48 : index
        %swap3A_212 = tpu.vector_load %arg11[%swap3A_210, %swap3A_211] {strides = array<i32>} : memref<80x64xf32, #tpu.memory_space<vmem>>, vector<16xf32>,
        tpu.vector_store %arg11[%swap3A_210, %swap3A_211], %get3A_209 {add = true, strides = array<i32>} : memref<80x64xf32, #tpu.memory_space<vmem>>, vector<16xf32>,
        %scan3A_213 = arith.constant 1 : i32
        %scan3A_214 = arith.addi %scan3A_187, %scan3A_213 : i32
        %add3A_215 = arith.addi %rem3A_105, %scan3A_214 : i32
        %rem3A_216 = arith.constant 200 : i32
        %rem3A_217 = arith.remsi %add3A_215, %rem3A_216 : i32
        %get3A_218 = arith.index_cast %rem3A_217 : i32 to index
        %get3A_219 = arith.constant 0 : index
        %get3A_220 = tpu.vector_load %arg6[%get3A_218, %get3A_219] {strides = array<i32>} : memref<200x64xf32, #tpu.memory_space<vmem>>, vector<16xf32>,
        %swap3A_221 = arith.index_cast %scan3A_214 : i32 to index
        %swap3A_222 = arith.constant 0 : index
        %swap3A_223 = tpu.vector_load %arg11[%swap3A_221, %swap3A_222] {strides = array<i32>} : memref<80x64xf32, #tpu.memory_space<vmem>>, vector<16xf32>,
        tpu.vector_store %arg11[%swap3A_221, %swap3A_222], %get3A_220 {add = true, strides = array<i32>} : memref<80x64xf32, #tpu.memory_space<vmem>>, vector<16xf32>,
        %get3A_224 = arith.index_cast %rem3A_217 : i32 to index
        %get3A_225 = arith.constant 16 : index
        %get3A_226 = tpu.vector_load %arg6[%get3A_224, %get3A_225] {strides = array<i32>} : memref<200x64xf32, #tpu.memory_space<vmem>>, vector<16xf32>,
        %swap3A_227 = arith.index_cast %scan3A_214 : i32 to index
        %swap3A_228 = arith.constant 16 : index
        %swap3A_229 = tpu.vector_load %arg11[%swap3A_227, %swap3A_228] {strides = array<i32>} : memref<80x64xf32, #tpu.memory_space<vmem>>, vector<16xf32>,
        tpu.vector_store %arg11[%swap3A_227, %swap3A_228], %get3A_226 {add = true, strides = array<i32>} : memref<80x64xf32, #tpu.memory_space<vmem>>, vector<16xf32>,
        %get3A_230 = arith.index_cast %rem3A_217 : i32 to index
        %get3A_231 = arith.constant 32 : index
        %get3A_232 = tpu.vector_load %arg6[%get3A_230, %get3A_231] {strides = array<i32>} : memref<200x64xf32, #tpu.memory_space<vmem>>, vector<16xf32>,
        %swap3A_233 = arith.index_cast %scan3A_214 : i32 to index
        %swap3A_234 = arith.constant 32 : index
        %swap3A_235 = tpu.vector_load %arg11[%swap3A_233, %swap3A_234] {strides = array<i32>} : memref<80x64xf32, #tpu.memory_space<vmem>>, vector<16xf32>,
        tpu.vector_store %arg11[%swap3A_233, %swap3A_234], %get3A_232 {add = true, strides = array<i32>} : memref<80x64xf32, #tpu.memory_space<vmem>>, vector<16xf32>,
        %get3A_236 = arith.index_cast %rem3A_217 : i32 to index
        %get3A_237 = arith.constant 48 : index
        %get3A_238 = tpu.vector_load %arg6[%get3A_236, %get3A_237] {strides = array<i32>} : memref<200x64xf32, #tpu.memory_space<vmem>>, vector<16xf32>,
        %swap3A_239 = arith.index_cast %scan3A_214 : i32 to index
        %swap3A_240 = arith.constant 48 : index
        %swap3A_241 = tpu.vector_load %arg11[%swap3A_239, %swap3A_240] {strides = array<i32>} : memref<80x64xf32, #tpu.memory_space<vmem>>, vector<16xf32>,
        tpu.vector_store %arg11[%swap3A_239, %swap3A_240], %get3A_238 {add = true, strides = array<i32>} : memref<80x64xf32, #tpu.memory_space<vmem>>, vector<16xf32>,
        %scan3A_242 = arith.constant 2 : i32
        %scan3A_243 = arith.addi %scan3A_187, %scan3A_242 : i32
        %add3A_244 = arith.addi %rem3A_105, %scan3A_243 : i32
        %rem3A_245 = arith.constant 200 : i32
        %rem3A_246 = arith.remsi %add3A_244, %rem3A_245 : i32
        %get3A_247 = arith.index_cast %rem3A_246 : i32 to index
        %get3A_248 = arith.constant 0 : index
        %get3A_249 = tpu.vector_load %arg6[%get3A_247, %get3A_248] {strides = array<i32>} : memref<200x64xf32, #tpu.memory_space<vmem>>, vector<16xf32>,
        %swap3A_250 = arith.index_cast %scan3A_243 : i32 to index
        %swap3A_251 = arith.constant 0 : index
        %swap3A_252 = tpu.vector_load %arg11[%swap3A_250, %swap3A_251] {strides = array<i32>} : memref<80x64xf32, #tpu.memory_space<vmem>>, vector<16xf32>,
        tpu.vector_store %arg11[%swap3A_250, %swap3A_251], %get3A_249 {add = true, strides = array<i32>} : memref<80x64xf32, #tpu.memory_space<vmem>>, vector<16xf32>,
        %get3A_253 = arith.index_cast %rem3A_246 : i32 to index
        %get3A_254 = arith.constant 16 : index
        %get3A_255 = tpu.vector_load %arg6[%get3A_253, %get3A_254] {strides = array<i32>} : memref<200x64xf32, #tpu.memory_space<vmem>>, vector<16xf32>,
        %swap3A_256 = arith.index_cast %scan3A_243 : i32 to index
        %swap3A_257 = arith.constant 16 : index
        %swap3A_258 = tpu.vector_load %arg11[%swap3A_256, %swap3A_257] {strides = array<i32>} : memref<80x64xf32, #tpu.memory_space<vmem>>, vector<16xf32>,
        tpu.vector_store %arg11[%swap3A_256, %swap3A_257], %get3A_255 {add = true, strides = array<i32>} : memref<80x64xf32, #tpu.memory_space<vmem>>, vector<16xf32>,
        %get3A_259 = arith.index_cast %rem3A_246 : i32 to index
        %get3A_260 = arith.constant 32 : index
        %get3A_261 = tpu.vector_load %arg6[%get3A_259, %get3A_260] {strides = array<i32>} : memref<200x64xf32, #tpu.memory_space<vmem>>, vector<16xf32>,
        %swap3A_262 = arith.index_cast %scan3A_243 : i32 to index
        %swap3A_263 = arith.constant 32 : index
        %swap3A_264 = tpu.vector_load %arg11[%swap3A_262, %swap3A_263] {strides = array<i32>} : memref<80x64xf32, #tpu.memory_space<vmem>>, vector<16xf32>,
        tpu.vector_store %arg11[%swap3A_262, %swap3A_263], %get3A_261 {add = true, strides = array<i32>} : memref<80x64xf32, #tpu.memory_space<vmem>>, vector<16xf32>,
        %get3A_265 = arith.index_cast %rem3A_246 : i32 to index
        %get3A_266 = arith.constant 48 : index
        %get3A_267 = tpu.vector_load %arg6[%get3A_265, %get3A_266] {strides = array<i32>} : memref<200x64xf32, #tpu.memory_space<vmem>>, vector<16xf32>,
        %swap3A_268 = arith.index_cast %scan3A_243 : i32 to index
        %swap3A_269 = arith.constant 48 : index
        %swap3A_270 = tpu.vector_load %arg11[%swap3A_268, %swap3A_269] {strides = array<i32>} : memref<80x64xf32, #tpu.memory_space<vmem>>, vector<16xf32>,
        tpu.vector_store %arg11[%swap3A_268, %swap3A_269], %get3A_267 {add = true, strides = array<i32>} : memref<80x64xf32, #tpu.memory_space<vmem>>, vector<16xf32>,
        %scan3A_271 = arith.constant 3 : i32
        %scan3A_272 = arith.addi %scan3A_187, %scan3A_271 : i32
        %add3A_273 = arith.addi %rem3A_105, %scan3A_272 : i32
        %rem3A_274 = arith.constant 200 : i32
        %rem3A_275 = arith.remsi %add3A_273, %rem3A_274 : i32
        %get3A_276 = arith.index_cast %rem3A_275 : i32 to index
        %get3A_277 = arith.constant 0 : index
        %get3A_278 = tpu.vector_load %arg6[%get3A_276, %get3A_277] {strides = array<i32>} : memref<200x64xf32, #tpu.memory_space<vmem>>, vector<16xf32>,
        %swap3A_279 = arith.index_cast %scan3A_272 : i32 to index
        %swap3A_280 = arith.constant 0 : index
        %swap3A_281 = tpu.vector_load %arg11[%swap3A_279, %swap3A_280] {strides = array<i32>} : memref<80x64xf32, #tpu.memory_space<vmem>>, vector<16xf32>,
        tpu.vector_store %arg11[%swap3A_279, %swap3A_280], %get3A_278 {add = true, strides = array<i32>} : memref<80x64xf32, #tpu.memory_space<vmem>>, vector<16xf32>,
        %get3A_282 = arith.index_cast %rem3A_275 : i32 to index
        %get3A_283 = arith.constant 16 : index
        %get3A_284 = tpu.vector_load %arg6[%get3A_282, %get3A_283] {strides = array<i32>} : memref<200x64xf32, #tpu.memory_space<vmem>>, vector<16xf32>,
        %swap3A_285 = arith.index_cast %scan3A_272 : i32 to index
        %swap3A_286 = arith.constant 16 : index
        %swap3A_287 = tpu.vector_load %arg11[%swap3A_285, %swap3A_286] {strides = array<i32>} : memref<80x64xf32, #tpu.memory_space<vmem>>, vector<16xf32>,
        tpu.vector_store %arg11[%swap3A_285, %swap3A_286], %get3A_284 {add = true, strides = array<i32>} : memref<80x64xf32, #tpu.memory_space<vmem>>, vector<16xf32>,
        %get3A_288 = arith.index_cast %rem3A_275 : i32 to index
        %get3A_289 = arith.constant 32 : index
        %get3A_290 = tpu.vector_load %arg6[%get3A_288, %get3A_289] {strides = array<i32>} : memref<200x64xf32, #tpu.memory_space<vmem>>, vector<16xf32>,
        %swap3A_291 = arith.index_cast %scan3A_272 : i32 to index
        %swap3A_292 = arith.constant 32 : index
        %swap3A_293 = tpu.vector_load %arg11[%swap3A_291, %swap3A_292] {strides = array<i32>} : memref<80x64xf32, #tpu.memory_space<vmem>>, vector<16xf32>,
        tpu.vector_store %arg11[%swap3A_291, %swap3A_292], %get3A_290 {add = true, strides = array<i32>} : memref<80x64xf32, #tpu.memory_space<vmem>>, vector<16xf32>,
        %get3A_294 = arith.index_cast %rem3A_275 : i32 to index
        %get3A_295 = arith.constant 48 : index
        %get3A_296 = tpu.vector_load %arg6[%get3A_294, %get3A_295] {strides = array<i32>} : memref<200x64xf32, #tpu.memory_space<vmem>>, vector<16xf32>,
        %swap3A_297 = arith.index_cast %scan3A_272 : i32 to index
        %swap3A_298 = arith.constant 48 : index
        %swap3A_299 = tpu.vector_load %arg11[%swap3A_297, %swap3A_298] {strides = array<i32>} : memref<80x64xf32, #tpu.memory_space<vmem>>, vector<16xf32>,
        tpu.vector_store %arg11[%swap3A_297, %swap3A_298], %get3A_296 {add = true, strides = array<i32>} : memref<80x64xf32, #tpu.memory_space<vmem>>, vector<16xf32>,
        %scan3A_300 = arith.constant 4 : i32
        %scan3A_301 = arith.addi %scan3A_187, %scan3A_300 : i32
        %add3A_302 = arith.addi %rem3A_105, %scan3A_301 : i32
        %rem3A_303 = arith.constant 200 : i32
        %rem3A_304 = arith.remsi %add3A_302, %rem3A_303 : i32
        %get3A_305 = arith.index_cast %rem3A_304 : i32 to index
        %get3A_306 = arith.constant 0 : index
        %get3A_307 = tpu.vector_load %arg6[%get3A_305, %get3A_306] {strides = array<i32>} : memref<200x64xf32, #tpu.memory_space<vmem>>, vector<16xf32>,
        %swap3A_308 = arith.index_cast %scan3A_301 : i32 to index
        %swap3A_309 = arith.constant 0 : index
        %swap3A_310 = tpu.vector_load %arg11[%swap3A_308, %swap3A_309] {strides = array<i32>} : memref<80x64xf32, #tpu.memory_space<vmem>>, vector<16xf32>,
        tpu.vector_store %arg11[%swap3A_308, %swap3A_309], %get3A_307 {add = true, strides = array<i32>} : memref<80x64xf32, #tpu.memory_space<vmem>>, vector<16xf32>,
        %get3A_311 = arith.index_cast %rem3A_304 : i32 to index
        %get3A_312 = arith.constant 16 : index
        %get3A_313 = tpu.vector_load %arg6[%get3A_311, %get3A_312] {strides = array<i32>} : memref<200x64xf32, #tpu.memory_space<vmem>>, vector<16xf32>,
        %swap3A_314 = arith.index_cast %scan3A_301 : i32 to index
        %swap3A_315 = arith.constant 16 : index
        %swap3A_316 = tpu.vector_load %arg11[%swap3A_314, %swap3A_315] {strides = array<i32>} : memref<80x64xf32, #tpu.memory_space<vmem>>, vector<16xf32>,
        tpu.vector_store %arg11[%swap3A_314, %swap3A_315], %get3A_313 {add = true, strides = array<i32>} : memref<80x64xf32, #tpu.memory_space<vmem>>, vector<16xf32>,
        %get3A_317 = arith.index_cast %rem3A_304 : i32 to index
        %get3A_318 = arith.constant 32 : index
        %get3A_319 = tpu.vector_load %arg6[%get3A_317, %get3A_318] {strides = array<i32>} : memref<200x64xf32, #tpu.memory_space<vmem>>, vector<16xf32>,
        %swap3A_320 = arith.index_cast %scan3A_301 : i32 to index
        %swap3A_321 = arith.constant 32 : index
        %swap3A_322 = tpu.vector_load %arg11[%swap3A_320, %swap3A_321] {strides = array<i32>} : memref<80x64xf32, #tpu.memory_space<vmem>>, vector<16xf32>,
        tpu.vector_store %arg11[%swap3A_320, %swap3A_321], %get3A_319 {add = true, strides = array<i32>} : memref<80x64xf32, #tpu.memory_space<vmem>>, vector<16xf32>,
        %get3A_323 = arith.index_cast %rem3A_304 : i32 to index
        %get3A_324 = arith.constant 48 : index
        %get3A_325 = tpu.vector_load %arg6[%get3A_323, %get3A_324] {strides = array<i32>} : memref<200x64xf32, #tpu.memory_space<vmem>>, vector<16xf32>,
        %swap3A_326 = arith.index_cast %scan3A_301 : i32 to index
        %swap3A_327 = arith.constant 48 : index
        %swap3A_328 = tpu.vector_load %arg11[%swap3A_326, %swap3A_327] {strides = array<i32>} : memref<80x64xf32, #tpu.memory_space<vmem>>, vector<16xf32>,
        tpu.vector_store %arg11[%swap3A_326, %swap3A_327], %get3A_325 {add = true, strides = array<i32>} : memref<80x64xf32, #tpu.memory_space<vmem>>, vector<16xf32>,
        %scan3A_329 = arith.constant 5 : i32
        %scan3A_330 = arith.addi %scan3A_187, %scan3A_329 : i32
        %add3A_331 = arith.addi %rem3A_105, %scan3A_330 : i32
        %rem3A_332 = arith.constant 200 : i32
        %rem3A_333 = arith.remsi %add3A_331, %rem3A_332 : i32
        %get3A_334 = arith.index_cast %rem3A_333 : i32 to index
        %get3A_335 = arith.constant 0 : index
        %get3A_336 = tpu.vector_load %arg6[%get3A_334, %get3A_335] {strides = array<i32>} : memref<200x64xf32, #tpu.memory_space<vmem>>, vector<16xf32>,
        %swap3A_337 = arith.index_cast %scan3A_330 : i32 to index
        %swap3A_338 = arith.constant 0 : index
        %swap3A_339 = tpu.vector_load %arg11[%swap3A_337, %swap3A_338] {strides = array<i32>} : memref<80x64xf32, #tpu.memory_space<vmem>>, vector<16xf32>,
        tpu.vector_store %arg11[%swap3A_337, %swap3A_338], %get3A_336 {add = true, strides = array<i32>} : memref<80x64xf32, #tpu.memory_space<vmem>>, vector<16xf32>,
        %get3A_340 = arith.index_cast %rem3A_333 : i32 to index
        %get3A_341 = arith.constant 16 : index
        %get3A_342 = tpu.vector_load %arg6[%get3A_340, %get3A_341] {strides = array<i32>} : memref<200x64xf32, #tpu.memory_space<vmem>>, vector<16xf32>,
        %swap3A_343 = arith.index_cast %scan3A_330 : i32 to index
        %swap3A_344 = arith.constant 16 : index
        %swap3A_345 = tpu.vector_load %arg11[%swap3A_343, %swap3A_344] {strides = array<i32>} : memref<80x64xf32, #tpu.memory_space<vmem>>, vector<16xf32>,
        tpu.vector_store %arg11[%swap3A_343, %swap3A_344], %get3A_342 {add = true, strides = array<i32>} : memref<80x64xf32, #tpu.memory_space<vmem>>, vector<16xf32>,
        %get3A_346 = arith.index_cast %rem3A_333 : i32 to index
        %get3A_347 = arith.constant 32 : index
        %get3A_348 = tpu.vector_load %arg6[%get3A_346, %get3A_347] {strides = array<i32>} : memref<200x64xf32, #tpu.memory_space<vmem>>, vector<16xf32>,
        %swap3A_349 = arith.index_cast %scan3A_330 : i32 to index
        %swap3A_350 = arith.constant 32 : index
        %swap3A_351 = tpu.vector_load %arg11[%swap3A_349, %swap3A_350] {strides = array<i32>} : memref<80x64xf32, #tpu.memory_space<vmem>>, vector<16xf32>,
        tpu.vector_store %arg11[%swap3A_349, %swap3A_350], %get3A_348 {add = true, strides = array<i32>} : memref<80x64xf32, #tpu.memory_space<vmem>>, vector<16xf32>,
        %get3A_352 = arith.index_cast %rem3A_333 : i32 to index
        %get3A_353 = arith.constant 48 : index
        %get3A_354 = tpu.vector_load %arg6[%get3A_352, %get3A_353] {strides = array<i32>} : memref<200x64xf32, #tpu.memory_space<vmem>>, vector<16xf32>,
        %swap3A_355 = arith.index_cast %scan3A_330 : i32 to index
        %swap3A_356 = arith.constant 48 : index
        %swap3A_357 = tpu.vector_load %arg11[%swap3A_355, %swap3A_356] {strides = array<i32>} : memref<80x64xf32, #tpu.memory_space<vmem>>, vector<16xf32>,
        tpu.vector_store %arg11[%swap3A_355, %swap3A_356], %get3A_354 {add = true, strides = array<i32>} : memref<80x64xf32, #tpu.memory_space<vmem>>, vector<16xf32>,
        %scan3A_358 = arith.constant 6 : i32
        %scan3A_359 = arith.addi %scan3A_187, %scan3A_358 : i32
        %add3A_360 = arith.addi %rem3A_105, %scan3A_359 : i32
        %rem3A_361 = arith.constant 200 : i32
        %rem3A_362 = arith.remsi %add3A_360, %rem3A_361 : i32
        %get3A_363 = arith.index_cast %rem3A_362 : i32 to index
        %get3A_364 = arith.constant 0 : index
        %get3A_365 = tpu.vector_load %arg6[%get3A_363, %get3A_364] {strides = array<i32>} : memref<200x64xf32, #tpu.memory_space<vmem>>, vector<16xf32>,
        %swap3A_366 = arith.index_cast %scan3A_359 : i32 to index
        %swap3A_367 = arith.constant 0 : index
        %swap3A_368 = tpu.vector_load %arg11[%swap3A_366, %swap3A_367] {strides = array<i32>} : memref<80x64xf32, #tpu.memory_space<vmem>>, vector<16xf32>,
        tpu.vector_store %arg11[%swap3A_366, %swap3A_367], %get3A_365 {add = true, strides = array<i32>} : memref<80x64xf32, #tpu.memory_space<vmem>>, vector<16xf32>,
        %get3A_369 = arith.index_cast %rem3A_362 : i32 to index
        %get3A_370 = arith.constant 16 : index
        %get3A_371 = tpu.vector_load %arg6[%get3A_369, %get3A_370] {strides = array<i32>} : memref<200x64xf32, #tpu.memory_space<vmem>>, vector<16xf32>,
        %swap3A_372 = arith.index_cast %scan3A_359 : i32 to index
        %swap3A_373 = arith.constant 16 : index
        %swap3A_374 = tpu.vector_load %arg11[%swap3A_372, %swap3A_373] {strides = array<i32>} : memref<80x64xf32, #tpu.memory_space<vmem>>, vector<16xf32>,
        tpu.vector_store %arg11[%swap3A_372, %swap3A_373], %get3A_371 {add = true, strides = array<i32>} : memref<80x64xf32, #tpu.memory_space<vmem>>, vector<16xf32>,
        %get3A_375 = arith.index_cast %rem3A_362 : i32 to index
        %get3A_376 = arith.constant 32 : index
        %get3A_377 = tpu.vector_load %arg6[%get3A_375, %get3A_376] {strides = array<i32>} : memref<200x64xf32, #tpu.memory_space<vmem>>, vector<16xf32>,
        %swap3A_378 = arith.index_cast %scan3A_359 : i32 to index
        %swap3A_379 = arith.constant 32 : index
        %swap3A_380 = tpu.vector_load %arg11[%swap3A_378, %swap3A_379] {strides = array<i32>} : memref<80x64xf32, #tpu.memory_space<vmem>>, vector<16xf32>,
        tpu.vector_store %arg11[%swap3A_378, %swap3A_379], %get3A_377 {add = true, strides = array<i32>} : memref<80x64xf32, #tpu.memory_space<vmem>>, vector<16xf32>,
        %get3A_381 = arith.index_cast %rem3A_362 : i32 to index
        %get3A_382 = arith.constant 48 : index
        %get3A_383 = tpu.vector_load %arg6[%get3A_381, %get3A_382] {strides = array<i32>} : memref<200x64xf32, #tpu.memory_space<vmem>>, vector<16xf32>,
        %swap3A_384 = arith.index_cast %scan3A_359 : i32 to index
        %swap3A_385 = arith.constant 48 : index
        %swap3A_386 = tpu.vector_load %arg11[%swap3A_384, %swap3A_385] {strides = array<i32>} : memref<80x64xf32, #tpu.memory_space<vmem>>, vector<16xf32>,
        tpu.vector_store %arg11[%swap3A_384, %swap3A_385], %get3A_383 {add = true, strides = array<i32>} : memref<80x64xf32, #tpu.memory_space<vmem>>, vector<16xf32>,
        %scan3A_387 = arith.constant 7 : i32
        %scan3A_388 = arith.addi %scan3A_187, %scan3A_387 : i32
        %add3A_389 = arith.addi %rem3A_105, %scan3A_388 : i32
        %rem3A_390 = arith.constant 200 : i32
        %rem3A_391 = arith.remsi %add3A_389, %rem3A_390 : i32
        %get3A_392 = arith.index_cast %rem3A_391 : i32 to index
        %get3A_393 = arith.constant 0 : index
        %get3A_394 = tpu.vector_load %arg6[%get3A_392, %get3A_393] {strides = array<i32>} : memref<200x64xf32, #tpu.memory_space<vmem>>, vector<16xf32>,
        %swap3A_395 = arith.index_cast %scan3A_388 : i32 to index
        %swap3A_396 = arith.constant 0 : index
        %swap3A_397 = tpu.vector_load %arg11[%swap3A_395, %swap3A_396] {strides = array<i32>} : memref<80x64xf32, #tpu.memory_space<vmem>>, vector<16xf32>,
        tpu.vector_store %arg11[%swap3A_395, %swap3A_396], %get3A_394 {add = true, strides = array<i32>} : memref<80x64xf32, #tpu.memory_space<vmem>>, vector<16xf32>,
        %get3A_398 = arith.index_cast %rem3A_391 : i32 to index
        %get3A_399 = arith.constant 16 : index
        %get3A_400 = tpu.vector_load %arg6[%get3A_398, %get3A_399] {strides = array<i32>} : memref<200x64xf32, #tpu.memory_space<vmem>>, vector<16xf32>,
        %swap3A_401 = arith.index_cast %scan3A_388 : i32 to index
        %swap3A_402 = arith.constant 16 : index
        %swap3A_403 = tpu.vector_load %arg11[%swap3A_401, %swap3A_402] {strides = array<i32>} : memref<80x64xf32, #tpu.memory_space<vmem>>, vector<16xf32>,
        tpu.vector_store %arg11[%swap3A_401, %swap3A_402], %get3A_400 {add = true, strides = array<i32>} : memref<80x64xf32, #tpu.memory_space<vmem>>, vector<16xf32>,
        %get3A_404 = arith.index_cast %rem3A_391 : i32 to index
        %get3A_405 = arith.constant 32 : index
        %get3A_406 = tpu.vector_load %arg6[%get3A_404, %get3A_405] {strides = array<i32>} : memref<200x64xf32, #tpu.memory_space<vmem>>, vector<16xf32>,
        %swap3A_407 = arith.index_cast %scan3A_388 : i32 to index
        %swap3A_408 = arith.constant 32 : index
        %swap3A_409 = tpu.vector_load %arg11[%swap3A_407, %swap3A_408] {strides = array<i32>} : memref<80x64xf32, #tpu.memory_space<vmem>>, vector<16xf32>,
        tpu.vector_store %arg11[%swap3A_407, %swap3A_408], %get3A_406 {add = true, strides = array<i32>} : memref<80x64xf32, #tpu.memory_space<vmem>>, vector<16xf32>,
        %get3A_410 = arith.index_cast %rem3A_391 : i32 to index
        %get3A_411 = arith.constant 48 : index
        %get3A_412 = tpu.vector_load %arg6[%get3A_410, %get3A_411] {strides = array<i32>} : memref<200x64xf32, #tpu.memory_space<vmem>>, vector<16xf32>,
        %swap3A_413 = arith.index_cast %scan3A_388 : i32 to index
        %swap3A_414 = arith.constant 48 : index
        %swap3A_415 = tpu.vector_load %arg11[%swap3A_413, %swap3A_414] {strides = array<i32>} : memref<80x64xf32, #tpu.memory_space<vmem>>, vector<16xf32>,
        tpu.vector_store %arg11[%swap3A_413, %swap3A_414], %get3A_412 {add = true, strides = array<i32>} : memref<80x64xf32, #tpu.memory_space<vmem>>, vector<16xf32>,
      }
      %scan3A_111 = arith.constant 80 : i32
      %mul3A_112 = arith.constant 80 : i32
      %mul3A_113 = arith.muli %add3A_88, %mul3A_112 : i32
      %add3A_114 = arith.addi %mul3A_4, %mul3A_113 : i32
      %dma_start3A_115 = arith.constant 0 : i32
      %dma_start3A_116 = tpu.memref_slice %arg5[%add3A_114, %dma_start3A_115] : memref<204800x64xf32, #tpu.memory_space<hbm>> -> memref<80x64xf32, #tpu.memory_space<hbm>>
      %dma_start3A_117 = arith.constant 0 : i32
      %dma_start3A_118 = tpu.memref_slice %arg5[%add3A_114, %dma_start3A_117] : memref<204800x64xf32, #tpu.memory_space<hbm>> -> memref<80x64xf32, #tpu.memory_space<hbm>>
      tpu.enqueue_dma source(%arg11 : memref<80x64xf32, #tpu.memory_space<vmem>>) target(%dma_start3A_118 : memref<80x64xf32, #tpu.memory_space<hbm>>) target_semaphore(%arg19 : memref<!tpu.dma_semaphore, #tpu.memory_space<semaphore_mem>>)
      %mul3A_119 = arith.constant 4 : i32
      %mul3A_120 = arith.muli %scan3A_54, %mul3A_119 : i32
      %add3A_121 = arith.constant 2 : i32
      %add3A_122 = arith.addi %mul3A_120, %add3A_121 : i32
      %add3A_123 = arith.constant 2 : i32
      %add3A_124 = arith.addi %add3A_122, %add3A_123 : i32
      %lt3A_125 = arith.constant 80 : i32
      %lt3A_126 = arith.cmpi slt, %add3A_124, %lt3A_125 : i32
      %convert_element_type3A_127 = arith.extui %lt3A_126 : i1 to i32
      %cond3A_128 = arith.constant 0 : i32
      %cond3A_129 = arith.cmpi ne, %convert_element_type3A_127, %cond3A_128 : i32
      scf.if %cond3A_129 {
        %ge3A = arith.constant 2 : i32
        %ge3A_187 = arith.cmpi sge, %add3A_122, %ge3A : i32
        %convert_element_type3A_188 = arith.extui %ge3A_187 : i1 to i32
        %cond3A_189 = arith.constant 0 : i32
        %cond3A_190 = arith.cmpi ne, %convert_element_type3A_188, %cond3A_189 : i32
        scf.if %cond3A_190 {
          %dma_wait3A_199 = arith.constant 0 : i32
          %dma_wait3A_200 = arith.constant 0 : i32
          %dma_wait3A_201 = tpu.memref_slice %arg5[%dma_wait3A_199, %dma_wait3A_200] : memref<204800x64xf32, #tpu.memory_space<hbm>> -> memref<80x64xf32, #tpu.memory_space<hbm>>
          %dma_wait3A_202 = arith.constant 0 : i32
          %dma_wait3A_203 = arith.constant 0 : i32
          %dma_wait3A_204 = tpu.memref_slice %arg5[%dma_wait3A_202, %dma_wait3A_203] : memref<204800x64xf32, #tpu.memory_space<hbm>> -> memref<80x64xf32, #tpu.memory_space<hbm>>
          tpu.wait_dma2 semaphore(%arg18 : memref<!tpu.dma_semaphore, #tpu.memory_space<semaphore_mem>>) src(%arg10 : memref<80x64xf32, #tpu.memory_space<vmem>>) dst(%dma_wait3A_204 : memref<80x64xf32, #tpu.memory_space<hbm>>)
        } else {
        }
        %add3A_191 = arith.constant 2 : i32
        %add3A_192 = arith.addi %add3A_122, %add3A_191 : i32
        %mul3A_193 = arith.constant 80 : i32
        %mul3A_194 = arith.muli %add3A_192, %mul3A_193 : i32
        %dma_start3A_195 = tpu.memref_slice %arg9[%mul3A_194] : memref<6400xi32, #tpu.memory_space<vmem>> -> memref<80xi32, #tpu.memory_space<vmem>>
        %dma_start3A_196 = arith.constant 0 : i32
        %dma_start3A_197 = arith.constant 0 : i32
        %dma_start3A_198 = tpu.memref_slice %arg3[%dma_start3A_196, %dma_start3A_197] : memref<2000000x64xf32, #tpu.memory_space<hbm>> -> memref<2000000x64xf32, #tpu.memory_space<hbm>>
        tpu.enqueue_indirect_dma source(%dma_start3A_198 : memref<2000000x64xf32, #tpu.memory_space<hbm>>) target(%arg10 : memref<80x64xf32, #tpu.memory_space<vmem>>) offsets(%dma_start3A_195 : memref<80xi32, #tpu.memory_space<vmem>>) semaphore(%arg14 : memref<!tpu.dma_semaphore, #tpu.memory_space<semaphore_mem>>)
      } else {
      }
      %dma_wait3A_130 = arith.constant 0 : i32
      %dma_wait3A_131 = arith.constant 0 : i32
      %dma_wait3A_132 = tpu.memref_slice %arg3[%dma_wait3A_130, %dma_wait3A_131] : memref<2000000x64xf32, #tpu.memory_space<hbm>> -> memref<80x64xf32, #tpu.memory_space<hbm>>
      %dma_wait3A_133 = arith.constant 0 : i32
      %dma_wait3A_134 = arith.constant 0 : i32
      %dma_wait3A_135 = tpu.memref_slice %arg3[%dma_wait3A_133, %dma_wait3A_134] : memref<2000000x64xf32, #tpu.memory_space<hbm>> -> memref<80x64xf32, #tpu.memory_space<hbm>>
      tpu.wait_dma2 semaphore(%arg16 : memref<!tpu.dma_semaphore, #tpu.memory_space<semaphore_mem>>) src(%dma_wait3A_135 : memref<80x64xf32, #tpu.memory_space<hbm>>) dst(%arg12 : memref<80x64xf32, #tpu.memory_space<vmem>>)
      %mul3A_136 = arith.constant 80 : i32
      %mul3A_137 = arith.muli %add3A_122, %mul3A_136 : i32
      %rem3A_138 = arith.constant 200 : i32
      %rem3A_139 = arith.remsi %mul3A_137, %rem3A_138 : i32
      %scan3A_140 = arith.constant 0 : i32
      %scan3A_141 = arith.constant 0 : i32
      %scan3A_142 = arith.constant 80 : i32
      %scan3A_143 = arith.addi %scan3A_141, %scan3A_142 : i32
      %scan3A_144 = arith.constant 8 : i32
      scf.for %scan3A_187 = %scan3A_141 to %scan3A_143 step %scan3A_144  : i32 {
        %add3A_188 = arith.addi %rem3A_139, %scan3A_187 : i32
        %rem3A_189 = arith.constant 200 : i32
        %rem3A_190 = arith.remsi %add3A_188, %rem3A_189 : i32
        %get3A = arith.index_cast %rem3A_190 : i32 to index
        %get3A_191 = arith.constant 0 : index
        %get3A_192 = tpu.vector_load %arg6[%get3A, %get3A_191] {strides = array<i32>} : memref<200x64xf32, #tpu.memory_space<vmem>>, vector<16xf32>,
        %swap3A = arith.index_cast %scan3A_187 : i32 to index
        %swap3A_193 = arith.constant 0 : index
        %swap3A_194 = tpu.vector_load %arg12[%swap3A, %swap3A_193] {strides = array<i32>} : memref<80x64xf32, #tpu.memory_space<vmem>>, vector<16xf32>,
        tpu.vector_store %arg12[%swap3A, %swap3A_193], %get3A_192 {add = true, strides = array<i32>} : memref<80x64xf32, #tpu.memory_space<vmem>>, vector<16xf32>,
        %get3A_195 = arith.index_cast %rem3A_190 : i32 to index
        %get3A_196 = arith.constant 16 : index
        %get3A_197 = tpu.vector_load %arg6[%get3A_195, %get3A_196] {strides = array<i32>} : memref<200x64xf32, #tpu.memory_space<vmem>>, vector<16xf32>,
        %swap3A_198 = arith.index_cast %scan3A_187 : i32 to index
        %swap3A_199 = arith.constant 16 : index
        %swap3A_200 = tpu.vector_load %arg12[%swap3A_198, %swap3A_199] {strides = array<i32>} : memref<80x64xf32, #tpu.memory_space<vmem>>, vector<16xf32>,
        tpu.vector_store %arg12[%swap3A_198, %swap3A_199], %get3A_197 {add = true, strides = array<i32>} : memref<80x64xf32, #tpu.memory_space<vmem>>, vector<16xf32>,
        %get3A_201 = arith.index_cast %rem3A_190 : i32 to index
        %get3A_202 = arith.constant 32 : index
        %get3A_203 = tpu.vector_load %arg6[%get3A_201, %get3A_202] {strides = array<i32>} : memref<200x64xf32, #tpu.memory_space<vmem>>, vector<16xf32>,
        %swap3A_204 = arith.index_cast %scan3A_187 : i32 to index
        %swap3A_205 = arith.constant 32 : index
        %swap3A_206 = tpu.vector_load %arg12[%swap3A_204, %swap3A_205] {strides = array<i32>} : memref<80x64xf32, #tpu.memory_space<vmem>>, vector<16xf32>,
        tpu.vector_store %arg12[%swap3A_204, %swap3A_205], %get3A_203 {add = true, strides = array<i32>} : memref<80x64xf32, #tpu.memory_space<vmem>>, vector<16xf32>,
        %get3A_207 = arith.index_cast %rem3A_190 : i32 to index
        %get3A_208 = arith.constant 48 : index
        %get3A_209 = tpu.vector_load %arg6[%get3A_207, %get3A_208] {strides = array<i32>} : memref<200x64xf32, #tpu.memory_space<vmem>>, vector<16xf32>,
        %swap3A_210 = arith.index_cast %scan3A_187 : i32 to index
        %swap3A_211 = arith.constant 48 : index
        %swap3A_212 = tpu.vector_load %arg12[%swap3A_210, %swap3A_211] {strides = array<i32>} : memref<80x64xf32, #tpu.memory_space<vmem>>, vector<16xf32>,
        tpu.vector_store %arg12[%swap3A_210, %swap3A_211], %get3A_209 {add = true, strides = array<i32>} : memref<80x64xf32, #tpu.memory_space<vmem>>, vector<16xf32>,
        %scan3A_213 = arith.constant 1 : i32
        %scan3A_214 = arith.addi %scan3A_187, %scan3A_213 : i32
        %add3A_215 = arith.addi %rem3A_139, %scan3A_214 : i32
        %rem3A_216 = arith.constant 200 : i32
        %rem3A_217 = arith.remsi %add3A_215, %rem3A_216 : i32
        %get3A_218 = arith.index_cast %rem3A_217 : i32 to index
        %get3A_219 = arith.constant 0 : index
        %get3A_220 = tpu.vector_load %arg6[%get3A_218, %get3A_219] {strides = array<i32>} : memref<200x64xf32, #tpu.memory_space<vmem>>, vector<16xf32>,
        %swap3A_221 = arith.index_cast %scan3A_214 : i32 to index
        %swap3A_222 = arith.constant 0 : index
        %swap3A_223 = tpu.vector_load %arg12[%swap3A_221, %swap3A_222] {strides = array<i32>} : memref<80x64xf32, #tpu.memory_space<vmem>>, vector<16xf32>,
        tpu.vector_store %arg12[%swap3A_221, %swap3A_222], %get3A_220 {add = true, strides = array<i32>} : memref<80x64xf32, #tpu.memory_space<vmem>>, vector<16xf32>,
        %get3A_224 = arith.index_cast %rem3A_217 : i32 to index
        %get3A_225 = arith.constant 16 : index
        %get3A_226 = tpu.vector_load %arg6[%get3A_224, %get3A_225] {strides = array<i32>} : memref<200x64xf32, #tpu.memory_space<vmem>>, vector<16xf32>,
        %swap3A_227 = arith.index_cast %scan3A_214 : i32 to index
        %swap3A_228 = arith.constant 16 : index
        %swap3A_229 = tpu.vector_load %arg12[%swap3A_227, %swap3A_228] {strides = array<i32>} : memref<80x64xf32, #tpu.memory_space<vmem>>, vector<16xf32>,
        tpu.vector_store %arg12[%swap3A_227, %swap3A_228], %get3A_226 {add = true, strides = array<i32>} : memref<80x64xf32, #tpu.memory_space<vmem>>, vector<16xf32>,
        %get3A_230 = arith.index_cast %rem3A_217 : i32 to index
        %get3A_231 = arith.constant 32 : index
        %get3A_232 = tpu.vector_load %arg6[%get3A_230, %get3A_231] {strides = array<i32>} : memref<200x64xf32, #tpu.memory_space<vmem>>, vector<16xf32>,
        %swap3A_233 = arith.index_cast %scan3A_214 : i32 to index
        %swap3A_234 = arith.constant 32 : index
        %swap3A_235 = tpu.vector_load %arg12[%swap3A_233, %swap3A_234] {strides = array<i32>} : memref<80x64xf32, #tpu.memory_space<vmem>>, vector<16xf32>,
        tpu.vector_store %arg12[%swap3A_233, %swap3A_234], %get3A_232 {add = true, strides = array<i32>} : memref<80x64xf32, #tpu.memory_space<vmem>>, vector<16xf32>,
        %get3A_236 = arith.index_cast %rem3A_217 : i32 to index
        %get3A_237 = arith.constant 48 : index
        %get3A_238 = tpu.vector_load %arg6[%get3A_236, %get3A_237] {strides = array<i32>} : memref<200x64xf32, #tpu.memory_space<vmem>>, vector<16xf32>,
        %swap3A_239 = arith.index_cast %scan3A_214 : i32 to index
        %swap3A_240 = arith.constant 48 : index
        %swap3A_241 = tpu.vector_load %arg12[%swap3A_239, %swap3A_240] {strides = array<i32>} : memref<80x64xf32, #tpu.memory_space<vmem>>, vector<16xf32>,
        tpu.vector_store %arg12[%swap3A_239, %swap3A_240], %get3A_238 {add = true, strides = array<i32>} : memref<80x64xf32, #tpu.memory_space<vmem>>, vector<16xf32>,
        %scan3A_242 = arith.constant 2 : i32
        %scan3A_243 = arith.addi %scan3A_187, %scan3A_242 : i32
        %add3A_244 = arith.addi %rem3A_139, %scan3A_243 : i32
        %rem3A_245 = arith.constant 200 : i32
        %rem3A_246 = arith.remsi %add3A_244, %rem3A_245 : i32
        %get3A_247 = arith.index_cast %rem3A_246 : i32 to index
        %get3A_248 = arith.constant 0 : index
        %get3A_249 = tpu.vector_load %arg6[%get3A_247, %get3A_248] {strides = array<i32>} : memref<200x64xf32, #tpu.memory_space<vmem>>, vector<16xf32>,
        %swap3A_250 = arith.index_cast %scan3A_243 : i32 to index
        %swap3A_251 = arith.constant 0 : index
        %swap3A_252 = tpu.vector_load %arg12[%swap3A_250, %swap3A_251] {strides = array<i32>} : memref<80x64xf32, #tpu.memory_space<vmem>>, vector<16xf32>,
        tpu.vector_store %arg12[%swap3A_250, %swap3A_251], %get3A_249 {add = true, strides = array<i32>} : memref<80x64xf32, #tpu.memory_space<vmem>>, vector<16xf32>,
        %get3A_253 = arith.index_cast %rem3A_246 : i32 to index
        %get3A_254 = arith.constant 16 : index
        %get3A_255 = tpu.vector_load %arg6[%get3A_253, %get3A_254] {strides = array<i32>} : memref<200x64xf32, #tpu.memory_space<vmem>>, vector<16xf32>,
        %swap3A_256 = arith.index_cast %scan3A_243 : i32 to index
        %swap3A_257 = arith.constant 16 : index
        %swap3A_258 = tpu.vector_load %arg12[%swap3A_256, %swap3A_257] {strides = array<i32>} : memref<80x64xf32, #tpu.memory_space<vmem>>, vector<16xf32>,
        tpu.vector_store %arg12[%swap3A_256, %swap3A_257], %get3A_255 {add = true, strides = array<i32>} : memref<80x64xf32, #tpu.memory_space<vmem>>, vector<16xf32>,
        %get3A_259 = arith.index_cast %rem3A_246 : i32 to index
        %get3A_260 = arith.constant 32 : index
        %get3A_261 = tpu.vector_load %arg6[%get3A_259, %get3A_260] {strides = array<i32>} : memref<200x64xf32, #tpu.memory_space<vmem>>, vector<16xf32>,
        %swap3A_262 = arith.index_cast %scan3A_243 : i32 to index
        %swap3A_263 = arith.constant 32 : index
        %swap3A_264 = tpu.vector_load %arg12[%swap3A_262, %swap3A_263] {strides = array<i32>} : memref<80x64xf32, #tpu.memory_space<vmem>>, vector<16xf32>,
        tpu.vector_store %arg12[%swap3A_262, %swap3A_263], %get3A_261 {add = true, strides = array<i32>} : memref<80x64xf32, #tpu.memory_space<vmem>>, vector<16xf32>,
        %get3A_265 = arith.index_cast %rem3A_246 : i32 to index
        %get3A_266 = arith.constant 48 : index
        %get3A_267 = tpu.vector_load %arg6[%get3A_265, %get3A_266] {strides = array<i32>} : memref<200x64xf32, #tpu.memory_space<vmem>>, vector<16xf32>,
        %swap3A_268 = arith.index_cast %scan3A_243 : i32 to index
        %swap3A_269 = arith.constant 48 : index
        %swap3A_270 = tpu.vector_load %arg12[%swap3A_268, %swap3A_269] {strides = array<i32>} : memref<80x64xf32, #tpu.memory_space<vmem>>, vector<16xf32>,
        tpu.vector_store %arg12[%swap3A_268, %swap3A_269], %get3A_267 {add = true, strides = array<i32>} : memref<80x64xf32, #tpu.memory_space<vmem>>, vector<16xf32>,
        %scan3A_271 = arith.constant 3 : i32
        %scan3A_272 = arith.addi %scan3A_187, %scan3A_271 : i32
        %add3A_273 = arith.addi %rem3A_139, %scan3A_272 : i32
        %rem3A_274 = arith.constant 200 : i32
        %rem3A_275 = arith.remsi %add3A_273, %rem3A_274 : i32
        %get3A_276 = arith.index_cast %rem3A_275 : i32 to index
        %get3A_277 = arith.constant 0 : index
        %get3A_278 = tpu.vector_load %arg6[%get3A_276, %get3A_277] {strides = array<i32>} : memref<200x64xf32, #tpu.memory_space<vmem>>, vector<16xf32>,
        %swap3A_279 = arith.index_cast %scan3A_272 : i32 to index
        %swap3A_280 = arith.constant 0 : index
        %swap3A_281 = tpu.vector_load %arg12[%swap3A_279, %swap3A_280] {strides = array<i32>} : memref<80x64xf32, #tpu.memory_space<vmem>>, vector<16xf32>,
        tpu.vector_store %arg12[%swap3A_279, %swap3A_280], %get3A_278 {add = true, strides = array<i32>} : memref<80x64xf32, #tpu.memory_space<vmem>>, vector<16xf32>,
        %get3A_282 = arith.index_cast %rem3A_275 : i32 to index
        %get3A_283 = arith.constant 16 : index
        %get3A_284 = tpu.vector_load %arg6[%get3A_282, %get3A_283] {strides = array<i32>} : memref<200x64xf32, #tpu.memory_space<vmem>>, vector<16xf32>,
        %swap3A_285 = arith.index_cast %scan3A_272 : i32 to index
        %swap3A_286 = arith.constant 16 : index
        %swap3A_287 = tpu.vector_load %arg12[%swap3A_285, %swap3A_286] {strides = array<i32>} : memref<80x64xf32, #tpu.memory_space<vmem>>, vector<16xf32>,
        tpu.vector_store %arg12[%swap3A_285, %swap3A_286], %get3A_284 {add = true, strides = array<i32>} : memref<80x64xf32, #tpu.memory_space<vmem>>, vector<16xf32>,
        %get3A_288 = arith.index_cast %rem3A_275 : i32 to index
        %get3A_289 = arith.constant 32 : index
        %get3A_290 = tpu.vector_load %arg6[%get3A_288, %get3A_289] {strides = array<i32>} : memref<200x64xf32, #tpu.memory_space<vmem>>, vector<16xf32>,
        %swap3A_291 = arith.index_cast %scan3A_272 : i32 to index
        %swap3A_292 = arith.constant 32 : index
        %swap3A_293 = tpu.vector_load %arg12[%swap3A_291, %swap3A_292] {strides = array<i32>} : memref<80x64xf32, #tpu.memory_space<vmem>>, vector<16xf32>,
        tpu.vector_store %arg12[%swap3A_291, %swap3A_292], %get3A_290 {add = true, strides = array<i32>} : memref<80x64xf32, #tpu.memory_space<vmem>>, vector<16xf32>,
        %get3A_294 = arith.index_cast %rem3A_275 : i32 to index
        %get3A_295 = arith.constant 48 : index
        %get3A_296 = tpu.vector_load %arg6[%get3A_294, %get3A_295] {strides = array<i32>} : memref<200x64xf32, #tpu.memory_space<vmem>>, vector<16xf32>,
        %swap3A_297 = arith.index_cast %scan3A_272 : i32 to index
        %swap3A_298 = arith.constant 48 : index
        %swap3A_299 = tpu.vector_load %arg12[%swap3A_297, %swap3A_298] {strides = array<i32>} : memref<80x64xf32, #tpu.memory_space<vmem>>, vector<16xf32>,
        tpu.vector_store %arg12[%swap3A_297, %swap3A_298], %get3A_296 {add = true, strides = array<i32>} : memref<80x64xf32, #tpu.memory_space<vmem>>, vector<16xf32>,
        %scan3A_300 = arith.constant 4 : i32
        %scan3A_301 = arith.addi %scan3A_187, %scan3A_300 : i32
        %add3A_302 = arith.addi %rem3A_139, %scan3A_301 : i32
        %rem3A_303 = arith.constant 200 : i32
        %rem3A_304 = arith.remsi %add3A_302, %rem3A_303 : i32
        %get3A_305 = arith.index_cast %rem3A_304 : i32 to index
        %get3A_306 = arith.constant 0 : index
        %get3A_307 = tpu.vector_load %arg6[%get3A_305, %get3A_306] {strides = array<i32>} : memref<200x64xf32, #tpu.memory_space<vmem>>, vector<16xf32>,
        %swap3A_308 = arith.index_cast %scan3A_301 : i32 to index
        %swap3A_309 = arith.constant 0 : index
        %swap3A_310 = tpu.vector_load %arg12[%swap3A_308, %swap3A_309] {strides = array<i32>} : memref<80x64xf32, #tpu.memory_space<vmem>>, vector<16xf32>,
        tpu.vector_store %arg12[%swap3A_308, %swap3A_309], %get3A_307 {add = true, strides = array<i32>} : memref<80x64xf32, #tpu.memory_space<vmem>>, vector<16xf32>,
        %get3A_311 = arith.index_cast %rem3A_304 : i32 to index
        %get3A_312 = arith.constant 16 : index
        %get3A_313 = tpu.vector_load %arg6[%get3A_311, %get3A_312] {strides = array<i32>} : memref<200x64xf32, #tpu.memory_space<vmem>>, vector<16xf32>,
        %swap3A_314 = arith.index_cast %scan3A_301 : i32 to index
        %swap3A_315 = arith.constant 16 : index
        %swap3A_316 = tpu.vector_load %arg12[%swap3A_314, %swap3A_315] {strides = array<i32>} : memref<80x64xf32, #tpu.memory_space<vmem>>, vector<16xf32>,
        tpu.vector_store %arg12[%swap3A_314, %swap3A_315], %get3A_313 {add = true, strides = array<i32>} : memref<80x64xf32, #tpu.memory_space<vmem>>, vector<16xf32>,
        %get3A_317 = arith.index_cast %rem3A_304 : i32 to index
        %get3A_318 = arith.constant 32 : index
        %get3A_319 = tpu.vector_load %arg6[%get3A_317, %get3A_318] {strides = array<i32>} : memref<200x64xf32, #tpu.memory_space<vmem>>, vector<16xf32>,
        %swap3A_320 = arith.index_cast %scan3A_301 : i32 to index
        %swap3A_321 = arith.constant 32 : index
        %swap3A_322 = tpu.vector_load %arg12[%swap3A_320, %swap3A_321] {strides = array<i32>} : memref<80x64xf32, #tpu.memory_space<vmem>>, vector<16xf32>,
        tpu.vector_store %arg12[%swap3A_320, %swap3A_321], %get3A_319 {add = true, strides = array<i32>} : memref<80x64xf32, #tpu.memory_space<vmem>>, vector<16xf32>,
        %get3A_323 = arith.index_cast %rem3A_304 : i32 to index
        %get3A_324 = arith.constant 48 : index
        %get3A_325 = tpu.vector_load %arg6[%get3A_323, %get3A_324] {strides = array<i32>} : memref<200x64xf32, #tpu.memory_space<vmem>>, vector<16xf32>,
        %swap3A_326 = arith.index_cast %scan3A_301 : i32 to index
        %swap3A_327 = arith.constant 48 : index
        %swap3A_328 = tpu.vector_load %arg12[%swap3A_326, %swap3A_327] {strides = array<i32>} : memref<80x64xf32, #tpu.memory_space<vmem>>, vector<16xf32>,
        tpu.vector_store %arg12[%swap3A_326, %swap3A_327], %get3A_325 {add = true, strides = array<i32>} : memref<80x64xf32, #tpu.memory_space<vmem>>, vector<16xf32>,
        %scan3A_329 = arith.constant 5 : i32
        %scan3A_330 = arith.addi %scan3A_187, %scan3A_329 : i32
        %add3A_331 = arith.addi %rem3A_139, %scan3A_330 : i32
        %rem3A_332 = arith.constant 200 : i32
        %rem3A_333 = arith.remsi %add3A_331, %rem3A_332 : i32
        %get3A_334 = arith.index_cast %rem3A_333 : i32 to index
        %get3A_335 = arith.constant 0 : index
        %get3A_336 = tpu.vector_load %arg6[%get3A_334, %get3A_335] {strides = array<i32>} : memref<200x64xf32, #tpu.memory_space<vmem>>, vector<16xf32>,
        %swap3A_337 = arith.index_cast %scan3A_330 : i32 to index
        %swap3A_338 = arith.constant 0 : index
        %swap3A_339 = tpu.vector_load %arg12[%swap3A_337, %swap3A_338] {strides = array<i32>} : memref<80x64xf32, #tpu.memory_space<vmem>>, vector<16xf32>,
        tpu.vector_store %arg12[%swap3A_337, %swap3A_338], %get3A_336 {add = true, strides = array<i32>} : memref<80x64xf32, #tpu.memory_space<vmem>>, vector<16xf32>,
        %get3A_340 = arith.index_cast %rem3A_333 : i32 to index
        %get3A_341 = arith.constant 16 : index
        %get3A_342 = tpu.vector_load %arg6[%get3A_340, %get3A_341] {strides = array<i32>} : memref<200x64xf32, #tpu.memory_space<vmem>>, vector<16xf32>,
        %swap3A_343 = arith.index_cast %scan3A_330 : i32 to index
        %swap3A_344 = arith.constant 16 : index
        %swap3A_345 = tpu.vector_load %arg12[%swap3A_343, %swap3A_344] {strides = array<i32>} : memref<80x64xf32, #tpu.memory_space<vmem>>, vector<16xf32>,
        tpu.vector_store %arg12[%swap3A_343, %swap3A_344], %get3A_342 {add = true, strides = array<i32>} : memref<80x64xf32, #tpu.memory_space<vmem>>, vector<16xf32>,
        %get3A_346 = arith.index_cast %rem3A_333 : i32 to index
        %get3A_347 = arith.constant 32 : index
        %get3A_348 = tpu.vector_load %arg6[%get3A_346, %get3A_347] {strides = array<i32>} : memref<200x64xf32, #tpu.memory_space<vmem>>, vector<16xf32>,
        %swap3A_349 = arith.index_cast %scan3A_330 : i32 to index
        %swap3A_350 = arith.constant 32 : index
        %swap3A_351 = tpu.vector_load %arg12[%swap3A_349, %swap3A_350] {strides = array<i32>} : memref<80x64xf32, #tpu.memory_space<vmem>>, vector<16xf32>,
        tpu.vector_store %arg12[%swap3A_349, %swap3A_350], %get3A_348 {add = true, strides = array<i32>} : memref<80x64xf32, #tpu.memory_space<vmem>>, vector<16xf32>,
        %get3A_352 = arith.index_cast %rem3A_333 : i32 to index
        %get3A_353 = arith.constant 48 : index
        %get3A_354 = tpu.vector_load %arg6[%get3A_352, %get3A_353] {strides = array<i32>} : memref<200x64xf32, #tpu.memory_space<vmem>>, vector<16xf32>,
        %swap3A_355 = arith.index_cast %scan3A_330 : i32 to index
        %swap3A_356 = arith.constant 48 : index
        %swap3A_357 = tpu.vector_load %arg12[%swap3A_355, %swap3A_356] {strides = array<i32>} : memref<80x64xf32, #tpu.memory_space<vmem>>, vector<16xf32>,
        tpu.vector_store %arg12[%swap3A_355, %swap3A_356], %get3A_354 {add = true, strides = array<i32>} : memref<80x64xf32, #tpu.memory_space<vmem>>, vector<16xf32>,
        %scan3A_358 = arith.constant 6 : i32
        %scan3A_359 = arith.addi %scan3A_187, %scan3A_358 : i32
        %add3A_360 = arith.addi %rem3A_139, %scan3A_359 : i32
        %rem3A_361 = arith.constant 200 : i32
        %rem3A_362 = arith.remsi %add3A_360, %rem3A_361 : i32
        %get3A_363 = arith.index_cast %rem3A_362 : i32 to index
        %get3A_364 = arith.constant 0 : index
        %get3A_365 = tpu.vector_load %arg6[%get3A_363, %get3A_364] {strides = array<i32>} : memref<200x64xf32, #tpu.memory_space<vmem>>, vector<16xf32>,
        %swap3A_366 = arith.index_cast %scan3A_359 : i32 to index
        %swap3A_367 = arith.constant 0 : index
        %swap3A_368 = tpu.vector_load %arg12[%swap3A_366, %swap3A_367] {strides = array<i32>} : memref<80x64xf32, #tpu.memory_space<vmem>>, vector<16xf32>,
        tpu.vector_store %arg12[%swap3A_366, %swap3A_367], %get3A_365 {add = true, strides = array<i32>} : memref<80x64xf32, #tpu.memory_space<vmem>>, vector<16xf32>,
        %get3A_369 = arith.index_cast %rem3A_362 : i32 to index
        %get3A_370 = arith.constant 16 : index
        %get3A_371 = tpu.vector_load %arg6[%get3A_369, %get3A_370] {strides = array<i32>} : memref<200x64xf32, #tpu.memory_space<vmem>>, vector<16xf32>,
        %swap3A_372 = arith.index_cast %scan3A_359 : i32 to index
        %swap3A_373 = arith.constant 16 : index
        %swap3A_374 = tpu.vector_load %arg12[%swap3A_372, %swap3A_373] {strides = array<i32>} : memref<80x64xf32, #tpu.memory_space<vmem>>, vector<16xf32>,
        tpu.vector_store %arg12[%swap3A_372, %swap3A_373], %get3A_371 {add = true, strides = array<i32>} : memref<80x64xf32, #tpu.memory_space<vmem>>, vector<16xf32>,
        %get3A_375 = arith.index_cast %rem3A_362 : i32 to index
        %get3A_376 = arith.constant 32 : index
        %get3A_377 = tpu.vector_load %arg6[%get3A_375, %get3A_376] {strides = array<i32>} : memref<200x64xf32, #tpu.memory_space<vmem>>, vector<16xf32>,
        %swap3A_378 = arith.index_cast %scan3A_359 : i32 to index
        %swap3A_379 = arith.constant 32 : index
        %swap3A_380 = tpu.vector_load %arg12[%swap3A_378, %swap3A_379] {strides = array<i32>} : memref<80x64xf32, #tpu.memory_space<vmem>>, vector<16xf32>,
        tpu.vector_store %arg12[%swap3A_378, %swap3A_379], %get3A_377 {add = true, strides = array<i32>} : memref<80x64xf32, #tpu.memory_space<vmem>>, vector<16xf32>,
        %get3A_381 = arith.index_cast %rem3A_362 : i32 to index
        %get3A_382 = arith.constant 48 : index
        %get3A_383 = tpu.vector_load %arg6[%get3A_381, %get3A_382] {strides = array<i32>} : memref<200x64xf32, #tpu.memory_space<vmem>>, vector<16xf32>,
        %swap3A_384 = arith.index_cast %scan3A_359 : i32 to index
        %swap3A_385 = arith.constant 48 : index
        %swap3A_386 = tpu.vector_load %arg12[%swap3A_384, %swap3A_385] {strides = array<i32>} : memref<80x64xf32, #tpu.memory_space<vmem>>, vector<16xf32>,
        tpu.vector_store %arg12[%swap3A_384, %swap3A_385], %get3A_383 {add = true, strides = array<i32>} : memref<80x64xf32, #tpu.memory_space<vmem>>, vector<16xf32>,
        %scan3A_387 = arith.constant 7 : i32
        %scan3A_388 = arith.addi %scan3A_187, %scan3A_387 : i32
        %add3A_389 = arith.addi %rem3A_139, %scan3A_388 : i32
        %rem3A_390 = arith.constant 200 : i32
        %rem3A_391 = arith.remsi %add3A_389, %rem3A_390 : i32
        %get3A_392 = arith.index_cast %rem3A_391 : i32 to index
        %get3A_393 = arith.constant 0 : index
        %get3A_394 = tpu.vector_load %arg6[%get3A_392, %get3A_393] {strides = array<i32>} : memref<200x64xf32, #tpu.memory_space<vmem>>, vector<16xf32>,
        %swap3A_395 = arith.index_cast %scan3A_388 : i32 to index
        %swap3A_396 = arith.constant 0 : index
        %swap3A_397 = tpu.vector_load %arg12[%swap3A_395, %swap3A_396] {strides = array<i32>} : memref<80x64xf32, #tpu.memory_space<vmem>>, vector<16xf32>,
        tpu.vector_store %arg12[%swap3A_395, %swap3A_396], %get3A_394 {add = true, strides = array<i32>} : memref<80x64xf32, #tpu.memory_space<vmem>>, vector<16xf32>,
        %get3A_398 = arith.index_cast %rem3A_391 : i32 to index
        %get3A_399 = arith.constant 16 : index
        %get3A_400 = tpu.vector_load %arg6[%get3A_398, %get3A_399] {strides = array<i32>} : memref<200x64xf32, #tpu.memory_space<vmem>>, vector<16xf32>,
        %swap3A_401 = arith.index_cast %scan3A_388 : i32 to index
        %swap3A_402 = arith.constant 16 : index
        %swap3A_403 = tpu.vector_load %arg12[%swap3A_401, %swap3A_402] {strides = array<i32>} : memref<80x64xf32, #tpu.memory_space<vmem>>, vector<16xf32>,
        tpu.vector_store %arg12[%swap3A_401, %swap3A_402], %get3A_400 {add = true, strides = array<i32>} : memref<80x64xf32, #tpu.memory_space<vmem>>, vector<16xf32>,
        %get3A_404 = arith.index_cast %rem3A_391 : i32 to index
        %get3A_405 = arith.constant 32 : index
        %get3A_406 = tpu.vector_load %arg6[%get3A_404, %get3A_405] {strides = array<i32>} : memref<200x64xf32, #tpu.memory_space<vmem>>, vector<16xf32>,
        %swap3A_407 = arith.index_cast %scan3A_388 : i32 to index
        %swap3A_408 = arith.constant 32 : index
        %swap3A_409 = tpu.vector_load %arg12[%swap3A_407, %swap3A_408] {strides = array<i32>} : memref<80x64xf32, #tpu.memory_space<vmem>>, vector<16xf32>,
        tpu.vector_store %arg12[%swap3A_407, %swap3A_408], %get3A_406 {add = true, strides = array<i32>} : memref<80x64xf32, #tpu.memory_space<vmem>>, vector<16xf32>,
        %get3A_410 = arith.index_cast %rem3A_391 : i32 to index
        %get3A_411 = arith.constant 48 : index
        %get3A_412 = tpu.vector_load %arg6[%get3A_410, %get3A_411] {strides = array<i32>} : memref<200x64xf32, #tpu.memory_space<vmem>>, vector<16xf32>,
        %swap3A_413 = arith.index_cast %scan3A_388 : i32 to index
        %swap3A_414 = arith.constant 48 : index
        %swap3A_415 = tpu.vector_load %arg12[%swap3A_413, %swap3A_414] {strides = array<i32>} : memref<80x64xf32, #tpu.memory_space<vmem>>, vector<16xf32>,
        tpu.vector_store %arg12[%swap3A_413, %swap3A_414], %get3A_412 {add = true, strides = array<i32>} : memref<80x64xf32, #tpu.memory_space<vmem>>, vector<16xf32>,
      }
      %scan3A_145 = arith.constant 80 : i32
      %mul3A_146 = arith.constant 80 : i32
      %mul3A_147 = arith.muli %add3A_122, %mul3A_146 : i32
      %add3A_148 = arith.addi %mul3A_4, %mul3A_147 : i32
      %dma_start3A_149 = arith.constant 0 : i32
      %dma_start3A_150 = tpu.memref_slice %arg5[%add3A_148, %dma_start3A_149] : memref<204800x64xf32, #tpu.memory_space<hbm>> -> memref<80x64xf32, #tpu.memory_space<hbm>>
      %dma_start3A_151 = arith.constant 0 : i32
      %dma_start3A_152 = tpu.memref_slice %arg5[%add3A_148, %dma_start3A_151] : memref<204800x64xf32, #tpu.memory_space<hbm>> -> memref<80x64xf32, #tpu.memory_space<hbm>>
      tpu.enqueue_dma source(%arg12 : memref<80x64xf32, #tpu.memory_space<vmem>>) target(%dma_start3A_152 : memref<80x64xf32, #tpu.memory_space<hbm>>) target_semaphore(%arg20 : memref<!tpu.dma_semaphore, #tpu.memory_space<semaphore_mem>>)
      %mul3A_153 = arith.constant 4 : i32
      %mul3A_154 = arith.muli %scan3A_54, %mul3A_153 : i32
      %add3A_155 = arith.constant 3 : i32
      %add3A_156 = arith.addi %mul3A_154, %add3A_155 : i32
      %add3A_157 = arith.constant 2 : i32
      %add3A_158 = arith.addi %add3A_156, %add3A_157 : i32
      %lt3A_159 = arith.constant 80 : i32
      %lt3A_160 = arith.cmpi slt, %add3A_158, %lt3A_159 : i32
      %convert_element_type3A_161 = arith.extui %lt3A_160 : i1 to i32
      %cond3A_162 = arith.constant 0 : i32
      %cond3A_163 = arith.cmpi ne, %convert_element_type3A_161, %cond3A_162 : i32
      scf.if %cond3A_163 {
        %ge3A = arith.constant 2 : i32
        %ge3A_187 = arith.cmpi sge, %add3A_156, %ge3A : i32
        %convert_element_type3A_188 = arith.extui %ge3A_187 : i1 to i32
        %cond3A_189 = arith.constant 0 : i32
        %cond3A_190 = arith.cmpi ne, %convert_element_type3A_188, %cond3A_189 : i32
        scf.if %cond3A_190 {
          %dma_wait3A_199 = arith.constant 0 : i32
          %dma_wait3A_200 = arith.constant 0 : i32
          %dma_wait3A_201 = tpu.memref_slice %arg5[%dma_wait3A_199, %dma_wait3A_200] : memref<204800x64xf32, #tpu.memory_space<hbm>> -> memref<80x64xf32, #tpu.memory_space<hbm>>
          %dma_wait3A_202 = arith.constant 0 : i32
          %dma_wait3A_203 = arith.constant 0 : i32
          %dma_wait3A_204 = tpu.memref_slice %arg5[%dma_wait3A_202, %dma_wait3A_203] : memref<204800x64xf32, #tpu.memory_space<hbm>> -> memref<80x64xf32, #tpu.memory_space<hbm>>
          tpu.wait_dma2 semaphore(%arg19 : memref<!tpu.dma_semaphore, #tpu.memory_space<semaphore_mem>>) src(%arg11 : memref<80x64xf32, #tpu.memory_space<vmem>>) dst(%dma_wait3A_204 : memref<80x64xf32, #tpu.memory_space<hbm>>)
        } else {
        }
        %add3A_191 = arith.constant 2 : i32
        %add3A_192 = arith.addi %add3A_156, %add3A_191 : i32
        %mul3A_193 = arith.constant 80 : i32
        %mul3A_194 = arith.muli %add3A_192, %mul3A_193 : i32
        %dma_start3A_195 = tpu.memref_slice %arg9[%mul3A_194] : memref<6400xi32, #tpu.memory_space<vmem>> -> memref<80xi32, #tpu.memory_space<vmem>>
        %dma_start3A_196 = arith.constant 0 : i32
        %dma_start3A_197 = arith.constant 0 : i32
        %dma_start3A_198 = tpu.memref_slice %arg3[%dma_start3A_196, %dma_start3A_197] : memref<2000000x64xf32, #tpu.memory_space<hbm>> -> memref<2000000x64xf32, #tpu.memory_space<hbm>>
        tpu.enqueue_indirect_dma source(%dma_start3A_198 : memref<2000000x64xf32, #tpu.memory_space<hbm>>) target(%arg11 : memref<80x64xf32, #tpu.memory_space<vmem>>) offsets(%dma_start3A_195 : memref<80xi32, #tpu.memory_space<vmem>>) semaphore(%arg15 : memref<!tpu.dma_semaphore, #tpu.memory_space<semaphore_mem>>)
      } else {
      }
      %dma_wait3A_164 = arith.constant 0 : i32
      %dma_wait3A_165 = arith.constant 0 : i32
      %dma_wait3A_166 = tpu.memref_slice %arg3[%dma_wait3A_164, %dma_wait3A_165] : memref<2000000x64xf32, #tpu.memory_space<hbm>> -> memref<80x64xf32, #tpu.memory_space<hbm>>
      %dma_wait3A_167 = arith.constant 0 : i32
      %dma_wait3A_168 = arith.constant 0 : i32
      %dma_wait3A_169 = tpu.memref_slice %arg3[%dma_wait3A_167, %dma_wait3A_168] : memref<2000000x64xf32, #tpu.memory_space<hbm>> -> memref<80x64xf32, #tpu.memory_space<hbm>>
      tpu.wait_dma2 semaphore(%arg17 : memref<!tpu.dma_semaphore, #tpu.memory_space<semaphore_mem>>) src(%dma_wait3A_169 : memref<80x64xf32, #tpu.memory_space<hbm>>) dst(%arg13 : memref<80x64xf32, #tpu.memory_space<vmem>>)
      %mul3A_170 = arith.constant 80 : i32
      %mul3A_171 = arith.muli %add3A_156, %mul3A_170 : i32
      %rem3A_172 = arith.constant 200 : i32
      %rem3A_173 = arith.remsi %mul3A_171, %rem3A_172 : i32
      %scan3A_174 = arith.constant 0 : i32
      %scan3A_175 = arith.constant 0 : i32
      %scan3A_176 = arith.constant 80 : i32
      %scan3A_177 = arith.addi %scan3A_175, %scan3A_176 : i32
      %scan3A_178 = arith.constant 8 : i32
      scf.for %scan3A_187 = %scan3A_175 to %scan3A_177 step %scan3A_178  : i32 {
        %add3A_188 = arith.addi %rem3A_173, %scan3A_187 : i32
        %rem3A_189 = arith.constant 200 : i32
        %rem3A_190 = arith.remsi %add3A_188, %rem3A_189 : i32
        %get3A = arith.index_cast %rem3A_190 : i32 to index
        %get3A_191 = arith.constant 0 : index
        %get3A_192 = tpu.vector_load %arg6[%get3A, %get3A_191] {strides = array<i32>} : memref<200x64xf32, #tpu.memory_space<vmem>>, vector<16xf32>,
        %swap3A = arith.index_cast %scan3A_187 : i32 to index
        %swap3A_193 = arith.constant 0 : index
        %swap3A_194 = tpu.vector_load %arg13[%swap3A, %swap3A_193] {strides = array<i32>} : memref<80x64xf32, #tpu.memory_space<vmem>>, vector<16xf32>,
        tpu.vector_store %arg13[%swap3A, %swap3A_193], %get3A_192 {add = true, strides = array<i32>} : memref<80x64xf32, #tpu.memory_space<vmem>>, vector<16xf32>,
        %get3A_195 = arith.index_cast %rem3A_190 : i32 to index
        %get3A_196 = arith.constant 16 : index
        %get3A_197 = tpu.vector_load %arg6[%get3A_195, %get3A_196] {strides = array<i32>} : memref<200x64xf32, #tpu.memory_space<vmem>>, vector<16xf32>,
        %swap3A_198 = arith.index_cast %scan3A_187 : i32 to index
        %swap3A_199 = arith.constant 16 : index
        %swap3A_200 = tpu.vector_load %arg13[%swap3A_198, %swap3A_199] {strides = array<i32>} : memref<80x64xf32, #tpu.memory_space<vmem>>, vector<16xf32>,
        tpu.vector_store %arg13[%swap3A_198, %swap3A_199], %get3A_197 {add = true, strides = array<i32>} : memref<80x64xf32, #tpu.memory_space<vmem>>, vector<16xf32>,
        %get3A_201 = arith.index_cast %rem3A_190 : i32 to index
        %get3A_202 = arith.constant 32 : index
        %get3A_203 = tpu.vector_load %arg6[%get3A_201, %get3A_202] {strides = array<i32>} : memref<200x64xf32, #tpu.memory_space<vmem>>, vector<16xf32>,
        %swap3A_204 = arith.index_cast %scan3A_187 : i32 to index
        %swap3A_205 = arith.constant 32 : index
        %swap3A_206 = tpu.vector_load %arg13[%swap3A_204, %swap3A_205] {strides = array<i32>} : memref<80x64xf32, #tpu.memory_space<vmem>>, vector<16xf32>,
        tpu.vector_store %arg13[%swap3A_204, %swap3A_205], %get3A_203 {add = true, strides = array<i32>} : memref<80x64xf32, #tpu.memory_space<vmem>>, vector<16xf32>,
        %get3A_207 = arith.index_cast %rem3A_190 : i32 to index
        %get3A_208 = arith.constant 48 : index
        %get3A_209 = tpu.vector_load %arg6[%get3A_207, %get3A_208] {strides = array<i32>} : memref<200x64xf32, #tpu.memory_space<vmem>>, vector<16xf32>,
        %swap3A_210 = arith.index_cast %scan3A_187 : i32 to index
        %swap3A_211 = arith.constant 48 : index
        %swap3A_212 = tpu.vector_load %arg13[%swap3A_210, %swap3A_211] {strides = array<i32>} : memref<80x64xf32, #tpu.memory_space<vmem>>, vector<16xf32>,
        tpu.vector_store %arg13[%swap3A_210, %swap3A_211], %get3A_209 {add = true, strides = array<i32>} : memref<80x64xf32, #tpu.memory_space<vmem>>, vector<16xf32>,
        %scan3A_213 = arith.constant 1 : i32
        %scan3A_214 = arith.addi %scan3A_187, %scan3A_213 : i32
        %add3A_215 = arith.addi %rem3A_173, %scan3A_214 : i32
        %rem3A_216 = arith.constant 200 : i32
        %rem3A_217 = arith.remsi %add3A_215, %rem3A_216 : i32
        %get3A_218 = arith.index_cast %rem3A_217 : i32 to index
        %get3A_219 = arith.constant 0 : index
        %get3A_220 = tpu.vector_load %arg6[%get3A_218, %get3A_219] {strides = array<i32>} : memref<200x64xf32, #tpu.memory_space<vmem>>, vector<16xf32>,
        %swap3A_221 = arith.index_cast %scan3A_214 : i32 to index
        %swap3A_222 = arith.constant 0 : index
        %swap3A_223 = tpu.vector_load %arg13[%swap3A_221, %swap3A_222] {strides = array<i32>} : memref<80x64xf32, #tpu.memory_space<vmem>>, vector<16xf32>,
        tpu.vector_store %arg13[%swap3A_221, %swap3A_222], %get3A_220 {add = true, strides = array<i32>} : memref<80x64xf32, #tpu.memory_space<vmem>>, vector<16xf32>,
        %get3A_224 = arith.index_cast %rem3A_217 : i32 to index
        %get3A_225 = arith.constant 16 : index
        %get3A_226 = tpu.vector_load %arg6[%get3A_224, %get3A_225] {strides = array<i32>} : memref<200x64xf32, #tpu.memory_space<vmem>>, vector<16xf32>,
        %swap3A_227 = arith.index_cast %scan3A_214 : i32 to index
        %swap3A_228 = arith.constant 16 : index
        %swap3A_229 = tpu.vector_load %arg13[%swap3A_227, %swap3A_228] {strides = array<i32>} : memref<80x64xf32, #tpu.memory_space<vmem>>, vector<16xf32>,
        tpu.vector_store %arg13[%swap3A_227, %swap3A_228], %get3A_226 {add = true, strides = array<i32>} : memref<80x64xf32, #tpu.memory_space<vmem>>, vector<16xf32>,
        %get3A_230 = arith.index_cast %rem3A_217 : i32 to index
        %get3A_231 = arith.constant 32 : index
        %get3A_232 = tpu.vector_load %arg6[%get3A_230, %get3A_231] {strides = array<i32>} : memref<200x64xf32, #tpu.memory_space<vmem>>, vector<16xf32>,
        %swap3A_233 = arith.index_cast %scan3A_214 : i32 to index
        %swap3A_234 = arith.constant 32 : index
        %swap3A_235 = tpu.vector_load %arg13[%swap3A_233, %swap3A_234] {strides = array<i32>} : memref<80x64xf32, #tpu.memory_space<vmem>>, vector<16xf32>,
        tpu.vector_store %arg13[%swap3A_233, %swap3A_234], %get3A_232 {add = true, strides = array<i32>} : memref<80x64xf32, #tpu.memory_space<vmem>>, vector<16xf32>,
        %get3A_236 = arith.index_cast %rem3A_217 : i32 to index
        %get3A_237 = arith.constant 48 : index
        %get3A_238 = tpu.vector_load %arg6[%get3A_236, %get3A_237] {strides = array<i32>} : memref<200x64xf32, #tpu.memory_space<vmem>>, vector<16xf32>,
        %swap3A_239 = arith.index_cast %scan3A_214 : i32 to index
        %swap3A_240 = arith.constant 48 : index
        %swap3A_241 = tpu.vector_load %arg13[%swap3A_239, %swap3A_240] {strides = array<i32>} : memref<80x64xf32, #tpu.memory_space<vmem>>, vector<16xf32>,
        tpu.vector_store %arg13[%swap3A_239, %swap3A_240], %get3A_238 {add = true, strides = array<i32>} : memref<80x64xf32, #tpu.memory_space<vmem>>, vector<16xf32>,
        %scan3A_242 = arith.constant 2 : i32
        %scan3A_243 = arith.addi %scan3A_187, %scan3A_242 : i32
        %add3A_244 = arith.addi %rem3A_173, %scan3A_243 : i32
        %rem3A_245 = arith.constant 200 : i32
        %rem3A_246 = arith.remsi %add3A_244, %rem3A_245 : i32
        %get3A_247 = arith.index_cast %rem3A_246 : i32 to index
        %get3A_248 = arith.constant 0 : index
        %get3A_249 = tpu.vector_load %arg6[%get3A_247, %get3A_248] {strides = array<i32>} : memref<200x64xf32, #tpu.memory_space<vmem>>, vector<16xf32>,
        %swap3A_250 = arith.index_cast %scan3A_243 : i32 to index
        %swap3A_251 = arith.constant 0 : index
        %swap3A_252 = tpu.vector_load %arg13[%swap3A_250, %swap3A_251] {strides = array<i32>} : memref<80x64xf32, #tpu.memory_space<vmem>>, vector<16xf32>,
        tpu.vector_store %arg13[%swap3A_250, %swap3A_251], %get3A_249 {add = true, strides = array<i32>} : memref<80x64xf32, #tpu.memory_space<vmem>>, vector<16xf32>,
        %get3A_253 = arith.index_cast %rem3A_246 : i32 to index
        %get3A_254 = arith.constant 16 : index
        %get3A_255 = tpu.vector_load %arg6[%get3A_253, %get3A_254] {strides = array<i32>} : memref<200x64xf32, #tpu.memory_space<vmem>>, vector<16xf32>,
        %swap3A_256 = arith.index_cast %scan3A_243 : i32 to index
        %swap3A_257 = arith.constant 16 : index
        %swap3A_258 = tpu.vector_load %arg13[%swap3A_256, %swap3A_257] {strides = array<i32>} : memref<80x64xf32, #tpu.memory_space<vmem>>, vector<16xf32>,
        tpu.vector_store %arg13[%swap3A_256, %swap3A_257], %get3A_255 {add = true, strides = array<i32>} : memref<80x64xf32, #tpu.memory_space<vmem>>, vector<16xf32>,
        %get3A_259 = arith.index_cast %rem3A_246 : i32 to index
        %get3A_260 = arith.constant 32 : index
        %get3A_261 = tpu.vector_load %arg6[%get3A_259, %get3A_260] {strides = array<i32>} : memref<200x64xf32, #tpu.memory_space<vmem>>, vector<16xf32>,
        %swap3A_262 = arith.index_cast %scan3A_243 : i32 to index
        %swap3A_263 = arith.constant 32 : index
        %swap3A_264 = tpu.vector_load %arg13[%swap3A_262, %swap3A_263] {strides = array<i32>} : memref<80x64xf32, #tpu.memory_space<vmem>>, vector<16xf32>,
        tpu.vector_store %arg13[%swap3A_262, %swap3A_263], %get3A_261 {add = true, strides = array<i32>} : memref<80x64xf32, #tpu.memory_space<vmem>>, vector<16xf32>,
        %get3A_265 = arith.index_cast %rem3A_246 : i32 to index
        %get3A_266 = arith.constant 48 : index
        %get3A_267 = tpu.vector_load %arg6[%get3A_265, %get3A_266] {strides = array<i32>} : memref<200x64xf32, #tpu.memory_space<vmem>>, vector<16xf32>,
        %swap3A_268 = arith.index_cast %scan3A_243 : i32 to index
        %swap3A_269 = arith.constant 48 : index
        %swap3A_270 = tpu.vector_load %arg13[%swap3A_268, %swap3A_269] {strides = array<i32>} : memref<80x64xf32, #tpu.memory_space<vmem>>, vector<16xf32>,
        tpu.vector_store %arg13[%swap3A_268, %swap3A_269], %get3A_267 {add = true, strides = array<i32>} : memref<80x64xf32, #tpu.memory_space<vmem>>, vector<16xf32>,
        %scan3A_271 = arith.constant 3 : i32
        %scan3A_272 = arith.addi %scan3A_187, %scan3A_271 : i32
        %add3A_273 = arith.addi %rem3A_173, %scan3A_272 : i32
        %rem3A_274 = arith.constant 200 : i32
        %rem3A_275 = arith.remsi %add3A_273, %rem3A_274 : i32
        %get3A_276 = arith.index_cast %rem3A_275 : i32 to index
        %get3A_277 = arith.constant 0 : index
        %get3A_278 = tpu.vector_load %arg6[%get3A_276, %get3A_277] {strides = array<i32>} : memref<200x64xf32, #tpu.memory_space<vmem>>, vector<16xf32>,
        %swap3A_279 = arith.index_cast %scan3A_272 : i32 to index
        %swap3A_280 = arith.constant 0 : index
        %swap3A_281 = tpu.vector_load %arg13[%swap3A_279, %swap3A_280] {strides = array<i32>} : memref<80x64xf32, #tpu.memory_space<vmem>>, vector<16xf32>,
        tpu.vector_store %arg13[%swap3A_279, %swap3A_280], %get3A_278 {add = true, strides = array<i32>} : memref<80x64xf32, #tpu.memory_space<vmem>>, vector<16xf32>,
        %get3A_282 = arith.index_cast %rem3A_275 : i32 to index
        %get3A_283 = arith.constant 16 : index
        %get3A_284 = tpu.vector_load %arg6[%get3A_282, %get3A_283] {strides = array<i32>} : memref<200x64xf32, #tpu.memory_space<vmem>>, vector<16xf32>,
        %swap3A_285 = arith.index_cast %scan3A_272 : i32 to index
        %swap3A_286 = arith.constant 16 : index
        %swap3A_287 = tpu.vector_load %arg13[%swap3A_285, %swap3A_286] {strides = array<i32>} : memref<80x64xf32, #tpu.memory_space<vmem>>, vector<16xf32>,
        tpu.vector_store %arg13[%swap3A_285, %swap3A_286], %get3A_284 {add = true, strides = array<i32>} : memref<80x64xf32, #tpu.memory_space<vmem>>, vector<16xf32>,
        %get3A_288 = arith.index_cast %rem3A_275 : i32 to index
        %get3A_289 = arith.constant 32 : index
        %get3A_290 = tpu.vector_load %arg6[%get3A_288, %get3A_289] {strides = array<i32>} : memref<200x64xf32, #tpu.memory_space<vmem>>, vector<16xf32>,
        %swap3A_291 = arith.index_cast %scan3A_272 : i32 to index
        %swap3A_292 = arith.constant 32 : index
        %swap3A_293 = tpu.vector_load %arg13[%swap3A_291, %swap3A_292] {strides = array<i32>} : memref<80x64xf32, #tpu.memory_space<vmem>>, vector<16xf32>,
        tpu.vector_store %arg13[%swap3A_291, %swap3A_292], %get3A_290 {add = true, strides = array<i32>} : memref<80x64xf32, #tpu.memory_space<vmem>>, vector<16xf32>,
        %get3A_294 = arith.index_cast %rem3A_275 : i32 to index
        %get3A_295 = arith.constant 48 : index
        %get3A_296 = tpu.vector_load %arg6[%get3A_294, %get3A_295] {strides = array<i32>} : memref<200x64xf32, #tpu.memory_space<vmem>>, vector<16xf32>,
        %swap3A_297 = arith.index_cast %scan3A_272 : i32 to index
        %swap3A_298 = arith.constant 48 : index
        %swap3A_299 = tpu.vector_load %arg13[%swap3A_297, %swap3A_298] {strides = array<i32>} : memref<80x64xf32, #tpu.memory_space<vmem>>, vector<16xf32>,
        tpu.vector_store %arg13[%swap3A_297, %swap3A_298], %get3A_296 {add = true, strides = array<i32>} : memref<80x64xf32, #tpu.memory_space<vmem>>, vector<16xf32>,
        %scan3A_300 = arith.constant 4 : i32
        %scan3A_301 = arith.addi %scan3A_187, %scan3A_300 : i32
        %add3A_302 = arith.addi %rem3A_173, %scan3A_301 : i32
        %rem3A_303 = arith.constant 200 : i32
        %rem3A_304 = arith.remsi %add3A_302, %rem3A_303 : i32
        %get3A_305 = arith.index_cast %rem3A_304 : i32 to index
        %get3A_306 = arith.constant 0 : index
        %get3A_307 = tpu.vector_load %arg6[%get3A_305, %get3A_306] {strides = array<i32>} : memref<200x64xf32, #tpu.memory_space<vmem>>, vector<16xf32>,
        %swap3A_308 = arith.index_cast %scan3A_301 : i32 to index
        %swap3A_309 = arith.constant 0 : index
        %swap3A_310 = tpu.vector_load %arg13[%swap3A_308, %swap3A_309] {strides = array<i32>} : memref<80x64xf32, #tpu.memory_space<vmem>>, vector<16xf32>,
        tpu.vector_store %arg13[%swap3A_308, %swap3A_309], %get3A_307 {add = true, strides = array<i32>} : memref<80x64xf32, #tpu.memory_space<vmem>>, vector<16xf32>,
        %get3A_311 = arith.index_cast %rem3A_304 : i32 to index
        %get3A_312 = arith.constant 16 : index
        %get3A_313 = tpu.vector_load %arg6[%get3A_311, %get3A_312] {strides = array<i32>} : memref<200x64xf32, #tpu.memory_space<vmem>>, vector<16xf32>,
        %swap3A_314 = arith.index_cast %scan3A_301 : i32 to index
        %swap3A_315 = arith.constant 16 : index
        %swap3A_316 = tpu.vector_load %arg13[%swap3A_314, %swap3A_315] {strides = array<i32>} : memref<80x64xf32, #tpu.memory_space<vmem>>, vector<16xf32>,
        tpu.vector_store %arg13[%swap3A_314, %swap3A_315], %get3A_313 {add = true, strides = array<i32>} : memref<80x64xf32, #tpu.memory_space<vmem>>, vector<16xf32>,
        %get3A_317 = arith.index_cast %rem3A_304 : i32 to index
        %get3A_318 = arith.constant 32 : index
        %get3A_319 = tpu.vector_load %arg6[%get3A_317, %get3A_318] {strides = array<i32>} : memref<200x64xf32, #tpu.memory_space<vmem>>, vector<16xf32>,
        %swap3A_320 = arith.index_cast %scan3A_301 : i32 to index
        %swap3A_321 = arith.constant 32 : index
        %swap3A_322 = tpu.vector_load %arg13[%swap3A_320, %swap3A_321] {strides = array<i32>} : memref<80x64xf32, #tpu.memory_space<vmem>>, vector<16xf32>,
        tpu.vector_store %arg13[%swap3A_320, %swap3A_321], %get3A_319 {add = true, strides = array<i32>} : memref<80x64xf32, #tpu.memory_space<vmem>>, vector<16xf32>,
        %get3A_323 = arith.index_cast %rem3A_304 : i32 to index
        %get3A_324 = arith.constant 48 : index
        %get3A_325 = tpu.vector_load %arg6[%get3A_323, %get3A_324] {strides = array<i32>} : memref<200x64xf32, #tpu.memory_space<vmem>>, vector<16xf32>,
        %swap3A_326 = arith.index_cast %scan3A_301 : i32 to index
        %swap3A_327 = arith.constant 48 : index
        %swap3A_328 = tpu.vector_load %arg13[%swap3A_326, %swap3A_327] {strides = array<i32>} : memref<80x64xf32, #tpu.memory_space<vmem>>, vector<16xf32>,
        tpu.vector_store %arg13[%swap3A_326, %swap3A_327], %get3A_325 {add = true, strides = array<i32>} : memref<80x64xf32, #tpu.memory_space<vmem>>, vector<16xf32>,
        %scan3A_329 = arith.constant 5 : i32
        %scan3A_330 = arith.addi %scan3A_187, %scan3A_329 : i32
        %add3A_331 = arith.addi %rem3A_173, %scan3A_330 : i32
        %rem3A_332 = arith.constant 200 : i32
        %rem3A_333 = arith.remsi %add3A_331, %rem3A_332 : i32
        %get3A_334 = arith.index_cast %rem3A_333 : i32 to index
        %get3A_335 = arith.constant 0 : index
        %get3A_336 = tpu.vector_load %arg6[%get3A_334, %get3A_335] {strides = array<i32>} : memref<200x64xf32, #tpu.memory_space<vmem>>, vector<16xf32>,
        %swap3A_337 = arith.index_cast %scan3A_330 : i32 to index
        %swap3A_338 = arith.constant 0 : index
        %swap3A_339 = tpu.vector_load %arg13[%swap3A_337, %swap3A_338] {strides = array<i32>} : memref<80x64xf32, #tpu.memory_space<vmem>>, vector<16xf32>,
        tpu.vector_store %arg13[%swap3A_337, %swap3A_338], %get3A_336 {add = true, strides = array<i32>} : memref<80x64xf32, #tpu.memory_space<vmem>>, vector<16xf32>,
        %get3A_340 = arith.index_cast %rem3A_333 : i32 to index
        %get3A_341 = arith.constant 16 : index
        %get3A_342 = tpu.vector_load %arg6[%get3A_340, %get3A_341] {strides = array<i32>} : memref<200x64xf32, #tpu.memory_space<vmem>>, vector<16xf32>,
        %swap3A_343 = arith.index_cast %scan3A_330 : i32 to index
        %swap3A_344 = arith.constant 16 : index
        %swap3A_345 = tpu.vector_load %arg13[%swap3A_343, %swap3A_344] {strides = array<i32>} : memref<80x64xf32, #tpu.memory_space<vmem>>, vector<16xf32>,
        tpu.vector_store %arg13[%swap3A_343, %swap3A_344], %get3A_342 {add = true, strides = array<i32>} : memref<80x64xf32, #tpu.memory_space<vmem>>, vector<16xf32>,
        %get3A_346 = arith.index_cast %rem3A_333 : i32 to index
        %get3A_347 = arith.constant 32 : index
        %get3A_348 = tpu.vector_load %arg6[%get3A_346, %get3A_347] {strides = array<i32>} : memref<200x64xf32, #tpu.memory_space<vmem>>, vector<16xf32>,
        %swap3A_349 = arith.index_cast %scan3A_330 : i32 to index
        %swap3A_350 = arith.constant 32 : index
        %swap3A_351 = tpu.vector_load %arg13[%swap3A_349, %swap3A_350] {strides = array<i32>} : memref<80x64xf32, #tpu.memory_space<vmem>>, vector<16xf32>,
        tpu.vector_store %arg13[%swap3A_349, %swap3A_350], %get3A_348 {add = true, strides = array<i32>} : memref<80x64xf32, #tpu.memory_space<vmem>>, vector<16xf32>,
        %get3A_352 = arith.index_cast %rem3A_333 : i32 to index
        %get3A_353 = arith.constant 48 : index
        %get3A_354 = tpu.vector_load %arg6[%get3A_352, %get3A_353] {strides = array<i32>} : memref<200x64xf32, #tpu.memory_space<vmem>>, vector<16xf32>,
        %swap3A_355 = arith.index_cast %scan3A_330 : i32 to index
        %swap3A_356 = arith.constant 48 : index
        %swap3A_357 = tpu.vector_load %arg13[%swap3A_355, %swap3A_356] {strides = array<i32>} : memref<80x64xf32, #tpu.memory_space<vmem>>, vector<16xf32>,
        tpu.vector_store %arg13[%swap3A_355, %swap3A_356], %get3A_354 {add = true, strides = array<i32>} : memref<80x64xf32, #tpu.memory_space<vmem>>, vector<16xf32>,
        %scan3A_358 = arith.constant 6 : i32
        %scan3A_359 = arith.addi %scan3A_187, %scan3A_358 : i32
        %add3A_360 = arith.addi %rem3A_173, %scan3A_359 : i32
        %rem3A_361 = arith.constant 200 : i32
        %rem3A_362 = arith.remsi %add3A_360, %rem3A_361 : i32
        %get3A_363 = arith.index_cast %rem3A_362 : i32 to index
        %get3A_364 = arith.constant 0 : index
        %get3A_365 = tpu.vector_load %arg6[%get3A_363, %get3A_364] {strides = array<i32>} : memref<200x64xf32, #tpu.memory_space<vmem>>, vector<16xf32>,
        %swap3A_366 = arith.index_cast %scan3A_359 : i32 to index
        %swap3A_367 = arith.constant 0 : index
        %swap3A_368 = tpu.vector_load %arg13[%swap3A_366, %swap3A_367] {strides = array<i32>} : memref<80x64xf32, #tpu.memory_space<vmem>>, vector<16xf32>,
        tpu.vector_store %arg13[%swap3A_366, %swap3A_367], %get3A_365 {add = true, strides = array<i32>} : memref<80x64xf32, #tpu.memory_space<vmem>>, vector<16xf32>,
        %get3A_369 = arith.index_cast %rem3A_362 : i32 to index
        %get3A_370 = arith.constant 16 : index
        %get3A_371 = tpu.vector_load %arg6[%get3A_369, %get3A_370] {strides = array<i32>} : memref<200x64xf32, #tpu.memory_space<vmem>>, vector<16xf32>,
        %swap3A_372 = arith.index_cast %scan3A_359 : i32 to index
        %swap3A_373 = arith.constant 16 : index
        %swap3A_374 = tpu.vector_load %arg13[%swap3A_372, %swap3A_373] {strides = array<i32>} : memref<80x64xf32, #tpu.memory_space<vmem>>, vector<16xf32>,
        tpu.vector_store %arg13[%swap3A_372, %swap3A_373], %get3A_371 {add = true, strides = array<i32>} : memref<80x64xf32, #tpu.memory_space<vmem>>, vector<16xf32>,
        %get3A_375 = arith.index_cast %rem3A_362 : i32 to index
        %get3A_376 = arith.constant 32 : index
        %get3A_377 = tpu.vector_load %arg6[%get3A_375, %get3A_376] {strides = array<i32>} : memref<200x64xf32, #tpu.memory_space<vmem>>, vector<16xf32>,
        %swap3A_378 = arith.index_cast %scan3A_359 : i32 to index
        %swap3A_379 = arith.constant 32 : index
        %swap3A_380 = tpu.vector_load %arg13[%swap3A_378, %swap3A_379] {strides = array<i32>} : memref<80x64xf32, #tpu.memory_space<vmem>>, vector<16xf32>,
        tpu.vector_store %arg13[%swap3A_378, %swap3A_379], %get3A_377 {add = true, strides = array<i32>} : memref<80x64xf32, #tpu.memory_space<vmem>>, vector<16xf32>,
        %get3A_381 = arith.index_cast %rem3A_362 : i32 to index
        %get3A_382 = arith.constant 48 : index
        %get3A_383 = tpu.vector_load %arg6[%get3A_381, %get3A_382] {strides = array<i32>} : memref<200x64xf32, #tpu.memory_space<vmem>>, vector<16xf32>,
        %swap3A_384 = arith.index_cast %scan3A_359 : i32 to index
        %swap3A_385 = arith.constant 48 : index
        %swap3A_386 = tpu.vector_load %arg13[%swap3A_384, %swap3A_385] {strides = array<i32>} : memref<80x64xf32, #tpu.memory_space<vmem>>, vector<16xf32>,
        tpu.vector_store %arg13[%swap3A_384, %swap3A_385], %get3A_383 {add = true, strides = array<i32>} : memref<80x64xf32, #tpu.memory_space<vmem>>, vector<16xf32>,
        %scan3A_387 = arith.constant 7 : i32
        %scan3A_388 = arith.addi %scan3A_187, %scan3A_387 : i32
        %add3A_389 = arith.addi %rem3A_173, %scan3A_388 : i32
        %rem3A_390 = arith.constant 200 : i32
        %rem3A_391 = arith.remsi %add3A_389, %rem3A_390 : i32
        %get3A_392 = arith.index_cast %rem3A_391 : i32 to index
        %get3A_393 = arith.constant 0 : index
        %get3A_394 = tpu.vector_load %arg6[%get3A_392, %get3A_393] {strides = array<i32>} : memref<200x64xf32, #tpu.memory_space<vmem>>, vector<16xf32>,
        %swap3A_395 = arith.index_cast %scan3A_388 : i32 to index
        %swap3A_396 = arith.constant 0 : index
        %swap3A_397 = tpu.vector_load %arg13[%swap3A_395, %swap3A_396] {strides = array<i32>} : memref<80x64xf32, #tpu.memory_space<vmem>>, vector<16xf32>,
        tpu.vector_store %arg13[%swap3A_395, %swap3A_396], %get3A_394 {add = true, strides = array<i32>} : memref<80x64xf32, #tpu.memory_space<vmem>>, vector<16xf32>,
        %get3A_398 = arith.index_cast %rem3A_391 : i32 to index
        %get3A_399 = arith.constant 16 : index
        %get3A_400 = tpu.vector_load %arg6[%get3A_398, %get3A_399] {strides = array<i32>} : memref<200x64xf32, #tpu.memory_space<vmem>>, vector<16xf32>,
        %swap3A_401 = arith.index_cast %scan3A_388 : i32 to index
        %swap3A_402 = arith.constant 16 : index
        %swap3A_403 = tpu.vector_load %arg13[%swap3A_401, %swap3A_402] {strides = array<i32>} : memref<80x64xf32, #tpu.memory_space<vmem>>, vector<16xf32>,
        tpu.vector_store %arg13[%swap3A_401, %swap3A_402], %get3A_400 {add = true, strides = array<i32>} : memref<80x64xf32, #tpu.memory_space<vmem>>, vector<16xf32>,
        %get3A_404 = arith.index_cast %rem3A_391 : i32 to index
        %get3A_405 = arith.constant 32 : index
        %get3A_406 = tpu.vector_load %arg6[%get3A_404, %get3A_405] {strides = array<i32>} : memref<200x64xf32, #tpu.memory_space<vmem>>, vector<16xf32>,
        %swap3A_407 = arith.index_cast %scan3A_388 : i32 to index
        %swap3A_408 = arith.constant 32 : index
        %swap3A_409 = tpu.vector_load %arg13[%swap3A_407, %swap3A_408] {strides = array<i32>} : memref<80x64xf32, #tpu.memory_space<vmem>>, vector<16xf32>,
        tpu.vector_store %arg13[%swap3A_407, %swap3A_408], %get3A_406 {add = true, strides = array<i32>} : memref<80x64xf32, #tpu.memory_space<vmem>>, vector<16xf32>,
        %get3A_410 = arith.index_cast %rem3A_391 : i32 to index
        %get3A_411 = arith.constant 48 : index
        %get3A_412 = tpu.vector_load %arg6[%get3A_410, %get3A_411] {strides = array<i32>} : memref<200x64xf32, #tpu.memory_space<vmem>>, vector<16xf32>,
        %swap3A_413 = arith.index_cast %scan3A_388 : i32 to index
        %swap3A_414 = arith.constant 48 : index
        %swap3A_415 = tpu.vector_load %arg13[%swap3A_413, %swap3A_414] {strides = array<i32>} : memref<80x64xf32, #tpu.memory_space<vmem>>, vector<16xf32>,
        tpu.vector_store %arg13[%swap3A_413, %swap3A_414], %get3A_412 {add = true, strides = array<i32>} : memref<80x64xf32, #tpu.memory_space<vmem>>, vector<16xf32>,
      }
      %scan3A_179 = arith.constant 80 : i32
      %mul3A_180 = arith.constant 80 : i32
      %mul3A_181 = arith.muli %add3A_156, %mul3A_180 : i32
      %add3A_182 = arith.addi %mul3A_4, %mul3A_181 : i32
      %dma_start3A_183 = arith.constant 0 : i32
      %dma_start3A_184 = tpu.memref_slice %arg5[%add3A_182, %dma_start3A_183] : memref<204800x64xf32, #tpu.memory_space<hbm>> -> memref<80x64xf32, #tpu.memory_space<hbm>>
      %dma_start3A_185 = arith.constant 0 : i32
      %dma_start3A_186 = tpu.memref_slice %arg5[%add3A_182, %dma_start3A_185] : memref<204800x64xf32, #tpu.memory_space<hbm>> -> memref<80x64xf32, #tpu.memory_space<hbm>>
      tpu.enqueue_dma source(%arg13 : memref<80x64xf32, #tpu.memory_space<vmem>>) target(%dma_start3A_186 : memref<80x64xf32, #tpu.memory_space<hbm>>) target_semaphore(%arg21 : memref<!tpu.dma_semaphore, #tpu.memory_space<semaphore_mem>>)
    }
    %scan3A_30 = arith.constant 20 : i32
    %dma_wait3A = arith.constant 0 : i32
    %dma_wait3A_31 = arith.constant 0 : i32
    %dma_wait3A_32 = tpu.memref_slice %arg5[%dma_wait3A, %dma_wait3A_31] : memref<204800x64xf32, #tpu.memory_space<hbm>> -> memref<80x64xf32, #tpu.memory_space<hbm>>
    %dma_wait3A_33 = arith.constant 0 : i32
    %dma_wait3A_34 = arith.constant 0 : i32
    %dma_wait3A_35 = tpu.memref_slice %arg5[%dma_wait3A_33, %dma_wait3A_34] : memref<204800x64xf32, #tpu.memory_space<hbm>> -> memref<80x64xf32, #tpu.memory_space<hbm>>
    tpu.wait_dma2 semaphore(%arg18 : memref<!tpu.dma_semaphore, #tpu.memory_space<semaphore_mem>>) src(%arg10 : memref<80x64xf32, #tpu.memory_space<vmem>>) dst(%dma_wait3A_35 : memref<80x64xf32, #tpu.memory_space<hbm>>)
    %dma_wait3A_36 = arith.constant 0 : i32
    %dma_wait3A_37 = arith.constant 0 : i32
    %dma_wait3A_38 = tpu.memref_slice %arg5[%dma_wait3A_36, %dma_wait3A_37] : memref<204800x64xf32, #tpu.memory_space<hbm>> -> memref<80x64xf32, #tpu.memory_space<hbm>>
    %dma_wait3A_39 = arith.constant 0 : i32
    %dma_wait3A_40 = arith.constant 0 : i32
    %dma_wait3A_41 = tpu.memref_slice %arg5[%dma_wait3A_39, %dma_wait3A_40] : memref<204800x64xf32, #tpu.memory_space<hbm>> -> memref<80x64xf32, #tpu.memory_space<hbm>>
    tpu.wait_dma2 semaphore(%arg19 : memref<!tpu.dma_semaphore, #tpu.memory_space<semaphore_mem>>) src(%arg11 : memref<80x64xf32, #tpu.memory_space<vmem>>) dst(%dma_wait3A_41 : memref<80x64xf32, #tpu.memory_space<hbm>>)
    %dma_wait3A_42 = arith.constant 0 : i32
    %dma_wait3A_43 = arith.constant 0 : i32
    %dma_wait3A_44 = tpu.memref_slice %arg5[%dma_wait3A_42, %dma_wait3A_43] : memref<204800x64xf32, #tpu.memory_space<hbm>> -> memref<80x64xf32, #tpu.memory_space<hbm>>
    %dma_wait3A_45 = arith.constant 0 : i32
    %dma_wait3A_46 = arith.constant 0 : i32
    %dma_wait3A_47 = tpu.memref_slice %arg5[%dma_wait3A_45, %dma_wait3A_46] : memref<204800x64xf32, #tpu.memory_space<hbm>> -> memref<80x64xf32, #tpu.memory_space<hbm>>
    tpu.wait_dma2 semaphore(%arg20 : memref<!tpu.dma_semaphore, #tpu.memory_space<semaphore_mem>>) src(%arg12 : memref<80x64xf32, #tpu.memory_space<vmem>>) dst(%dma_wait3A_47 : memref<80x64xf32, #tpu.memory_space<hbm>>)
    %dma_wait3A_48 = arith.constant 0 : i32
    %dma_wait3A_49 = arith.constant 0 : i32
    %dma_wait3A_50 = tpu.memref_slice %arg5[%dma_wait3A_48, %dma_wait3A_49] : memref<204800x64xf32, #tpu.memory_space<hbm>> -> memref<80x64xf32, #tpu.memory_space<hbm>>
    %dma_wait3A_51 = arith.constant 0 : i32
    %dma_wait3A_52 = arith.constant 0 : i32
    %dma_wait3A_53 = tpu.memref_slice %arg5[%dma_wait3A_51, %dma_wait3A_52] : memref<204800x64xf32, #tpu.memory_space<hbm>> -> memref<80x64xf32, #tpu.memory_space<hbm>>
    tpu.wait_dma2 semaphore(%arg21 : memref<!tpu.dma_semaphore, #tpu.memory_space<semaphore_mem>>) src(%arg13 : memref<80x64xf32, #tpu.memory_space<vmem>>) dst(%dma_wait3A_53 : memref<80x64xf32, #tpu.memory_space<hbm>>)
    return
  }
}

</mosaic_0001>

<sc_bundles>
// kernel: kernel.3.cloned.1.call-start
scs
__scs_entry_jumppad:
0x0: {  	(pc) =	sbr.rel $0x88, $3  }
0x1: {  	(tag) =	ssettag $0x0;
	lr =	simm.s32 $0x1  }
0x2: {  	[smem:$0x3F9E] =	sst lr;
	_ =	strace $0xD0000000  }
0x3: {  	_ = 	snop  }
0x4: {  	_ = 	snop  }
0x5: {  	_ = 	snop  }
0x6: {  	_ = 	snop  }
0x7: {  	_ = 	snop  }
__scs_overlays_trampoline_lowered:
0x8: {  	[smem:$0x3FAD] =	sst s0  }
0x9: {  	[smem:$0x3FAE] =	sst s1  }
0xa: {  	[smem:$0x3FAF] =	sst s2  }
0xb: {  	[smem:$0x3FB0] =	sst s3  }
0xc: {  	[smem:$0x3FB1] =	sst s4  }
0xd: {  	[smem:$0x3FB2] =	sst s5  }
0xe: {  	[smem:$0x3FB3] =	sst s6  }
0xf: {  	[smem:$0x3FB4] =	sst s7  }
0x10: {  	[smem:$0x3FB5] =	sst s8  }
0x11: {  	[smem:$0x3FB6] =	sst s9;
	s0 =	simm.s32 @!p0 $0x0  }
0x12: {  	s1 =	sld [smem:$0x3F9C];
	s0 =	simm.s32 @p0 $0x1  }
0x13: {  	[smem:$0x3FB7] =	sst s0;
	s0 =	simm.s32 @!p1 $0x0  }
0x14: {  	s2 =	sld [smem:$0x3F9B];
	s0 =	simm.s32 @p1 $0x1  }
0x15: {  	[smem:$0x3FB8] =	sst s0;
	s0 =	simm.s32 @!p2 $0x0  }
0x16: {  	s3 =	sld [smem:$0x3FDB];
	s0 =	simm.s32 @p2 $0x1  }
0x17: {  	s4 =	simm.s32 $0x1BF5;
	[smem:$0x3FBA] =	sst s0  }
0x18: {  	s0 =	sld [smem:$0x3F9D];
	_ =	swait.ge [sflag:s4], $0x0  }
0x19: {  	s7 =	sld [smem:$0x3F9E]  }
0x1a: {  	s8 =	sadd.s32 $0xFFFFE003, lr  }
0x1b: {  	s9 =	sadd.s32 $0xFFFFFEF7, lr;
	s5 =	simm.s32 $0xFFFFFFFF;
	p2 =	slt.u32 s8, $0xFFFFF086  }
0x1c: {  	p1 =	slt.u32 s9, $0xF7A;
	s5 =	simm.s32 @!p2 $0x0  }
0x1d: {  	s5 =	simm.s32 @p1 $0x1;
	p0 =	seq.s32 s7, s2  }
0x1e: {  	s7 =	smul.u32 @!p0 $0xF7A, s2;
	p2 =	seq.s32 @!p0 s5, $0x0  }
0x1f: {  	s9 =	smul.u32 $0xF7A, s1;
	s8 =	simm.s32 @!p0 $0x1BF5;
	p2 =	por !p2, p0  }
0x20: {  	[sflag:s8] =	ssyncset.s32 @!p0 $0xFFFFF086;
	s6 =	sadd.s32 @!p0 s3, s7;
	s7 =	simm.s32 @!p0 $0x108  }
0x21: {  	s3 =	sadd.s32 s3, s9;
	s6 =	sadd.s32 @!p0 $0x88, s6;
	s7 =	simm.s32 @p2 $0x1082  }
0x22: {  	[simem:s7], [sflag:s8] =	dma.local @!p0 [hbm:s6], $0xF7A  }
0x23: {  	s9 =	sor.u32 $0xD0000000, s2;
	s6 =	simm.s32 $0x108;
	_ =	swait.ge @!p0 [sflag:s8], $0x0  }
0x24: {  	s3 =	sadd.s32 $0x88, s3;
	s6 =	simm.s32 @!p1 $0x1082;
	[sflag:s4] =	ssyncset.s32 $0xFFFFF086  }
0x25: {  	[simem:s6], [sflag:s4] =	dma.local [hbm:s3], $0xF7A  }
0x26: {  	[smem:$0x3F9E] =	sst s1;
	(tag) =	ssettag s2;
	_ =	strace s9  }
0x27: {  	s1 =	sld [smem:$0x3FAE]  }
0x28: {  	s2 =	sld [smem:$0x3FAF]  }
0x29: {  	s4 =	sld [smem:$0x3FB1]  }
0x2a: {  	p0 =	seq.s32 s5, $0x0;
	s5 =	sld [smem:$0x3FB2]  }
0x2b: {  	s6 =	sld [smem:$0x3FB3]  }
0x2c: {  	s7 =	sld [smem:$0x3FB4]  }
0x2d: {  	s3 =	simm.s32 $0x108;
	s8 =	sld [smem:$0x3FB5]  }
0x2e: {  	s3 =	simm.s32 @!p0 $0x1082;
	s9 =	sld [smem:$0x3FB6]  }
0x2f: {  	lr =	sadd.s32 s0, s3;
	s0 =	sld [smem:$0x3FAD]  }
0x30: {  	s3 =	sld [smem:$0x3FB0]  }
0x31: {  	[smem:$0x3FB9] =	sst s10  }
0x32: {  	s10 =	sld [smem:$0x3FB7];
	_ =	sdelay $0x3  }
0x33: {  	p0 =	seq.s32 s10, $0x1;
	s10 =	sld [smem:$0x3FB9];
	_ =	sdelay $0x3  }
0x34: {  	[smem:$0x3FB9] =	sst s10  }
0x35: {  	s10 =	sld [smem:$0x3FB8];
	_ =	sdelay $0x3  }
0x36: {  	p1 =	seq.s32 s10, $0x1;
	s10 =	sld [smem:$0x3FB9];
	_ =	sdelay $0x3  }
0x37: {  	[smem:$0x3FB9] =	sst s10  }
0x38: {  	s10 =	sld [smem:$0x3FBA]  }
0x39: {  	_ = 	snop;
	(pc) =	sbr.ind lr, $3  }
0x3a: {  	_ = 	snop  }
0x3b: {  	_ = 	snop  }
0x3c: {  	p2 =	seq.s32 s10, $0x1;
	s10 =	sld [smem:$0x3FB9]  }
0x3d: {  	_ =	shalt  }
0x3e: {  	_ =	shalt  }
0x3f: {  	_ =	shalt  }
0x40: {  	_ =	shalt  }
0x41: {  	_ =	shalt  }
0x42: {  	_ =	shalt  }
0x43: {  	_ =	shalt  }
0x44: {  	_ =	shalt  }
0x45: {  	_ =	shalt  }
0x46: {  	_ =	shalt  }
0x47: {  	_ =	shalt  }
0x48: {  	_ =	shalt  }
0x49: {  	_ =	shalt  }
0x4a: {  	_ =	shalt  }
0x4b: {  	_ =	shalt  }
0x4c: {  	_ =	shalt  }
0x4d: {  	_ =	shalt  }
0x4e: {  	_ =	shalt  }
0x4f: {  	_ =	shalt  }
0x50: {  	_ =	shalt  }
0x51: {  	_ =	shalt  }
0x52: {  	_ =	shalt  }
0x53: {  	_ =	shalt  }
0x54: {  	_ =	shalt  }
0x55: {  	_ =	shalt  }
0x56: {  	_ =	shalt  }
0x57: {  	_ =	shalt  }
0x58: {  	_ =	shalt  }
0x59: {  	_ =	shalt  }
0x5a: {  	_ =	shalt  }
0x5b: {  	_ =	shalt  }
0x5c: {  	_ =	shalt  }
0x5d: {  	_ =	shalt  }
0x5e: {  	_ =	shalt  }
0x5f: {  	_ =	shalt  }
0x60: {  	_ =	shalt  }
0x61: {  	_ =	shalt  }
0x62: {  	_ =	shalt  }
0x63: {  	_ =	shalt  }
0x64: {  	_ =	shalt  }
0x65: {  	_ =	shalt  }
0x66: {  	_ =	shalt  }
0x67: {  	_ =	shalt  }
0x68: {  	_ =	shalt  }
0x69: {  	_ =	shalt  }
0x6a: {  	_ =	shalt  }
0x6b: {  	_ =	shalt  }
0x6c: {  	_ =	shalt  }
0x6d: {  	_ =	shalt  }
0x6e: {  	_ =	shalt  }
0x6f: {  	_ =	shalt  }
0x70: {  	_ =	shalt  }
0x71: {  	_ =	shalt  }
0x72: {  	_ =	shalt  }
0x73: {  	_ =	shalt  }
0x74: {  	_ =	shalt  }
0x75: {  	_ =	shalt  }
0x76: {  	_ =	shalt  }
0x77: {  	_ =	shalt  }
0x78: {  	_ =	shalt  }
0x79: {  	_ =	shalt  }
0x7a: {  	_ =	shalt  }
0x7b: {  	_ =	shalt  }
0x7c: {  	_ =	shalt  }
0x7d: {  	_ =	shalt  }
0x7e: {  	_ =	shalt  }
0x7f: {  	_ =	shalt  }
0x80: {  	_ =	shalt  }
0x81: {  	_ =	shalt  }
0x82: {  	_ =	shalt  }
0x83: {  	_ =	shalt  }
0x84: {  	_ =	shalt  }
0x85: {  	_ =	shalt  }
0x86: {  	_ =	shalt  }
0x87: {  	_ =	shalt  }
.Lfunc_end0:
.L_simem_size_0:
called_computation.2_lowered:
.L_overlay_start_0:
0x88: {  	s2 =	sld [smem:$0x3FD9]  }
0x89: {  	s3 =	sld [smem:$0x3FFE];
	_ =	sdelay $0x1  }
0x8a: {  	s1 =	srdreg.scid  }
0x8b: {  	s0 =	sand.u32 $0x1, s1  }
0x8c: {  	s17 =	sshll.u32 s0, $0xA;
	s2 =	sadd.s32 s3, s2  }
0x8d: {  	s2 =	sadd.s32 s2, s17  }
0x8e: {  	[smem:$0x3FC5] =	sst s2  }
0x8f: {  	_ = 	snop  }
0x90: {  	s2 =	sld [smem:$0x3FD0];
	(tm) =	ssettm $0x1  }
0x91: {  	s18 =	sld [smem:$0x3FFB];
	_ =	sdelay $0x3  }
0x92: {  	_ =	strace s18  }
0x93: {  	s3 =	sld [smem:$0x3FFC];
	_ =	sdelay $0x3  }
0x94: {  	_ =	strace s3  }
0x95: {  	s3 =	sld [smem:$0x3FFD];
	_ =	sdelay $0x3  }
0x96: {  	_ =	strace s3  }
0x97: {  	_ =	strace $0x8FFFFFFF  }
0x98: {  	s19 =	sld [smem:$0x3FDB];
	_ =	sdelay $0x1  }
0x99: {  	s4 =	simm.s32 $_scs_section_size  }
0x9a: {  	s5 =	simm.s32 $_size__tile_overlayer_lowered;
	s6 =	simm.s32 $_tile_overlayer_lowered  }
0x9b: {  	s22 =	simm.s32 $0x1BFF;
	s21 =	sshll.u32 s6, $0x1;
	s3 =	sadd.s32 s4, s19  }
0x9c: {  	s7 =	simm.s32 $0x0;
	s20 =	sshll.u32 s5, $0x1;
	s5 =	sadd.s32 s21, s3  }
0x9d: {  	[timem:s7], [sflag:s22] =	dma.local [hbm:s5], s20  }
0x9e: {  	_ =	swait.ge [sflag:s22], s20  }
0x9f: {  	s4 =	ssub.s32 $0x0, s20;
	[sflag:s22] =	ssyncset.done $0x0  }
0xa0: {  	[sflag:s22] =	ssyncadd.s32 s4;
	_ =	sdelay $0x1  }
0xa1: {  	s23 =	simm.s32 $0x1B8B  }
0xa2: {  	_ =	swait.ge [sflag:s23], $0x1  }
0xa3: {  	[sflag:s23] =	ssyncset.done $0x0  }
0xa4: {  	s25 =	simm.s32 $0x1B8E;
	s24 =	sld [smem:$0x3FFE];
	[sflag:s23] =	ssyncadd.s32 $0xFFFFFFFF  }
0xa5: {  	s26 =	simm.s32 $execute0_lowered;
	[smem:$0x3FD2] =	sst s25  }
0xa6: {  	s5 =	sshll.u32 s26, $0x1;
	_ =	strace $0x80000049;
	[dreg:$0x1] =	wrdreg $0xFFFFFFFF  }
0xa7: {  	s28 =	simm.s32 $_size_execute0_lowered;
	s3 =	sadd.s32 s3, s5;
	[dreg:$0x0] =	wrdreg $0x0  }
0xa8: {  	s5 =	sshll.u32 s28, $0x1;
	[dreg:$0x2] =	wrdreg s3  }
0xa9: {  	[dreg:$0x3] =	wrdreg s5  }
0xaa: {  	[dreg:$0x4] =	wrdreg $0xC0  }
0xab: {  	_ =	task [dreg:s7], $0x5FFFF  }
0xac: {  	[dreg:$0x1] =	wrdreg $0xFFFFFFFF  }
0xad: {  	[dreg:$0x0] =	wrdreg $0x60  }
0xae: {  	[dreg:$0x2] =	wrdreg s24  }
0xaf: {  	[dreg:$0x3] =	wrdreg s2  }
0xb0: {  	[dreg:$0x4] =	wrdreg $0x9  }
0xb1: {  	_ =	task.clear_ibuf [dreg:s7], $0x5FFFF;
	_ =	strace $0x90000049  }
0xb2: {  	s29 =	simm.s32 $0x9;
	_ =	strace $0x8000004B  }
0xb3: {  	_ =	swait.ge [sflag:s29], $0x1  }
0xb4: {  	[sflag:s29] =	ssyncadd.s32 $0xFFFFFFFF  }
0xb5: {  	_ =	strace $0x9000004B  }
0xb6: {  	_ =	sfence  }
0xb7: {  	s30 =	sld [smem:$0x0];
	_ =	sdelay $0x2  }
0xb8: {  	s31 =	sshll.u32 s1, $0xD;
	s1 =	sshrl.u32 s1, $0x2  }
0xb9: {  	s3 =	sand.u32 $0x4000, s31;
	s1 =	sadd.s32 s1, s30  }
0xba: {  	s0 =	sor.u32 s3, s0;
	s1 =	sshll.u32 s1, $0x11  }
0xbb: {  	s0 =	sor.u32 s1, s0  }
0xbc: {  	s0 =	sadd.s32 $0x8F2B, s0  }
0xbd: {  	[sflag:s0] =	ssyncadd.remote.s32 $0x1  }
0xbe: {  	_ =	sfence.sel $0xFFFF  }
0xbf: {  	[dreg:$0x0] =	wrdreg $0xFFFFFFFF;
	(pc) =	sbr.abs _section_cstart, $3  }
0xc0: {  	[dreg:$0x1] =	wrdreg $0xFFFFFFFF  }
0xc1: {  	_ =	task.clear_ibuf [dreg:s7], $0x2FFFF;
	_ =	strace $0x9FFFFFFF  }
0xc2: {  	(tm) =	ssettm $0x7FFFFFFF  }
0xc3: {  	_ =	shalt  }
tec
execute0_lowered:
.L_overlay_start_1:
0x0: {  	(tag) =	ssettag $0x1  }
0x1: {  	v0 =	vlaneseq.u32  }
0x2: {  	s0 =	rddreg [dreg:$0x0];
	s1 =	srdreg.scid;
	v1 =	vmul.u32 $0xC8, v0  }
0x3: {  	s3 =	stileid.u32;
	s2 =	rddreg [dreg:$0x1];
	v2 =	vimm.s32 $0x0;
	vm0 =	vcmask $0x300  }
0x4: {  	s11 =	simm.s32 $0x3200;
	s12 =	simm.s32 $0x9;
	s15 =	simm.s32 $0x6400;
	v2 =	vsel vm0, $0x3, v2;
	v3 =	vadd.s32 $0xC80, v1  }
0x5: {  	s17 =	simm.s32 $0x9600;
	s19 =	simm.s32 $0xAA00;
	s20 =	simm.s32 $0x50;
	v4 =	vadd.s32 $0x1900, v1;
	v5 =	vadd.s32 $0x2580, v1;
	v6 =	vor.u32 $0x1, v1  }
0x6: {  	s21 =	simm.s32 $0xBE00;
	s22 =	simm.s32 $0x1;
	s23 =	simm.s32 $0xD200;
	v7 =	vadd.s32 $0xC81, v1;
	v8 =	vadd.s32 $0x1901, v1;
	v9 =	vadd.s32 $0x2581, v1  }
0x7: {  	s24 =	simm.s32 $0x2;
	s25 =	simm.s32 $0x3;
	s26 =	simm.s32 $0x4;
	v10 =	vor.u32 $0x2, v1;
	v11 =	vadd.s32 $0xC82, v1;
	v12 =	vadd.s32 $0x1902, v1  }
0x8: {  	s1 =	sand.u32 $0x1, s1;
	s4 =	sshll.u32 s3, $0x1;
	s3 =	simm.s32 $0x0;
	v13 =	vadd.s32 $0x2582, v1;
	v14 =	vor.u32 $0x3, v1;
	v15 =	vadd.s32 $0xC83, v1  }
0x9: {  	s5 =	sor.u32 s1, s4;
	[smem:$0x7FF] =	sst s3;
	s1 =	ssub.s32 $0x2, s1;
	v16 =	vadd.s32 $0x1903, v1;
	v17 =	vadd.s32 $0x2583, v1;
	v18 =	vor.u32 $0x4, v1  }
0xa: {  	s4 =	sshll.u32 s5, $0x2;
	_ =	strace $0x8000004A;
	s29 =	sshrl.u32 s1, $0x1;
	v19 =	vadd.s32 $0xC84, v1;
	v20 =	vadd.s32 $0x1904, v1;
	v21 =	vadd.s32 $0x2584, v1  }
0xb: {  	v22 =	vor.u32 $0x5, v1;
	v23 =	vadd.s32 $0xC85, v1;
	v24 =	vadd.s32 $0x1905, v1;
	s7 =	sadd.s32 s4, s0;
	s4 =	sadd.s32 $0xF4A800, s0;
	s0 =	sadd.s32 $0xF49800, s0  }
0xc: {  	v25 =	vadd.s32 $0x2585, v1;
	v26 =	vor.u32 $0x6, v1;
	v27 =	vadd.s32 $0xC86, v1;
	[dreg:$0x7] =	wrdreg s0;
	s0 =	ssub.s32 s1, s29;
	s30 =	sadd.s32 $0xF43400, s7  }
0xd: {  	s31 =	simm.s32 $0x8;
	v28 =	vadd.s32 $0x1906, v1;
	v29 =	vadd.s32 $0x2586, v1;
	v30 =	vor.u32 $0x7, v1;
	[dreg:$0x8] =	wrdreg s30;
	s0 =	smax.u32 s0, $0x1  }
0xe: {  	s6 =	smul.u32 $0x1900, s5;
	v31 =	vadd.s32 $0xC87, v1;
	v32 =	vadd.s32 $0x1907, v1;
	v33 =	vadd.s32 $0x2587, v1;
	s1 =	simm.s32 $0x0;
	[dreg:$0x9] =	wrdreg s0  }
.LBB2_1:
0xf: {  	v34 =	vor.u32 s3, v0  }
0x10: {  	v35 =	vmulhi.u32 $0x51EB851F, v34;
	_ =	sdelay $0x1  }
0x11: {  	v35 =	vshrl.u32 v35, $0x6  }
0x12: {  	v36 =	vmul.u32 $0x7FFFF38, v35  }
0x13: {  	s0 =	rddreg [dreg:$0x7];
	s5 =	simm.s32 $0xC8;
	s7 =	simm.s32 $0x200  }
0x14: {  	[tilespmem:s11], [sflag:$0x9] =	stream.strided.gather [hbm4b:s0+s5], $0x3200, s7, s5, $0x38;
	v34 =	vadd.s32 v34, v36;
	[tilespmem:$0xE600] =	vst v63  }
0x15: {  	s8 =	simm.s32 $0x10;
	_ =	swait.ge [sflag:s12], $0x3200;
	v56 =	vand.u32 $0x38, v35;
	v34 =	vshll.u32 v34, $0x5  }
0x16: {  	s10 =	simm.s32 $0x20;
	v57 =	vor.u32 s8, v0;
	[sflag:s12] =	ssyncset.done $0x0;
	v35 =	vand.u32 $0x7, v35;
	v34 =	vadd.s32 v56, v34  }
0x17: {  	s13 =	simm.s32 $0x400;
	v58 =	vmulhi.u32 $0x51EB851F, v57;
	s9 =	rddreg [dreg:$0x8];
	[sflag:s12] =	ssyncadd.s32 $0xFFFFCE00;
	v34 =	vor.u32 v35, v34  }
0x18: {  	[tilespmem:s15], [sflag:$0x9] =	stream.strided.gather [hbm4b:s9+s10], $0x1900, s13, s10, $0x38;
	[tilespmem:$0xE600] =	vst v63  }
0x19: {  	_ =	swait.ge [sflag:s12], $0x1900;
	v35 =	vshrl.u32 v58, $0x6  }
0x1a: {  	[sflag:s12] =	ssyncset.done $0x0;
	v37 =	vmul.u32 $0x7FFFF38, v35  }
0x1b: {  	[sflag:s12] =	ssyncadd.s32 $0xFFFFE700  }
0x1c: {  	v36 =	vadd.s32 v57, v37;
	v34 =	vld.idx.msk [tilespmem:v34+s15+$0x0], $0xffff  }
0x1d: {  	s14 =	simm.s32 $0x20;
	v59 =	vand.u32 $0xFFFFF8, v35;
	v36 =	vshll.u32 v36, $0x5  }
0x1e: {  	v60 =	vor.u32 s14, v0;
	v35 =	vand.u32 $0x7, v35;
	v36 =	vadd.s32 v59, v36  }
0x1f: {  	v61 =	vmulhi.u32 $0x51EB851F, v60;
	v35 =	vor.u32 v35, v36;
	_ =	sdelay $0x1  }
0x20: {  	v36 =	vshrl.u32 v61, $0x6;
	v34 =	vshll.u32 v34, $0x1  }
0x21: {  	s5 =	simm.s32 $0x7D40;
	v38 =	vmul.u32 $0x7FFFF38, v36;
	v34 =	vand.u32 $0xFFFFFE, v34  }
0x22: {  	[tilespmem:s5+$0xFFFFFFC0] =	vst v34  }
0x23: {  	v62 =	vadd.s32 v60, v38;
	v34 =	vld.idx.msk [tilespmem:v35+s15+$0x0], $0xffff  }
0x24: {  	s16 =	simm.s32 $0x30;
	v63 =	vand.u32 $0xFFFFF8, v36;
	v35 =	vshll.u32 v62, $0x5  }
0x25: {  	v40 =	vor.u32 s16, v0;
	v36 =	vand.u32 $0x7, v36;
	v35 =	vadd.s32 v63, v35  }
0x26: {  	v41 =	vmulhi.u32 $0x51EB851F, v40;
	v35 =	vor.u32 v36, v35;
	_ =	sdelay $0x1  }
0x27: {  	v36 =	vshrl.u32 v41, $0x6;
	v34 =	vshll.u32 v34, $0x1  }
0x28: {  	v42 =	vmul.u32 $0x7FFFF38, v36;
	v34 =	vand.u32 $0xFFFFFE, v34  }
0x29: {  	[tilespmem:s5+$0xFFFFFFD0] =	vst v34  }
0x2a: {  	v43 =	vadd.s32 v40, v42;
	v34 =	vld.idx.msk [tilespmem:v35+s15+$0x0], $0xffff  }
0x2b: {  	s18 =	simm.s32 $0x40;
	v44 =	vand.u32 $0xFFFFF8, v36;
	v35 =	vshll.u32 v43, $0x5  }
0x2c: {  	v45 =	vor.u32 s18, v0;
	v36 =	vand.u32 $0x7, v36;
	v35 =	vadd.s32 v44, v35  }
0x2d: {  	v46 =	vmulhi.u32 $0x51EB851F, v45;
	v35 =	vor.u32 v36, v35;
	_ =	sdelay $0x1  }
0x2e: {  	v36 =	vshrl.u32 v46, $0x6;
	v34 =	vshll.u32 v34, $0x1  }
0x2f: {  	v47 =	vmul.u32 $0x7FFFF38, v36;
	v34 =	vand.u32 $0xFFFFFE, v34  }
0x30: {  	[tilespmem:s5+$0xFFFFFFE0] =	vst v34  }
0x31: {  	v48 =	vadd.s32 v45, v47;
	v34 =	vld.idx.msk [tilespmem:v35+s15+$0x0], $0xffff  }
0x32: {  	s28 =	simm.s32 $0x50;
	v49 =	vand.u32 $0xFFFFF8, v36;
	v35 =	vshll.u32 v48, $0x5  }
0x33: {  	v50 =	vor.u32 s28, v0;
	v36 =	vand.u32 $0x7, v36;
	v35 =	vadd.s32 v49, v35  }
0x34: {  	v51 =	vmulhi.u32 $0x51EB851F, v50;
	v35 =	vor.u32 v36, v35;
	_ =	sdelay $0x1  }
0x35: {  	v36 =	vshrl.u32 v51, $0x6;
	v34 =	vshll.u32 v34, $0x1  }
0x36: {  	v52 =	vmul.u32 $0x7FFFF38, v36;
	v34 =	vand.u32 $0xFFFFFE, v34  }
0x37: {  	[tilespmem:s5+$0xFFFFFFF0] =	vst v34  }
0x38: {  	v53 =	vadd.s32 v50, v52;
	v34 =	vld.idx.msk [tilespmem:v35+s15+$0x0], $0xffff  }
0x39: {  	s29 =	simm.s32 $0x60;
	v54 =	vand.u32 $0xFFFFF8, v36;
	v35 =	vshll.u32 v53, $0x5  }
0x3a: {  	v55 =	vor.u32 s29, v0;
	v36 =	vand.u32 $0x7, v36;
	v35 =	vadd.s32 v54, v35  }
0x3b: {  	v56 =	vmulhi.u32 $0x51EB851F, v55;
	v35 =	vor.u32 v36, v35;
	_ =	sdelay $0x1  }
0x3c: {  	v36 =	vshrl.u32 v56, $0x6;
	v34 =	vshll.u32 v34, $0x1  }
0x3d: {  	v57 =	vmul.u32 $0x7FFFF38, v36;
	v34 =	vand.u32 $0xFFFFFE, v34  }
0x3e: {  	[tilespmem:s5+$0x0] =	vst v34  }
0x3f: {  	v58 =	vadd.s32 v55, v57;
	v34 =	vld.idx.msk [tilespmem:v35+s15+$0x0], $0xffff  }
0x40: {  	s30 =	simm.s32 $0x70;
	v60 =	vand.u32 $0xFFFFF8, v36;
	v35 =	vshll.u32 v58, $0x5  }
0x41: {  	v59 =	vor.u32 s30, v0;
	v36 =	vand.u32 $0x7, v36;
	v35 =	vadd.s32 v60, v35  }
0x42: {  	v39 =	vmulhi.u32 $0x51EB851F, v59;
	v35 =	vor.u32 v36, v35;
	_ =	sdelay $0x1  }
0x43: {  	v61 =	vshrl.u32 v39, $0x6;
	v34 =	vshll.u32 v34, $0x1  }
0x44: {  	v62 =	vmul.u32 $0x7FFFF38, v61;
	v34 =	vand.u32 $0xFFFFFE, v34  }
0x45: {  	[tilespmem:s5+$0x10] =	vst v34  }
0x46: {  	v37 =	vadd.s32 v59, v62;
	v34 =	vld.idx.msk [tilespmem:v35+s15+$0x0], $0xffff  }
0x47: {  	v63 =	vand.u32 $0xFFFFF8, v61;
	v37 =	vshll.u32 v37, $0x5  }
0x48: {  	s7 =	simm.s32 $0x0;
	s8 =	simm.s32 $0x80;
	v36 =	vadd.s32 v63, v37;
	v35 =	vand.u32 $0x7, v61  }
.LBB2_2:
0x49: {  	v37 =	vor.u32 s8, v0;
	s7 =	sadd.s32 $0x8, s7;
	v35 =	vor.u32 v35, v36  }
0x4a: {  	v36 =	vmulhi.u32 $0x51EB851F, v37;
	p0 =	slt.u32 s7, $0x188  }
0x4b: {  	v34 =	vshll.u32 v34, $0x1  }
0x4c: {  	v34 =	vand.u32 $0xFFFFFE, v34;
	v36 =	vshrl.u32 v36, $0x6  }
0x4d: {  	v38 =	vmul.u32 $0x7FFFF38, v36;
	[tilespmem:s5+$0x20] =	vst v34  }
0x4e: {  	v34 =	vld.idx.msk [tilespmem:v35+s15+$0x0], $0xffff  }
0x4f: {  	v35 =	vadd.s32 v37, v38  }
0x50: {  	v37 =	vand.u32 $0x38, v36;
	v35 =	vshll.u32 v35, $0x5  }
0x51: {  	s0 =	sadd.s32 $0x10, s8;
	v36 =	vand.u32 $0x7, v36;
	v35 =	vadd.s32 v37, v35  }
0x52: {  	v35 =	vor.u32 v36, v35;
	v36 =	vor.u32 s0, v0  }
0x53: {  	v37 =	vmulhi.u32 $0x51EB851F, v36  }
0x54: {  	v34 =	vshll.u32 v34, $0x1  }
0x55: {  	v34 =	vand.u32 $0xFFFFFE, v34;
	v37 =	vshrl.u32 v37, $0x6  }
0x56: {  	s0 =	simm.s32 $0x100;
	v38 =	vmul.u32 $0x7FFFF38, v37;
	[tilespmem:s5+$0x30] =	vst v34  }
0x57: {  	v34 =	vld.idx.msk [tilespmem:v35+s15+$0x0], $0xffff  }
0x58: {  	v35 =	vadd.s32 v36, v38  }
0x59: {  	v36 =	vand.u32 $0xFFFFF8, v37;
	v35 =	vshll.u32 v35, $0x5  }
0x5a: {  	s9 =	sadd.s32 $0x20, s8;
	v37 =	vand.u32 $0x7, v37;
	v35 =	vadd.s32 v36, v35  }
0x5b: {  	v36 =	vor.u32 s9, v0;
	v35 =	vor.u32 v37, v35  }
0x5c: {  	v37 =	vmulhi.u32 $0x51EB851F, v36  }
0x5d: {  	v34 =	vshll.u32 v34, $0x1  }
0x5e: {  	s5 =	sadd.s32 $0x80, s5;
	v34 =	vand.u32 $0xFFFFFE, v34;
	v37 =	vshrl.u32 v37, $0x6  }
0x5f: {  	[tilespmem:s5+$0xFFFFFFC0] =	vst v34;
	v34 =	vmul.u32 $0x7FFFF38, v37  }
0x60: {  	v35 =	vld.idx.msk [tilespmem:v35+s15+$0x0], $0xffff  }
0x61: {  	v34 =	vadd.s32 v36, v34  }
0x62: {  	v36 =	vand.u32 $0xFFFFF8, v37;
	v34 =	vshll.u32 v34, $0x5  }
0x63: {  	s9 =	sadd.s32 $0x30, s8;
	v37 =	vand.u32 $0x7, v37;
	v34 =	vadd.s32 v36, v34  }
0x64: {  	v36 =	vor.u32 s9, v0;
	v34 =	vor.u32 v37, v34  }
0x65: {  	v37 =	vmulhi.u32 $0x51EB851F, v36  }
0x66: {  	v35 =	vshll.u32 v35, $0x1  }
0x67: {  	v35 =	vand.u32 $0xFFFFFE, v35;
	v37 =	vshrl.u32 v37, $0x6  }
0x68: {  	[tilespmem:s5+$0xFFFFFFD0] =	vst v35;
	v35 =	vmul.u32 $0x7FFFF38, v37  }
0x69: {  	v34 =	vld.idx.msk [tilespmem:v34+s15+$0x0], $0xffff  }
0x6a: {  	v35 =	vadd.s32 v36, v35  }
0x6b: {  	v36 =	vand.u32 $0xFFFFF8, v37;
	v35 =	vshll.u32 v35, $0x5  }
0x6c: {  	s9 =	sadd.s32 $0x40, s8;
	v37 =	vand.u32 $0x7, v37;
	v35 =	vadd.s32 v36, v35  }
0x6d: {  	v36 =	vor.u32 s9, v0;
	v35 =	vor.u32 v37, v35  }
0x6e: {  	v37 =	vmulhi.u32 $0x51EB851F, v36  }
0x6f: {  	v34 =	vshll.u32 v34, $0x1  }
0x70: {  	v34 =	vand.u32 $0xFFFFFE, v34;
	v37 =	vshrl.u32 v37, $0x6  }
0x71: {  	[tilespmem:s5+$0xFFFFFFE0] =	vst v34;
	v34 =	vmul.u32 $0x7FFFF38, v37  }
0x72: {  	v35 =	vld.idx.msk [tilespmem:v35+s15+$0x0], $0xffff  }
0x73: {  	v34 =	vadd.s32 v36, v34  }
0x74: {  	v36 =	vand.u32 $0xFFFFF8, v37;
	v34 =	vshll.u32 v34, $0x5  }
0x75: {  	s9 =	sadd.s32 $0x50, s8;
	v37 =	vand.u32 $0x7, v37;
	v34 =	vadd.s32 v36, v34  }
0x76: {  	v36 =	vor.u32 s9, v0;
	v34 =	vor.u32 v37, v34  }
0x77: {  	v37 =	vmulhi.u32 $0x51EB851F, v36  }
0x78: {  	v35 =	vshll.u32 v35, $0x1  }
0x79: {  	v35 =	vand.u32 $0xFFFFFE, v35;
	v37 =	vshrl.u32 v37, $0x6  }
0x7a: {  	[tilespmem:s5+$0xFFFFFFF0] =	vst v35;
	v35 =	vmul.u32 $0x7FFFF38, v37  }
0x7b: {  	v34 =	vld.idx.msk [tilespmem:v34+s15+$0x0], $0xffff  }
0x7c: {  	v35 =	vadd.s32 v36, v35  }
0x7d: {  	v36 =	vand.u32 $0xFFFFF8, v37;
	v35 =	vshll.u32 v35, $0x5  }
0x7e: {  	s9 =	sadd.s32 $0x60, s8;
	v37 =	vand.u32 $0x7, v37;
	v35 =	vadd.s32 v36, v35  }
0x7f: {  	v36 =	vor.u32 s9, v0;
	v35 =	vor.u32 v37, v35  }
0x80: {  	v37 =	vmulhi.u32 $0x51EB851F, v36  }
0x81: {  	v34 =	vshll.u32 v34, $0x1  }
0x82: {  	v34 =	vand.u32 $0xFFFFFE, v34;
	v37 =	vshrl.u32 v37, $0x6  }
0x83: {  	[tilespmem:s5+$0x0] =	vst v34;
	v34 =	vmul.u32 $0x7FFFF38, v37  }
0x84: {  	v35 =	vld.idx.msk [tilespmem:v35+s15+$0x0], $0xffff  }
0x85: {  	v34 =	vadd.s32 v36, v34  }
0x86: {  	v36 =	vand.u32 $0xFFFFF8, v37;
	v34 =	vshll.u32 v34, $0x5  }
0x87: {  	s9 =	sadd.s32 $0x70, s8;
	v37 =	vand.u32 $0x7, v37;
	v34 =	vadd.s32 v36, v34  }
0x88: {  	v36 =	vor.u32 s9, v0;
	v34 =	vor.u32 v37, v34  }
0x89: {  	v37 =	vmulhi.u32 $0x51EB851F, v36  }
0x8a: {  	v35 =	vshll.u32 v35, $0x1  }
0x8b: {  	v35 =	vand.u32 $0xFFFFFE, v35;
	v37 =	vshrl.u32 v37, $0x6  }
.Ltmp0:
0x8c: {  	[tilespmem:s5+$0x10] =	vst v35;
	v35 =	vmul.u32 $0x7FFFF38, v37;
	(pc) =	sbr.rel @p0 .LBB2_2-.Ltmp0, $4  }
0x8d: {  	v34 =	vld.idx.msk [tilespmem:v34+s15+$0x0], $0xffff  }
0x8e: {  	v35 =	vadd.s32 v36, v35  }
0x8f: {  	v36 =	vand.u32 $0xFFFFF8, v37;
	v38 =	vshll.u32 v35, $0x5  }
0x90: {  	s8 =	sadd.s32 $0x80, s8;
	v35 =	vand.u32 $0x7, v37;
	v36 =	vadd.s32 v36, v38  }
0x91: {  	v35 =	vor.u32 v35, v36;
	_ =	sdelay $0x1  }
0x92: {  	s7 =	simm.s32 $0x0;
	v34 =	vshll.u32 v34, $0x1  }
0x93: {  	v55 =	vmov s7;
	v34 =	vand.u32 $0xFFFFFE, v34  }
0x94: {  	v56 =	vshrl.u32 v55, $0x3;
	[tilespmem:s5+$0x20] =	vst v34  }
0x95: {  	v34 =	vshll.u32 v56, v2;
	v35 =	vld.idx.msk [tilespmem:v35+s15+$0x0], $0xffff  }
0x96: {  	v34 =	vbroadcast v34, $0x0;
	_ =	sdelay $0x1  }
0x97: {  	v57 =	vadd.s32 v1, v34;
	_ =	sdelay $0x1  }
0x98: {  	v35 =	vshll.u32 v35, $0x1  }
0x99: {  	v35 =	vand.u32 $0xFFFFFE, v35  }
0x9a: {  	[tilespmem:s5+$0x30] =	vst v35  }
0x9b: {  	v35 =	vld.idx.msk [tilespmem:v57+s11+$0x0], $0xffff  }
0x9c: {  	v58 =	vadd.s32 v3, v34;
	_ =	sdelay $0x3  }
0x9d: {  	[tilespmem:s0+$0xFFFFFF00] =	vst v35  }
0x9e: {  	v35 =	vld.idx.msk [tilespmem:v58+s11+$0x0], $0xffff  }
0x9f: {  	v59 =	vadd.s32 v4, v34;
	_ =	sdelay $0x3  }
0xa0: {  	[tilespmem:s0+$0xFFFFFF10] =	vst v35  }
0xa1: {  	v35 =	vld.idx.msk [tilespmem:v59+s11+$0x0], $0xffff  }
0xa2: {  	s13 =	simm.s32 $0x1;
	v34 =	vadd.s32 v5, v34  }
0xa3: {  	v60 =	vmov s13  }
0xa4: {  	v36 =	vshrl.u32 v60, $0x3  }
0xa5: {  	v36 =	vshll.u32 v36, v2  }
0xa6: {  	v61 =	vbroadcast v36, $0x0;
	[tilespmem:s0+$0xFFFFFF20] =	vst v35  }
0xa7: {  	v34 =	vld.idx.msk [tilespmem:v34+s11+$0x0], $0xffff  }
0xa8: {  	v36 =	vadd.s32 v6, v61;
	_ =	sdelay $0x3  }
0xa9: {  	[tilespmem:s0+$0xFFFFFF30] =	vst v34  }
0xaa: {  	v34 =	vld.idx.msk [tilespmem:v36+s11+$0x0], $0xffff  }
0xab: {  	v62 =	vadd.s32 v7, v61;
	_ =	sdelay $0x3  }
0xac: {  	[tilespmem:s0+$0xFFFFFF40] =	vst v34  }
0xad: {  	v34 =	vld.idx.msk [tilespmem:v62+s11+$0x0], $0xffff  }
0xae: {  	v63 =	vadd.s32 v8, v61;
	_ =	sdelay $0x3  }
0xaf: {  	[tilespmem:s0+$0xFFFFFF50] =	vst v34  }
0xb0: {  	v34 =	vld.idx.msk [tilespmem:v63+s11+$0x0], $0xffff  }
0xb1: {  	s14 =	simm.s32 $0x2;
	v35 =	vadd.s32 v9, v61  }
0xb2: {  	v40 =	vmov s14  }
0xb3: {  	v36 =	vshrl.u32 v40, $0x3  }
0xb4: {  	v36 =	vshll.u32 v36, v2  }
0xb5: {  	v41 =	vbroadcast v36, $0x0;
	[tilespmem:s0+$0xFFFFFF60] =	vst v34  }
0xb6: {  	v35 =	vld.idx.msk [tilespmem:v35+s11+$0x0], $0xffff  }
0xb7: {  	v36 =	vadd.s32 v10, v41;
	_ =	sdelay $0x3  }
0xb8: {  	[tilespmem:s0+$0xFFFFFF70] =	vst v35  }
0xb9: {  	v35 =	vld.idx.msk [tilespmem:v36+s11+$0x0], $0xffff  }
0xba: {  	v42 =	vadd.s32 v11, v41;
	_ =	sdelay $0x3  }
0xbb: {  	[tilespmem:s0+$0xFFFFFF80] =	vst v35  }
0xbc: {  	v35 =	vld.idx.msk [tilespmem:v42+s11+$0x0], $0xffff  }
0xbd: {  	v43 =	vadd.s32 v12, v41;
	_ =	sdelay $0x3  }
0xbe: {  	[tilespmem:s0+$0xFFFFFF90] =	vst v35  }
0xbf: {  	v35 =	vld.idx.msk [tilespmem:v43+s11+$0x0], $0xffff  }
0xc0: {  	s16 =	simm.s32 $0x3;
	v34 =	vadd.s32 v13, v41  }
0xc1: {  	v44 =	vmov s16  }
0xc2: {  	v36 =	vshrl.u32 v44, $0x3  }
0xc3: {  	v36 =	vshll.u32 v36, v2  }
0xc4: {  	v45 =	vbroadcast v36, $0x0;
	[tilespmem:s0+$0xFFFFFFA0] =	vst v35  }
0xc5: {  	v34 =	vld.idx.msk [tilespmem:v34+s11+$0x0], $0xffff  }
0xc6: {  	v36 =	vadd.s32 v14, v45;
	_ =	sdelay $0x3  }
0xc7: {  	[tilespmem:s0+$0xFFFFFFB0] =	vst v34  }
0xc8: {  	v34 =	vld.idx.msk [tilespmem:v36+s11+$0x0], $0xffff  }
0xc9: {  	v46 =	vadd.s32 v15, v45;
	_ =	sdelay $0x3  }
0xca: {  	[tilespmem:s0+$0xFFFFFFC0] =	vst v34  }
0xcb: {  	v34 =	vld.idx.msk [tilespmem:v46+s11+$0x0], $0xffff  }
0xcc: {  	v47 =	vadd.s32 v16, v45;
	_ =	sdelay $0x3  }
0xcd: {  	[tilespmem:s0+$0xFFFFFFD0] =	vst v34  }
0xce: {  	v34 =	vld.idx.msk [tilespmem:v47+s11+$0x0], $0xffff  }
0xcf: {  	s18 =	simm.s32 $0x4;
	v35 =	vadd.s32 v17, v45  }
0xd0: {  	v48 =	vmov s18  }
0xd1: {  	v36 =	vshrl.u32 v48, $0x3  }
0xd2: {  	v36 =	vshll.u32 v36, v2  }
0xd3: {  	v49 =	vbroadcast v36, $0x0;
	[tilespmem:s0+$0xFFFFFFE0] =	vst v34  }
0xd4: {  	v35 =	vld.idx.msk [tilespmem:v35+s11+$0x0], $0xffff  }
0xd5: {  	v36 =	vadd.s32 v18, v49;
	_ =	sdelay $0x3  }
0xd6: {  	[tilespmem:s0+$0xFFFFFFF0] =	vst v35  }
0xd7: {  	v35 =	vld.idx.msk [tilespmem:v36+s11+$0x0], $0xffff  }
0xd8: {  	v50 =	vadd.s32 v19, v49;
	_ =	sdelay $0x3  }
0xd9: {  	[tilespmem:s0+$0x0] =	vst v35  }
0xda: {  	v35 =	vld.idx.msk [tilespmem:v50+s11+$0x0], $0xffff  }
0xdb: {  	v51 =	vadd.s32 v20, v49;
	_ =	sdelay $0x3  }
0xdc: {  	[tilespmem:s0+$0x10] =	vst v35  }
0xdd: {  	v35 =	vld.idx.msk [tilespmem:v51+s11+$0x0], $0xffff  }
0xde: {  	s28 =	simm.s32 $0x5;
	v34 =	vadd.s32 v21, v49  }
0xdf: {  	v52 =	vmov s28  }
0xe0: {  	v36 =	vshrl.u32 v52, $0x3  }
0xe1: {  	v36 =	vshll.u32 v36, v2  }
0xe2: {  	v53 =	vbroadcast v36, $0x0;
	[tilespmem:s0+$0x20] =	vst v35  }
0xe3: {  	v34 =	vld.idx.msk [tilespmem:v34+s11+$0x0], $0xffff  }
0xe4: {  	v36 =	vadd.s32 v22, v53;
	_ =	sdelay $0x3  }
0xe5: {  	[tilespmem:s0+$0x30] =	vst v34  }
0xe6: {  	v34 =	vld.idx.msk [tilespmem:v36+s11+$0x0], $0xffff  }
0xe7: {  	v54 =	vadd.s32 v23, v53;
	_ =	sdelay $0x3  }
0xe8: {  	[tilespmem:s0+$0x40] =	vst v34  }
0xe9: {  	v34 =	vld.idx.msk [tilespmem:v54+s11+$0x0], $0xffff  }
0xea: {  	v55 =	vadd.s32 v24, v53;
	_ =	sdelay $0x3  }
0xeb: {  	[tilespmem:s0+$0x50] =	vst v34  }
0xec: {  	v34 =	vld.idx.msk [tilespmem:v55+s11+$0x0], $0xffff  }
0xed: {  	s29 =	simm.s32 $0x6;
	v35 =	vadd.s32 v25, v53  }
0xee: {  	v56 =	vmov s29  }
0xef: {  	v36 =	vshrl.u32 v56, $0x3  }
0xf0: {  	v36 =	vshll.u32 v36, v2  }
0xf1: {  	v57 =	vbroadcast v36, $0x0;
	[tilespmem:s0+$0x60] =	vst v34  }
0xf2: {  	v35 =	vld.idx.msk [tilespmem:v35+s11+$0x0], $0xffff  }
0xf3: {  	v36 =	vadd.s32 v26, v57;
	_ =	sdelay $0x3  }
0xf4: {  	[tilespmem:s0+$0x70] =	vst v35  }
0xf5: {  	v35 =	vld.idx.msk [tilespmem:v36+s11+$0x0], $0xffff  }
0xf6: {  	v58 =	vadd.s32 v27, v57;
	_ =	sdelay $0x3  }
0xf7: {  	[tilespmem:s0+$0x80] =	vst v35  }
0xf8: {  	v35 =	vld.idx.msk [tilespmem:v58+s11+$0x0], $0xffff  }
0xf9: {  	v59 =	vadd.s32 v28, v57;
	_ =	sdelay $0x3  }
0xfa: {  	[tilespmem:s0+$0x90] =	vst v35  }
0xfb: {  	v35 =	vld.idx.msk [tilespmem:v59+s11+$0x0], $0xffff  }
0xfc: {  	s30 =	simm.s32 $0x7;
	v34 =	vadd.s32 v29, v57  }
0xfd: {  	v60 =	vmov s30  }
0xfe: {  	v36 =	vshrl.u32 v60, $0x3  }
0xff: {  	v36 =	vshll.u32 v36, v2  }
0x100: {  	v36 =	vbroadcast v36, $0x0;
	[tilespmem:s0+$0xA0] =	vst v35  }
0x101: {  	v34 =	vld.idx.msk [tilespmem:v34+s11+$0x0], $0xffff  }
0x102: {  	v61 =	vadd.s32 v30, v36;
	_ =	sdelay $0x3  }
0x103: {  	[tilespmem:s0+$0xB0] =	vst v34  }
0x104: {  	v34 =	vld.idx.msk [tilespmem:v61+s11+$0x0], $0xffff  }
0x105: {  	v62 =	vadd.s32 v31, v36;
	_ =	sdelay $0x3  }
0x106: {  	[tilespmem:s0+$0xC0] =	vst v34  }
0x107: {  	v34 =	vld.idx.msk [tilespmem:v62+s11+$0x0], $0xffff  }
0x108: {  	v63 =	vadd.s32 v32, v36;
	_ =	sdelay $0x3  }
0x109: {  	[tilespmem:s0+$0xD0] =	vst v34  }
0x10a: {  	v35 =	vld.idx.msk [tilespmem:v63+s11+$0x0], $0xffff  }
0x10b: {  	v34 =	vadd.s32 v33, v36  }
0x10c: {  	s9 =	simm.s32 $0x8  }
0x10d: {  	s5 =	simm.s32 $0x10;
	v36 =	vmov s9  }
.LBB2_4:
0x10e: {  	p0 =	slt.u32 s5, $0xC0;
	v36 =	vshrl.u32 v36, $0x3  }
0x10f: {  	v36 =	vshll.u32 v36, v2;
	[tilespmem:s0+$0xE0] =	vst v35  }
0x110: {  	v35 =	vbroadcast v36, $0x0;
	v34 =	vld.idx.msk [tilespmem:v34+s11+$0x0], $0xffff;
	_ =	sdelay $0x1  }
0x111: {  	v36 =	vadd.s32 v1, v35;
	_ =	sdelay $0x3  }
0x112: {  	[tilespmem:s0+$0xF0] =	vst v34  }
0x113: {  	v34 =	vld.idx.msk [tilespmem:v36+s11+$0x0], $0xffff;
	_ =	sdelay $0x1  }
0x114: {  	v36 =	vadd.s32 v3, v35;
	_ =	sdelay $0x2  }
0x115: {  	s0 =	sadd.s32 $0x200, s0  }
0x116: {  	[tilespmem:s0+$0xFFFFFF00] =	vst v34  }
0x117: {  	v34 =	vld.idx.msk [tilespmem:v36+s11+$0x0], $0xffff;
	_ =	sdelay $0x1  }
0x118: {  	v36 =	vadd.s32 v4, v35;
	_ =	sdelay $0x3  }
0x119: {  	[tilespmem:s0+$0xFFFFFF10] =	vst v34  }
0x11a: {  	v34 =	vld.idx.msk [tilespmem:v36+s11+$0x0], $0xffff;
	_ =	sdelay $0x1  }
0x11b: {  	v35 =	vadd.s32 v5, v35  }
0x11c: {  	s7 =	sadd.s32 $0x1, s9  }
0x11d: {  	v36 =	vmov s7  }
0x11e: {  	v36 =	vshrl.u32 v36, $0x3  }
0x11f: {  	[tilespmem:s0+$0xFFFFFF20] =	vst v34;
	v34 =	vshll.u32 v36, v2  }
0x120: {  	v35 =	vld.idx.msk [tilespmem:v35+s11+$0x0], $0xffff;
	v34 =	vbroadcast v34, $0x0;
	_ =	sdelay $0x1  }
0x121: {  	v36 =	vadd.s32 v6, v34;
	_ =	sdelay $0x3  }
0x122: {  	[tilespmem:s0+$0xFFFFFF30] =	vst v35  }
0x123: {  	v35 =	vld.idx.msk [tilespmem:v36+s11+$0x0], $0xffff;
	_ =	sdelay $0x1  }
0x124: {  	v36 =	vadd.s32 v7, v34;
	_ =	sdelay $0x3  }
0x125: {  	[tilespmem:s0+$0xFFFFFF40] =	vst v35  }
0x126: {  	v35 =	vld.idx.msk [tilespmem:v36+s11+$0x0], $0xffff;
	_ =	sdelay $0x1  }
0x127: {  	v36 =	vadd.s32 v8, v34;
	_ =	sdelay $0x3  }
0x128: {  	[tilespmem:s0+$0xFFFFFF50] =	vst v35  }
0x129: {  	v35 =	vld.idx.msk [tilespmem:v36+s11+$0x0], $0xffff;
	_ =	sdelay $0x1  }
0x12a: {  	v34 =	vadd.s32 v9, v34  }
0x12b: {  	s7 =	sadd.s32 $0x2, s9  }
0x12c: {  	v36 =	vmov s7  }
0x12d: {  	v36 =	vshrl.u32 v36, $0x3  }
0x12e: {  	[tilespmem:s0+$0xFFFFFF60] =	vst v35;
	v35 =	vshll.u32 v36, v2  }
0x12f: {  	v34 =	vld.idx.msk [tilespmem:v34+s11+$0x0], $0xffff;
	v35 =	vbroadcast v35, $0x0;
	_ =	sdelay $0x1  }
0x130: {  	v36 =	vadd.s32 v10, v35;
	_ =	sdelay $0x3  }
0x131: {  	[tilespmem:s0+$0xFFFFFF70] =	vst v34  }
0x132: {  	v34 =	vld.idx.msk [tilespmem:v36+s11+$0x0], $0xffff;
	_ =	sdelay $0x1  }
0x133: {  	v36 =	vadd.s32 v11, v35;
	_ =	sdelay $0x3  }
0x134: {  	[tilespmem:s0+$0xFFFFFF80] =	vst v34  }
0x135: {  	v34 =	vld.idx.msk [tilespmem:v36+s11+$0x0], $0xffff;
	_ =	sdelay $0x1  }
0x136: {  	v36 =	vadd.s32 v12, v35;
	_ =	sdelay $0x3  }
0x137: {  	[tilespmem:s0+$0xFFFFFF90] =	vst v34  }
0x138: {  	v34 =	vld.idx.msk [tilespmem:v36+s11+$0x0], $0xffff;
	_ =	sdelay $0x1  }
0x139: {  	v35 =	vadd.s32 v13, v35  }
0x13a: {  	s7 =	sadd.s32 $0x3, s9  }
0x13b: {  	v36 =	vmov s7  }
0x13c: {  	v36 =	vshrl.u32 v36, $0x3  }
0x13d: {  	[tilespmem:s0+$0xFFFFFFA0] =	vst v34;
	v34 =	vshll.u32 v36, v2  }
0x13e: {  	v35 =	vld.idx.msk [tilespmem:v35+s11+$0x0], $0xffff;
	v34 =	vbroadcast v34, $0x0;
	_ =	sdelay $0x1  }
0x13f: {  	v36 =	vadd.s32 v14, v34;
	_ =	sdelay $0x3  }
0x140: {  	[tilespmem:s0+$0xFFFFFFB0] =	vst v35  }
0x141: {  	v35 =	vld.idx.msk [tilespmem:v36+s11+$0x0], $0xffff;
	_ =	sdelay $0x1  }
0x142: {  	v36 =	vadd.s32 v15, v34;
	_ =	sdelay $0x3  }
0x143: {  	[tilespmem:s0+$0xFFFFFFC0] =	vst v35  }
0x144: {  	v35 =	vld.idx.msk [tilespmem:v36+s11+$0x0], $0xffff;
	_ =	sdelay $0x1  }
0x145: {  	v36 =	vadd.s32 v16, v34;
	_ =	sdelay $0x3  }
0x146: {  	[tilespmem:s0+$0xFFFFFFD0] =	vst v35  }
0x147: {  	v35 =	vld.idx.msk [tilespmem:v36+s11+$0x0], $0xffff;
	_ =	sdelay $0x1  }
0x148: {  	v34 =	vadd.s32 v17, v34  }
0x149: {  	s7 =	sadd.s32 $0x4, s9  }
0x14a: {  	v36 =	vmov s7  }
0x14b: {  	v36 =	vshrl.u32 v36, $0x3  }
0x14c: {  	[tilespmem:s0+$0xFFFFFFE0] =	vst v35;
	v35 =	vshll.u32 v36, v2  }
0x14d: {  	v34 =	vld.idx.msk [tilespmem:v34+s11+$0x0], $0xffff;
	v35 =	vbroadcast v35, $0x0;
	_ =	sdelay $0x1  }
0x14e: {  	v36 =	vadd.s32 v18, v35;
	_ =	sdelay $0x3  }
0x14f: {  	[tilespmem:s0+$0xFFFFFFF0] =	vst v34  }
0x150: {  	v34 =	vld.idx.msk [tilespmem:v36+s11+$0x0], $0xffff;
	_ =	sdelay $0x1  }
0x151: {  	v36 =	vadd.s32 v19, v35;
	_ =	sdelay $0x3  }
0x152: {  	[tilespmem:s0+$0x0] =	vst v34  }
0x153: {  	v34 =	vld.idx.msk [tilespmem:v36+s11+$0x0], $0xffff;
	_ =	sdelay $0x1  }
0x154: {  	v36 =	vadd.s32 v20, v35;
	_ =	sdelay $0x3  }
0x155: {  	[tilespmem:s0+$0x10] =	vst v34  }
0x156: {  	v34 =	vld.idx.msk [tilespmem:v36+s11+$0x0], $0xffff;
	_ =	sdelay $0x1  }
0x157: {  	v35 =	vadd.s32 v21, v35  }
0x158: {  	s7 =	sadd.s32 $0x5, s9  }
0x159: {  	v36 =	vmov s7  }
0x15a: {  	v36 =	vshrl.u32 v36, $0x3  }
0x15b: {  	[tilespmem:s0+$0x20] =	vst v34;
	v34 =	vshll.u32 v36, v2  }
0x15c: {  	v35 =	vld.idx.msk [tilespmem:v35+s11+$0x0], $0xffff;
	v34 =	vbroadcast v34, $0x0;
	_ =	sdelay $0x1  }
0x15d: {  	v36 =	vadd.s32 v22, v34;
	_ =	sdelay $0x3  }
0x15e: {  	[tilespmem:s0+$0x30] =	vst v35  }
0x15f: {  	v35 =	vld.idx.msk [tilespmem:v36+s11+$0x0], $0xffff;
	_ =	sdelay $0x1  }
0x160: {  	v36 =	vadd.s32 v23, v34;
	_ =	sdelay $0x3  }
0x161: {  	[tilespmem:s0+$0x40] =	vst v35  }
0x162: {  	v35 =	vld.idx.msk [tilespmem:v36+s11+$0x0], $0xffff;
	_ =	sdelay $0x1  }
0x163: {  	v36 =	vadd.s32 v24, v34;
	_ =	sdelay $0x3  }
0x164: {  	[tilespmem:s0+$0x50] =	vst v35  }
0x165: {  	v35 =	vld.idx.msk [tilespmem:v36+s11+$0x0], $0xffff;
	_ =	sdelay $0x1  }
0x166: {  	v34 =	vadd.s32 v25, v34  }
0x167: {  	s7 =	sadd.s32 $0x6, s9  }
0x168: {  	v36 =	vmov s7  }
0x169: {  	v36 =	vshrl.u32 v36, $0x3  }
0x16a: {  	[tilespmem:s0+$0x60] =	vst v35;
	v35 =	vshll.u32 v36, v2  }
0x16b: {  	v34 =	vld.idx.msk [tilespmem:v34+s11+$0x0], $0xffff;
	v35 =	vbroadcast v35, $0x0;
	_ =	sdelay $0x1  }
0x16c: {  	v36 =	vadd.s32 v26, v35;
	_ =	sdelay $0x3  }
0x16d: {  	[tilespmem:s0+$0x70] =	vst v34  }
0x16e: {  	v34 =	vld.idx.msk [tilespmem:v36+s11+$0x0], $0xffff;
	_ =	sdelay $0x1  }
0x16f: {  	v36 =	vadd.s32 v27, v35;
	_ =	sdelay $0x3  }
0x170: {  	[tilespmem:s0+$0x80] =	vst v34  }
0x171: {  	v34 =	vld.idx.msk [tilespmem:v36+s11+$0x0], $0xffff;
	_ =	sdelay $0x1  }
0x172: {  	v36 =	vadd.s32 v28, v35;
	_ =	sdelay $0x3  }
0x173: {  	[tilespmem:s0+$0x90] =	vst v34  }
0x174: {  	v34 =	vld.idx.msk [tilespmem:v36+s11+$0x0], $0xffff;
	_ =	sdelay $0x1  }
0x175: {  	v35 =	vadd.s32 v29, v35  }
0x176: {  	s7 =	sadd.s32 $0x7, s9;
	s9 =	smov.u32 s5  }
0x177: {  	v36 =	vmov s7  }
0x178: {  	v36 =	vshrl.u32 v36, $0x3  }
0x179: {  	[tilespmem:s0+$0xA0] =	vst v34;
	v34 =	vshll.u32 v36, v2  }
0x17a: {  	v35 =	vld.idx.msk [tilespmem:v35+s11+$0x0], $0xffff;
	v34 =	vbroadcast v34, $0x0;
	_ =	sdelay $0x1  }
0x17b: {  	v36 =	vadd.s32 v30, v34;
	_ =	sdelay $0x3  }
0x17c: {  	[tilespmem:s0+$0xB0] =	vst v35  }
0x17d: {  	v35 =	vld.idx.msk [tilespmem:v36+s11+$0x0], $0xffff;
	_ =	sdelay $0x1  }
0x17e: {  	v36 =	vadd.s32 v31, v34;
	_ =	sdelay $0x3  }
0x17f: {  	[tilespmem:s0+$0xC0] =	vst v35  }
0x180: {  	v35 =	vld.idx.msk [tilespmem:v36+s11+$0x0], $0xffff;
	_ =	sdelay $0x1  }
0x181: {  	v36 =	vadd.s32 v32, v34;
	_ =	sdelay $0x3  }
0x182: {  	[tilespmem:s0+$0xD0] =	vst v35  }
.Ltmp1:
0x183: {  	v35 =	vld.idx.msk [tilespmem:v36+s11+$0x0], $0xffff;
	(pc) =	sbr.rel @p0 .LBB2_4-.Ltmp1, $3  }
0x184: {  	_ = 	snop  }
0x185: {  	v34 =	vadd.s32 v33, v34;
	_ =	sdelay $0x1  }
0x186: {  	s5 =	sadd.s32 $0x8, s5;
	v36 =	vmov s9  }
0x187: {  	_ = 	snop  }
0x188: {  	v36 =	vshrl.u32 v36, $0x3  }
0x189: {  	v36 =	vshll.u32 v36, v2  }
0x18a: {  	[tilespmem:s0+$0xE0] =	vst v35;
	v57 =	vbroadcast v36, $0x0  }
0x18b: {  	v34 =	vld.idx.msk [tilespmem:v34+s11+$0x0], $0xffff  }
0x18c: {  	v36 =	vadd.s32 v1, v57;
	_ =	sdelay $0x3  }
0x18d: {  	[tilespmem:s0+$0xF0] =	vst v34  }
0x18e: {  	v34 =	vld.idx.msk [tilespmem:v36+s11+$0x0], $0xffff  }
0x18f: {  	v58 =	vadd.s32 v3, v57;
	_ =	sdelay $0x2  }
0x190: {  	s8 =	sadd.s32 $0x200, s0  }
0x191: {  	[tilespmem:s8+$0xFFFFFF00] =	vst v34  }
0x192: {  	v34 =	vld.idx.msk [tilespmem:v58+s11+$0x0], $0xffff  }
0x193: {  	v59 =	vadd.s32 v4, v57;
	_ =	sdelay $0x3  }
0x194: {  	[tilespmem:s8+$0xFFFFFF10] =	vst v34  }
0x195: {  	v34 =	vld.idx.msk [tilespmem:v59+s11+$0x0], $0xffff  }
0x196: {  	s5 =	sadd.s32 $0x1, s9;
	v35 =	vadd.s32 v5, v57  }
0x197: {  	v60 =	vmov s5  }
0x198: {  	v36 =	vshrl.u32 v60, $0x3  }
0x199: {  	v36 =	vshll.u32 v36, v2  }
0x19a: {  	v61 =	vbroadcast v36, $0x0;
	[tilespmem:s8+$0xFFFFFF20] =	vst v34  }
0x19b: {  	v35 =	vld.idx.msk [tilespmem:v35+s11+$0x0], $0xffff  }
0x19c: {  	v36 =	vadd.s32 v6, v61;
	_ =	sdelay $0x3  }
0x19d: {  	[tilespmem:s8+$0xFFFFFF30] =	vst v35  }
0x19e: {  	v35 =	vld.idx.msk [tilespmem:v36+s11+$0x0], $0xffff  }
0x19f: {  	v62 =	vadd.s32 v7, v61;
	_ =	sdelay $0x3  }
0x1a0: {  	[tilespmem:s8+$0xFFFFFF40] =	vst v35  }
0x1a1: {  	v35 =	vld.idx.msk [tilespmem:v62+s11+$0x0], $0xffff  }
0x1a2: {  	v63 =	vadd.s32 v8, v61;
	_ =	sdelay $0x3  }
0x1a3: {  	[tilespmem:s8+$0xFFFFFF50] =	vst v35  }
0x1a4: {  	v35 =	vld.idx.msk [tilespmem:v63+s11+$0x0], $0xffff  }
0x1a5: {  	s10 =	sadd.s32 $0x2, s9;
	v34 =	vadd.s32 v9, v61  }
0x1a6: {  	v40 =	vmov s10  }
0x1a7: {  	v36 =	vshrl.u32 v40, $0x3  }
0x1a8: {  	v36 =	vshll.u32 v36, v2  }
0x1a9: {  	v41 =	vbroadcast v36, $0x0;
	[tilespmem:s8+$0xFFFFFF60] =	vst v35  }
0x1aa: {  	v34 =	vld.idx.msk [tilespmem:v34+s11+$0x0], $0xffff  }
0x1ab: {  	v36 =	vadd.s32 v10, v41;
	_ =	sdelay $0x3  }
0x1ac: {  	[tilespmem:s8+$0xFFFFFF70] =	vst v34  }
0x1ad: {  	v34 =	vld.idx.msk [tilespmem:v36+s11+$0x0], $0xffff  }
0x1ae: {  	v42 =	vadd.s32 v11, v41;
	_ =	sdelay $0x3  }
0x1af: {  	[tilespmem:s8+$0xFFFFFF80] =	vst v34  }
0x1b0: {  	v34 =	vld.idx.msk [tilespmem:v42+s11+$0x0], $0xffff  }
0x1b1: {  	v43 =	vadd.s32 v12, v41;
	_ =	sdelay $0x3  }
0x1b2: {  	[tilespmem:s8+$0xFFFFFF90] =	vst v34  }
0x1b3: {  	v34 =	vld.idx.msk [tilespmem:v43+s11+$0x0], $0xffff  }
0x1b4: {  	s13 =	sadd.s32 $0x3, s9;
	v35 =	vadd.s32 v13, v41  }
0x1b5: {  	v44 =	vmov s13  }
0x1b6: {  	v36 =	vshrl.u32 v44, $0x3  }
0x1b7: {  	v36 =	vshll.u32 v36, v2  }
0x1b8: {  	v45 =	vbroadcast v36, $0x0;
	[tilespmem:s8+$0xFFFFFFA0] =	vst v34  }
0x1b9: {  	v35 =	vld.idx.msk [tilespmem:v35+s11+$0x0], $0xffff  }
0x1ba: {  	v36 =	vadd.s32 v14, v45;
	_ =	sdelay $0x3  }
0x1bb: {  	[tilespmem:s8+$0xFFFFFFB0] =	vst v35  }
0x1bc: {  	v35 =	vld.idx.msk [tilespmem:v36+s11+$0x0], $0xffff  }
0x1bd: {  	v46 =	vadd.s32 v15, v45;
	_ =	sdelay $0x3  }
0x1be: {  	[tilespmem:s8+$0xFFFFFFC0] =	vst v35  }
0x1bf: {  	v35 =	vld.idx.msk [tilespmem:v46+s11+$0x0], $0xffff  }
0x1c0: {  	v47 =	vadd.s32 v16, v45;
	_ =	sdelay $0x3  }
0x1c1: {  	[tilespmem:s8+$0xFFFFFFD0] =	vst v35  }
0x1c2: {  	v35 =	vld.idx.msk [tilespmem:v47+s11+$0x0], $0xffff  }
0x1c3: {  	s14 =	sadd.s32 $0x4, s9;
	v34 =	vadd.s32 v17, v45  }
0x1c4: {  	v48 =	vmov s14  }
0x1c5: {  	v36 =	vshrl.u32 v48, $0x3  }
0x1c6: {  	v36 =	vshll.u32 v36, v2  }
0x1c7: {  	v49 =	vbroadcast v36, $0x0;
	[tilespmem:s8+$0xFFFFFFE0] =	vst v35  }
0x1c8: {  	v34 =	vld.idx.msk [tilespmem:v34+s11+$0x0], $0xffff  }
0x1c9: {  	v36 =	vadd.s32 v18, v49;
	_ =	sdelay $0x3  }
0x1ca: {  	[tilespmem:s8+$0xFFFFFFF0] =	vst v34  }
0x1cb: {  	v34 =	vld.idx.msk [tilespmem:v36+s11+$0x0], $0xffff  }
0x1cc: {  	v50 =	vadd.s32 v19, v49;
	_ =	sdelay $0x3  }
0x1cd: {  	[tilespmem:s8+$0x0] =	vst v34  }
0x1ce: {  	v34 =	vld.idx.msk [tilespmem:v50+s11+$0x0], $0xffff  }
0x1cf: {  	v51 =	vadd.s32 v20, v49;
	_ =	sdelay $0x3  }
0x1d0: {  	[tilespmem:s8+$0x10] =	vst v34  }
0x1d1: {  	v34 =	vld.idx.msk [tilespmem:v51+s11+$0x0], $0xffff  }
0x1d2: {  	s16 =	sadd.s32 $0x5, s9;
	v35 =	vadd.s32 v21, v49  }
0x1d3: {  	v52 =	vmov s16  }
0x1d4: {  	v36 =	vshrl.u32 v52, $0x3  }
0x1d5: {  	v36 =	vshll.u32 v36, v2  }
0x1d6: {  	v53 =	vbroadcast v36, $0x0;
	[tilespmem:s8+$0x20] =	vst v34  }
0x1d7: {  	v35 =	vld.idx.msk [tilespmem:v35+s11+$0x0], $0xffff  }
0x1d8: {  	v36 =	vadd.s32 v22, v53;
	_ =	sdelay $0x3  }
0x1d9: {  	[tilespmem:s8+$0x30] =	vst v35  }
0x1da: {  	v35 =	vld.idx.msk [tilespmem:v36+s11+$0x0], $0xffff  }
0x1db: {  	v54 =	vadd.s32 v23, v53;
	_ =	sdelay $0x3  }
0x1dc: {  	[tilespmem:s8+$0x40] =	vst v35  }
0x1dd: {  	v35 =	vld.idx.msk [tilespmem:v54+s11+$0x0], $0xffff  }
0x1de: {  	v55 =	vadd.s32 v24, v53;
	_ =	sdelay $0x3  }
0x1df: {  	[tilespmem:s8+$0x50] =	vst v35  }
0x1e0: {  	v35 =	vld.idx.msk [tilespmem:v55+s11+$0x0], $0xffff  }
0x1e1: {  	s18 =	sadd.s32 $0x6, s9;
	v34 =	vadd.s32 v25, v53  }
0x1e2: {  	v56 =	vmov s18  }
0x1e3: {  	v36 =	vshrl.u32 v56, $0x3  }
0x1e4: {  	v36 =	vshll.u32 v36, v2  }
0x1e5: {  	v57 =	vbroadcast v36, $0x0;
	[tilespmem:s8+$0x60] =	vst v35  }
0x1e6: {  	v34 =	vld.idx.msk [tilespmem:v34+s11+$0x0], $0xffff  }
0x1e7: {  	v36 =	vadd.s32 v26, v57;
	_ =	sdelay $0x3  }
0x1e8: {  	[tilespmem:s8+$0x70] =	vst v34  }
0x1e9: {  	v34 =	vld.idx.msk [tilespmem:v36+s11+$0x0], $0xffff  }
0x1ea: {  	v58 =	vadd.s32 v27, v57;
	_ =	sdelay $0x3  }
0x1eb: {  	[tilespmem:s8+$0x80] =	vst v34  }
0x1ec: {  	v34 =	vld.idx.msk [tilespmem:v58+s11+$0x0], $0xffff  }
0x1ed: {  	v59 =	vadd.s32 v28, v57;
	_ =	sdelay $0x3  }
0x1ee: {  	[tilespmem:s8+$0x90] =	vst v34  }
0x1ef: {  	v34 =	vld.idx.msk [tilespmem:v59+s11+$0x0], $0xffff  }
0x1f0: {  	s28 =	sadd.s32 $0x7, s9;
	v35 =	vadd.s32 v29, v57  }
0x1f1: {  	v60 =	vmov s28  }
0x1f2: {  	v36 =	vshrl.u32 v60, $0x3  }
0x1f3: {  	v36 =	vshll.u32 v36, v2  }
0x1f4: {  	v61 =	vbroadcast v36, $0x0;
	[tilespmem:s8+$0xA0] =	vst v34  }
0x1f5: {  	v35 =	vld.idx.msk [tilespmem:v35+s11+$0x0], $0xffff  }
0x1f6: {  	v36 =	vadd.s32 v30, v61;
	_ =	sdelay $0x3  }
0x1f7: {  	[tilespmem:s8+$0xB0] =	vst v35  }
0x1f8: {  	v35 =	vld.idx.msk [tilespmem:v36+s11+$0x0], $0xffff  }
0x1f9: {  	v62 =	vadd.s32 v31, v61;
	_ =	sdelay $0x3  }
0x1fa: {  	[tilespmem:s8+$0xC0] =	vst v35  }
0x1fb: {  	v35 =	vld.idx.msk [tilespmem:v62+s11+$0x0], $0xffff  }
0x1fc: {  	v63 =	vadd.s32 v32, v61;
	_ =	sdelay $0x3  }
0x1fd: {  	[tilespmem:s8+$0xD0] =	vst v35  }
0x1fe: {  	v35 =	vld.idx.msk [tilespmem:v63+s11+$0x0], $0xffff  }
0x1ff: {  	v34 =	vadd.s32 v33, v61;
	_ =	sdelay $0x3  }
0x200: {  	[tilespmem:s8+$0xE0] =	vst v35  }
0x201: {  	v34 =	vld.idx.msk [tilespmem:v34+s11+$0x0], $0xffff;
	_ =	sdelay $0x3  }
0x202: {  	s29 =	simm.s32 $0x7D00  }
0x203: {  	s30 =	simm.s32 $0x7D50;
	s9 =	simm.s32 $0x0;
	s0 =	simm.s32 $0x50;
	[tilespmem:s8+$0xF0] =	vst v34  }
0x204: {  	[tilespmem:s17], [sflag:$0x1] =	stream.indirect.gather [hbm4b:s4+s0], $0x40, s29, s0, $0xb8;
	[tilespmem:$0xE600] =	vst v63  }
0x205: {  	s10 =	simm.s32 $0xA0;
	s13 =	simm.s32 $0xF0;
	s14 =	simm.s32 $0x0  }
0x206: {  	[tilespmem:s19], [sflag:$0x2] =	stream.indirect.gather [hbm4b:s4+s0], $0x40, s30, s0, $0xb8;
	[tilespmem:$0xE600] =	vst v63  }
.LBB2_6:
0x207: {  	s5 =	smulhi.u32 $0x51EB851F, s13  }
0x208: {  	s7 =	smulhi.u32 $0x51EB851F, s10  }
0x209: {  	s8 =	smulhi.u32 $0x51EB851F, s0  }
0x20a: {  	s16 =	smulhi.u32 $0x51EB851F, s9;
	s7 =	sshrl.u32 s7, $0x6  }
0x20b: {  	s8 =	sshrl.u32 s8, $0x6;
	s7 =	smul.u32 $0xC8, s7  }
0x20c: {  	p0 =	seq.s32 s14, $0x0;
	s5 =	sshrl.u32 s5, $0x6;
	s8 =	smul.u32 $0xC8, s8  }
0x20d: {  	s16 =	sshrl.u32 s16, $0x6;
	s5 =	smul.u32 $0xC8, s5;
	s7 =	ssub.s32 s9, s7  }
0x20e: {  	s18 =	ssub.s32 s9, s8;
	[dreg:$0x5] =	wrdreg s7;
	s7 =	smul.u32 $0xC8, s16  }
0x20f: {  	s5 =	ssub.s32 s9, s5;
	[dreg:$0x4] =	wrdreg s18;
	s18 =	sshll.u32 s14, $0x2  }
0x210: {  	[dreg:$0x6] =	wrdreg s5;
	s16 =	sor.u32 $0x2, s18;
	s28 =	ssub.s32 s9, s7  }
0x211: {  	s5 =	simm.s32 @!p0 $0x7;
	s30 =	smul.u32 $0x140, s16;
	[dreg:$0x3] =	wrdreg s28  }
0x212: {  	_ =	swait.ge @!p0 [sflag:s5], $0x1400  }
0x213: {  	s7 =	sshra.s32 s30, $0x2;
	[sflag:s5] =	ssyncset.done @!p0 $0x0  }
0x214: {  	s7 =	sadd.s32 $0x7D00, s7;
	[sflag:s5] =	ssyncadd.s32 @!p0 $0xFFFFEC00  }
0x215: {  	[tilespmem:s21], [sflag:$0x3] =	stream.indirect.gather [hbm4b:s4+s20], $0x40, s7, s20, $0xb8;
	[tilespmem:$0xE600] =	vst v63  }
0x216: {  	_ =	swait.ge [sflag:s22], $0x1400  }
0x217: {  	s8 =	rddreg [dreg:$0x3]  }
0x218: {  	s5 =	sadd.s32 $0xFFFFFFF8, s8  }
0x219: {  	s28 =	sadd.s32 $0x8, s5  }
0x21a: {  	s8 =	sshll.u32 s28, $0x8  }
0x21b: {  	p1 =	slt.u32 s28, $0xC8;
	s7 =	sadd.s32 $0xFFFF3800, s8  }
0x21c: {  	[sflag:s22] =	ssyncset.done $0x0;
	s7 =	smov.u32 @p1 s8  }
0x21d: {  	[sflag:s22] =	ssyncadd.s32 $0xFFFFEC00;
	s8 =	sshra.s32 s7, $0x2  }
0x21e: {  	v34 =	vld [tilespmem:s8+$0x0];
	_ =	sdelay $0x3  }
0x21f: {  	s7 =	simm.s32 $0x97F0  }
0x220: {  	[tilespmem:s7+$0xFFFFFE10] =	vst.add.f32.msk $0xffff, v34  }
0x221: {  	v34 =	vld [tilespmem:s8+$0x10];
	_ =	sdelay $0x4  }
0x222: {  	[tilespmem:s7+$0xFFFFFE20] =	vst.add.f32.msk $0xffff, v34  }
0x223: {  	v34 =	vld [tilespmem:s8+$0x20];
	_ =	sdelay $0x4  }
0x224: {  	[tilespmem:s7+$0xFFFFFE30] =	vst.add.f32.msk $0xffff, v34  }
0x225: {  	v34 =	vld [tilespmem:s8+$0x30]  }
0x226: {  	s30 =	sadd.s32 $0x9, s5  }
0x227: {  	s28 =	sshll.u32 s30, $0x8  }
0x228: {  	p1 =	slt.u32 s30, $0xC8;
	s8 =	sadd.s32 $0xFFFF3800, s28  }
0x229: {  	s8 =	smov.u32 @p1 s28  }
0x22a: {  	s8 =	sshra.s32 s8, $0x2;
	[tilespmem:s7+$0xFFFFFE40] =	vst.add.f32.msk $0xffff, v34  }
0x22b: {  	v34 =	vld [tilespmem:s8+$0x0];
	_ =	sdelay $0x4  }
0x22c: {  	[tilespmem:s7+$0xFFFFFE50] =	vst.add.f32.msk $0xffff, v34  }
0x22d: {  	v34 =	vld [tilespmem:s8+$0x10];
	_ =	sdelay $0x4  }
0x22e: {  	[tilespmem:s7+$0xFFFFFE60] =	vst.add.f32.msk $0xffff, v34  }
0x22f: {  	v34 =	vld [tilespmem:s8+$0x20];
	_ =	sdelay $0x4  }
0x230: {  	[tilespmem:s7+$0xFFFFFE70] =	vst.add.f32.msk $0xffff, v34  }
0x231: {  	v34 =	vld [tilespmem:s8+$0x30]  }
0x232: {  	s30 =	sadd.s32 $0xA, s5  }
0x233: {  	s28 =	sshll.u32 s30, $0x8  }
0x234: {  	p1 =	slt.u32 s30, $0xC8;
	s8 =	sadd.s32 $0xFFFF3800, s28  }
0x235: {  	s8 =	smov.u32 @p1 s28  }
0x236: {  	s8 =	sshra.s32 s8, $0x2;
	[tilespmem:s7+$0xFFFFFE80] =	vst.add.f32.msk $0xffff, v34  }
0x237: {  	v34 =	vld [tilespmem:s8+$0x0];
	_ =	sdelay $0x4  }
0x238: {  	[tilespmem:s7+$0xFFFFFE90] =	vst.add.f32.msk $0xffff, v34  }
0x239: {  	v34 =	vld [tilespmem:s8+$0x10];
	_ =	sdelay $0x4  }
0x23a: {  	[tilespmem:s7+$0xFFFFFEA0] =	vst.add.f32.msk $0xffff, v34  }
0x23b: {  	v34 =	vld [tilespmem:s8+$0x20];
	_ =	sdelay $0x4  }
0x23c: {  	[tilespmem:s7+$0xFFFFFEB0] =	vst.add.f32.msk $0xffff, v34  }
0x23d: {  	v34 =	vld [tilespmem:s8+$0x30]  }
0x23e: {  	s30 =	sadd.s32 $0xB, s5  }
0x23f: {  	s28 =	sshll.u32 s30, $0x8  }
0x240: {  	p1 =	slt.u32 s30, $0xC8;
	s8 =	sadd.s32 $0xFFFF3800, s28  }
0x241: {  	s8 =	smov.u32 @p1 s28  }
0x242: {  	s8 =	sshra.s32 s8, $0x2;
	[tilespmem:s7+$0xFFFFFEC0] =	vst.add.f32.msk $0xffff, v34  }
0x243: {  	v34 =	vld [tilespmem:s8+$0x0];
	_ =	sdelay $0x4  }
0x244: {  	[tilespmem:s7+$0xFFFFFED0] =	vst.add.f32.msk $0xffff, v34  }
0x245: {  	v34 =	vld [tilespmem:s8+$0x10];
	_ =	sdelay $0x4  }
0x246: {  	[tilespmem:s7+$0xFFFFFEE0] =	vst.add.f32.msk $0xffff, v34  }
0x247: {  	v34 =	vld [tilespmem:s8+$0x20];
	_ =	sdelay $0x4  }
0x248: {  	[tilespmem:s7+$0xFFFFFEF0] =	vst.add.f32.msk $0xffff, v34  }
0x249: {  	v34 =	vld [tilespmem:s8+$0x30]  }
0x24a: {  	s30 =	sadd.s32 $0xC, s5  }
0x24b: {  	s28 =	sshll.u32 s30, $0x8  }
0x24c: {  	p1 =	slt.u32 s30, $0xC8;
	s8 =	sadd.s32 $0xFFFF3800, s28  }
0x24d: {  	s8 =	smov.u32 @p1 s28  }
0x24e: {  	s8 =	sshra.s32 s8, $0x2;
	[tilespmem:s7+$0xFFFFFF00] =	vst.add.f32.msk $0xffff, v34  }
0x24f: {  	v34 =	vld [tilespmem:s8+$0x0];
	_ =	sdelay $0x4  }
0x250: {  	[tilespmem:s7+$0xFFFFFF10] =	vst.add.f32.msk $0xffff, v34  }
0x251: {  	v34 =	vld [tilespmem:s8+$0x10];
	_ =	sdelay $0x4  }
0x252: {  	[tilespmem:s7+$0xFFFFFF20] =	vst.add.f32.msk $0xffff, v34  }
0x253: {  	v34 =	vld [tilespmem:s8+$0x20];
	_ =	sdelay $0x4  }
0x254: {  	[tilespmem:s7+$0xFFFFFF30] =	vst.add.f32.msk $0xffff, v34  }
0x255: {  	v34 =	vld [tilespmem:s8+$0x30]  }
0x256: {  	s30 =	sadd.s32 $0xD, s5  }
0x257: {  	s28 =	sshll.u32 s30, $0x8  }
0x258: {  	p1 =	slt.u32 s30, $0xC8;
	s8 =	sadd.s32 $0xFFFF3800, s28  }
0x259: {  	s8 =	smov.u32 @p1 s28  }
0x25a: {  	s8 =	sshra.s32 s8, $0x2;
	[tilespmem:s7+$0xFFFFFF40] =	vst.add.f32.msk $0xffff, v34  }
0x25b: {  	v34 =	vld [tilespmem:s8+$0x0];
	_ =	sdelay $0x4  }
0x25c: {  	[tilespmem:s7+$0xFFFFFF50] =	vst.add.f32.msk $0xffff, v34  }
0x25d: {  	v34 =	vld [tilespmem:s8+$0x10];
	_ =	sdelay $0x4  }
0x25e: {  	[tilespmem:s7+$0xFFFFFF60] =	vst.add.f32.msk $0xffff, v34  }
0x25f: {  	v34 =	vld [tilespmem:s8+$0x20];
	_ =	sdelay $0x4  }
0x260: {  	[tilespmem:s7+$0xFFFFFF70] =	vst.add.f32.msk $0xffff, v34  }
0x261: {  	v34 =	vld [tilespmem:s8+$0x30]  }
0x262: {  	s30 =	sadd.s32 $0xE, s5  }
0x263: {  	s28 =	sshll.u32 s30, $0x8  }
0x264: {  	p1 =	slt.u32 s30, $0xC8;
	s8 =	sadd.s32 $0xFFFF3800, s28  }
0x265: {  	s8 =	smov.u32 @p1 s28  }
0x266: {  	s8 =	sshra.s32 s8, $0x2;
	[tilespmem:s7+$0xFFFFFF80] =	vst.add.f32.msk $0xffff, v34  }
0x267: {  	v34 =	vld [tilespmem:s8+$0x0];
	_ =	sdelay $0x4  }
0x268: {  	[tilespmem:s7+$0xFFFFFF90] =	vst.add.f32.msk $0xffff, v34  }
0x269: {  	v34 =	vld [tilespmem:s8+$0x10];
	_ =	sdelay $0x4  }
0x26a: {  	[tilespmem:s7+$0xFFFFFFA0] =	vst.add.f32.msk $0xffff, v34  }
0x26b: {  	v34 =	vld [tilespmem:s8+$0x20];
	_ =	sdelay $0x4  }
0x26c: {  	[tilespmem:s7+$0xFFFFFFB0] =	vst.add.f32.msk $0xffff, v34  }
0x26d: {  	v34 =	vld [tilespmem:s8+$0x30]  }
0x26e: {  	s5 =	sadd.s32 $0xF, s5  }
0x26f: {  	s8 =	sshll.u32 s5, $0x8  }
0x270: {  	p1 =	slt.u32 s5, $0xC8;
	s5 =	sadd.s32 $0xFFFF3800, s8  }
0x271: {  	s5 =	smov.u32 @p1 s8  }
0x272: {  	s29 =	sshra.s32 s5, $0x2;
	[tilespmem:s7+$0xFFFFFFC0] =	vst.add.f32.msk $0xffff, v34  }
0x273: {  	v34 =	vld [tilespmem:s29+$0x0];
	_ =	sdelay $0x4  }
0x274: {  	[tilespmem:s7+$0xFFFFFFD0] =	vst.add.f32.msk $0xffff, v34  }
0x275: {  	v34 =	vld [tilespmem:s29+$0x10];
	_ =	sdelay $0x4  }
0x276: {  	[tilespmem:s7+$0xFFFFFFE0] =	vst.add.f32.msk $0xffff, v34  }
0x277: {  	s8 =	simm.s32 $0x0;
	s5 =	smul.u32 $0x140, s14;
	v34 =	vld [tilespmem:s29+$0x20]  }
.LBB2_7:
0x278: {  	_ =	sdelay $0x3  }
0x279: {  	s28 =	rddreg [dreg:$0x3];
	s30 =	smov.u32 s8;
	[tilespmem:s7+$0xFFFFFFF0] =	vst.add.f32.msk $0xffff, v34  }
0x27a: {  	s28 =	sadd.s32 s30, s28;
	v34 =	vld [tilespmem:s29+$0x30]  }
0x27b: {  	s29 =	sadd.s32 $0x8, s28  }
0x27c: {  	s30 =	sshll.u32 s29, $0x8  }
0x27d: {  	p2 =	slt.u32 s29, $0xC8;
	s29 =	sadd.s32 $0xFFFF3800, s30  }
0x27e: {  	s29 =	smov.u32 @p2 s30  }
0x27f: {  	s29 =	sshra.s32 s29, $0x2;
	[tilespmem:s7+$0x0] =	vst.add.f32.msk $0xffff, v34  }
0x280: {  	v34 =	vld [tilespmem:s29+$0x0];
	_ =	sdelay $0x3  }
0x281: {  	s7 =	sadd.s32 $0x200, s7  }
0x282: {  	[tilespmem:s7+$0xFFFFFE10] =	vst.add.f32.msk $0xffff, v34  }
0x283: {  	v34 =	vld [tilespmem:s29+$0x10];
	_ =	sdelay $0x4  }
0x284: {  	[tilespmem:s7+$0xFFFFFE20] =	vst.add.f32.msk $0xffff, v34  }
0x285: {  	v34 =	vld [tilespmem:s29+$0x20];
	_ =	sdelay $0x4  }
0x286: {  	[tilespmem:s7+$0xFFFFFE30] =	vst.add.f32.msk $0xffff, v34  }
0x287: {  	v34 =	vld [tilespmem:s29+$0x30]  }
0x288: {  	s29 =	sadd.s32 $0x9, s28  }
0x289: {  	s30 =	sshll.u32 s29, $0x8  }
0x28a: {  	p2 =	slt.u32 s29, $0xC8;
	s29 =	sadd.s32 $0xFFFF3800, s30  }
0x28b: {  	s29 =	smov.u32 @p2 s30  }
0x28c: {  	s29 =	sshra.s32 s29, $0x2;
	[tilespmem:s7+$0xFFFFFE40] =	vst.add.f32.msk $0xffff, v34  }
0x28d: {  	v34 =	vld [tilespmem:s29+$0x0];
	_ =	sdelay $0x4  }
0x28e: {  	[tilespmem:s7+$0xFFFFFE50] =	vst.add.f32.msk $0xffff, v34  }
0x28f: {  	v34 =	vld [tilespmem:s29+$0x10];
	_ =	sdelay $0x4  }
0x290: {  	[tilespmem:s7+$0xFFFFFE60] =	vst.add.f32.msk $0xffff, v34  }
0x291: {  	v34 =	vld [tilespmem:s29+$0x20];
	_ =	sdelay $0x4  }
0x292: {  	[tilespmem:s7+$0xFFFFFE70] =	vst.add.f32.msk $0xffff, v34  }
0x293: {  	v34 =	vld [tilespmem:s29+$0x30]  }
0x294: {  	s29 =	sadd.s32 $0xA, s28  }
0x295: {  	s30 =	sshll.u32 s29, $0x8  }
0x296: {  	p2 =	slt.u32 s29, $0xC8;
	s29 =	sadd.s32 $0xFFFF3800, s30  }
0x297: {  	s29 =	smov.u32 @p2 s30  }
0x298: {  	s29 =	sshra.s32 s29, $0x2;
	[tilespmem:s7+$0xFFFFFE80] =	vst.add.f32.msk $0xffff, v34  }
0x299: {  	v34 =	vld [tilespmem:s29+$0x0];
	_ =	sdelay $0x4  }
0x29a: {  	[tilespmem:s7+$0xFFFFFE90] =	vst.add.f32.msk $0xffff, v34  }
0x29b: {  	v34 =	vld [tilespmem:s29+$0x10];
	_ =	sdelay $0x4  }
0x29c: {  	[tilespmem:s7+$0xFFFFFEA0] =	vst.add.f32.msk $0xffff, v34  }
0x29d: {  	v34 =	vld [tilespmem:s29+$0x20];
	_ =	sdelay $0x4  }
0x29e: {  	[tilespmem:s7+$0xFFFFFEB0] =	vst.add.f32.msk $0xffff, v34  }
0x29f: {  	v34 =	vld [tilespmem:s29+$0x30]  }
0x2a0: {  	s29 =	sadd.s32 $0xB, s28  }
0x2a1: {  	s30 =	sshll.u32 s29, $0x8  }
0x2a2: {  	p2 =	slt.u32 s29, $0xC8;
	s29 =	sadd.s32 $0xFFFF3800, s30  }
0x2a3: {  	s29 =	smov.u32 @p2 s30  }
0x2a4: {  	s29 =	sshra.s32 s29, $0x2;
	[tilespmem:s7+$0xFFFFFEC0] =	vst.add.f32.msk $0xffff, v34  }
0x2a5: {  	v34 =	vld [tilespmem:s29+$0x0];
	_ =	sdelay $0x4  }
0x2a6: {  	[tilespmem:s7+$0xFFFFFED0] =	vst.add.f32.msk $0xffff, v34  }
0x2a7: {  	v34 =	vld [tilespmem:s29+$0x10];
	_ =	sdelay $0x4  }
0x2a8: {  	[tilespmem:s7+$0xFFFFFEE0] =	vst.add.f32.msk $0xffff, v34  }
0x2a9: {  	v34 =	vld [tilespmem:s29+$0x20];
	_ =	sdelay $0x4  }
0x2aa: {  	[tilespmem:s7+$0xFFFFFEF0] =	vst.add.f32.msk $0xffff, v34  }
0x2ab: {  	v34 =	vld [tilespmem:s29+$0x30]  }
0x2ac: {  	s29 =	sadd.s32 $0xC, s28  }
0x2ad: {  	s30 =	sshll.u32 s29, $0x8  }
0x2ae: {  	p2 =	slt.u32 s29, $0xC8;
	s29 =	sadd.s32 $0xFFFF3800, s30  }
0x2af: {  	s29 =	smov.u32 @p2 s30  }
0x2b0: {  	s29 =	sshra.s32 s29, $0x2;
	[tilespmem:s7+$0xFFFFFF00] =	vst.add.f32.msk $0xffff, v34  }
0x2b1: {  	v34 =	vld [tilespmem:s29+$0x0];
	_ =	sdelay $0x4  }
0x2b2: {  	[tilespmem:s7+$0xFFFFFF10] =	vst.add.f32.msk $0xffff, v34  }
0x2b3: {  	v34 =	vld [tilespmem:s29+$0x10];
	_ =	sdelay $0x4  }
0x2b4: {  	[tilespmem:s7+$0xFFFFFF20] =	vst.add.f32.msk $0xffff, v34  }
0x2b5: {  	v34 =	vld [tilespmem:s29+$0x20];
	_ =	sdelay $0x4  }
0x2b6: {  	[tilespmem:s7+$0xFFFFFF30] =	vst.add.f32.msk $0xffff, v34  }
0x2b7: {  	v34 =	vld [tilespmem:s29+$0x30]  }
0x2b8: {  	s29 =	sadd.s32 $0xD, s28  }
0x2b9: {  	s30 =	sshll.u32 s29, $0x8  }
0x2ba: {  	p2 =	slt.u32 s29, $0xC8;
	s29 =	sadd.s32 $0xFFFF3800, s30  }
0x2bb: {  	s29 =	smov.u32 @p2 s30  }
0x2bc: {  	s29 =	sshra.s32 s29, $0x2;
	[tilespmem:s7+$0xFFFFFF40] =	vst.add.f32.msk $0xffff, v34  }
0x2bd: {  	v34 =	vld [tilespmem:s29+$0x0];
	_ =	sdelay $0x4  }
0x2be: {  	[tilespmem:s7+$0xFFFFFF50] =	vst.add.f32.msk $0xffff, v34  }
0x2bf: {  	v34 =	vld [tilespmem:s29+$0x10];
	_ =	sdelay $0x4  }
0x2c0: {  	[tilespmem:s7+$0xFFFFFF60] =	vst.add.f32.msk $0xffff, v34  }
0x2c1: {  	v34 =	vld [tilespmem:s29+$0x20];
	_ =	sdelay $0x4  }
0x2c2: {  	[tilespmem:s7+$0xFFFFFF70] =	vst.add.f32.msk $0xffff, v34  }
0x2c3: {  	v34 =	vld [tilespmem:s29+$0x30]  }
0x2c4: {  	s29 =	sadd.s32 $0xE, s28  }
0x2c5: {  	s30 =	sshll.u32 s29, $0x8  }
0x2c6: {  	p2 =	slt.u32 s29, $0xC8;
	s29 =	sadd.s32 $0xFFFF3800, s30  }
0x2c7: {  	s29 =	smov.u32 @p2 s30  }
0x2c8: {  	s29 =	sshra.s32 s29, $0x2;
	[tilespmem:s7+$0xFFFFFF80] =	vst.add.f32.msk $0xffff, v34  }
0x2c9: {  	v34 =	vld [tilespmem:s29+$0x0];
	_ =	sdelay $0x4  }
0x2ca: {  	[tilespmem:s7+$0xFFFFFF90] =	vst.add.f32.msk $0xffff, v34  }
0x2cb: {  	v34 =	vld [tilespmem:s29+$0x10];
	_ =	sdelay $0x4  }
0x2cc: {  	[tilespmem:s7+$0xFFFFFFA0] =	vst.add.f32.msk $0xffff, v34  }
0x2cd: {  	v34 =	vld [tilespmem:s29+$0x20];
	_ =	sdelay $0x4  }
0x2ce: {  	[tilespmem:s7+$0xFFFFFFB0] =	vst.add.f32.msk $0xffff, v34  }
0x2cf: {  	v34 =	vld [tilespmem:s29+$0x30]  }
0x2d0: {  	s28 =	sadd.s32 $0xF, s28  }
0x2d1: {  	s29 =	sshll.u32 s28, $0x8  }
0x2d2: {  	p2 =	slt.u32 s28, $0xC8;
	s28 =	sadd.s32 $0xFFFF3800, s29  }
0x2d3: {  	s28 =	smov.u32 @p2 s29  }
0x2d4: {  	s29 =	sshra.s32 s28, $0x2;
	[tilespmem:s7+$0xFFFFFFC0] =	vst.add.f32.msk $0xffff, v34  }
0x2d5: {  	v34 =	vld [tilespmem:s29+$0x0];
	_ =	sdelay $0x4  }
0x2d6: {  	[tilespmem:s7+$0xFFFFFFD0] =	vst.add.f32.msk $0xffff, v34  }
0x2d7: {  	s8 =	sadd.s32 $0x8, s8;
	v34 =	vld [tilespmem:s29+$0x10]  }
0x2d8: {  	p1 =	slt.u32 s8, $0x48  }
.Ltmp2:
0x2d9: {  	_ = 	snop;
	(pc) =	sbr.rel @p1 .LBB2_7-.Ltmp2, $3  }
0x2da: {  	_ =	sdelay $0x1  }
0x2db: {  	[tilespmem:s7+$0xFFFFFFE0] =	vst.add.f32.msk $0xffff, v34  }
0x2dc: {  	v34 =	vld [tilespmem:s29+$0x20]  }
0x2dd: {  	_ =	sdelay $0x3  }
0x2de: {  	[tilespmem:s7+$0xFFFFFFF0] =	vst.add.f32.msk $0xffff, v34  }
0x2df: {  	v34 =	vld [tilespmem:s29+$0x30];
	_ =	sdelay $0x2  }
0x2e0: {  	s8 =	sadd.s32 s6, s5  }
0x2e1: {  	s18 =	sor.u32 $0x3, s18;
	s8 =	sshll.u32 s8, $0x3  }
0x2e2: {  	s30 =	smul.u32 $0x140, s18;
	s28 =	sadd.s32 s2, s8;
	[tilespmem:s7+$0x0] =	vst.add.f32.msk $0xffff, v34;
	s7 =	simm.s32 @!p0 $0x8  }
0x2e3: {  	[hbm4b:s28+s3] =	stream.linear.scatter [tilespmem:s17], [sflag:$0x5], $0x1400, $0x38;
	[tilespmem:$0xE600] =	vst v63  }
0x2e4: {  	_ =	swait.ge @!p0 [sflag:s7], $0x1400  }
0x2e5: {  	s8 =	sshra.s32 s30, $0x2;
	[sflag:s7] =	ssyncset.done @!p0 $0x0  }
0x2e6: {  	s8 =	sadd.s32 $0x7D00, s8;
	[sflag:s7] =	ssyncadd.s32 @!p0 $0xFFFFEC00  }
0x2e7: {  	[tilespmem:s23], [sflag:$0x4] =	stream.indirect.gather [hbm4b:s4+s20], $0x40, s8, s20, $0xb8;
	[tilespmem:$0xE600] =	vst v63  }
0x2e8: {  	_ =	swait.ge [sflag:s24], $0x1400  }
0x2e9: {  	s28 =	rddreg [dreg:$0x4]  }
0x2ea: {  	s8 =	sadd.s32 $0xFFFFFFF8, s28  }
0x2eb: {  	s7 =	sadd.s32 $0x58, s8  }
0x2ec: {  	s28 =	sshll.u32 s7, $0x8  }
0x2ed: {  	p0 =	slt.u32 s7, $0xC8;
	s7 =	sadd.s32 $0xFFFF3800, s28  }
0x2ee: {  	[sflag:s24] =	ssyncset.done $0x0;
	s7 =	smov.u32 @p0 s28  }
0x2ef: {  	[sflag:s24] =	ssyncadd.s32 $0xFFFFEC00;
	s28 =	sshra.s32 s7, $0x2  }
0x2f0: {  	v63 =	vld [tilespmem:s28+$0x0];
	_ =	sdelay $0x3  }
0x2f1: {  	s7 =	simm.s32 $0xABF0  }
0x2f2: {  	[tilespmem:s7+$0xFFFFFE10] =	vst.add.f32.msk $0xffff, v63  }
0x2f3: {  	v34 =	vld [tilespmem:s28+$0x10];
	_ =	sdelay $0x4  }
0x2f4: {  	[tilespmem:s7+$0xFFFFFE20] =	vst.add.f32.msk $0xffff, v34  }
0x2f5: {  	v34 =	vld [tilespmem:s28+$0x20];
	_ =	sdelay $0x4  }
0x2f6: {  	[tilespmem:s7+$0xFFFFFE30] =	vst.add.f32.msk $0xffff, v34  }
0x2f7: {  	v34 =	vld [tilespmem:s28+$0x30]  }
0x2f8: {  	s30 =	sadd.s32 $0x59, s8  }
0x2f9: {  	s29 =	sshll.u32 s30, $0x8  }
0x2fa: {  	p0 =	slt.u32 s30, $0xC8;
	s28 =	sadd.s32 $0xFFFF3800, s29  }
0x2fb: {  	s28 =	smov.u32 @p0 s29  }
0x2fc: {  	s28 =	sshra.s32 s28, $0x2;
	[tilespmem:s7+$0xFFFFFE40] =	vst.add.f32.msk $0xffff, v34  }
0x2fd: {  	v34 =	vld [tilespmem:s28+$0x0];
	_ =	sdelay $0x4  }
0x2fe: {  	[tilespmem:s7+$0xFFFFFE50] =	vst.add.f32.msk $0xffff, v34  }
0x2ff: {  	v34 =	vld [tilespmem:s28+$0x10];
	_ =	sdelay $0x4  }
0x300: {  	[tilespmem:s7+$0xFFFFFE60] =	vst.add.f32.msk $0xffff, v34  }
0x301: {  	v34 =	vld [tilespmem:s28+$0x20];
	_ =	sdelay $0x4  }
0x302: {  	[tilespmem:s7+$0xFFFFFE70] =	vst.add.f32.msk $0xffff, v34  }
0x303: {  	v34 =	vld [tilespmem:s28+$0x30]  }
0x304: {  	s30 =	sadd.s32 $0x5A, s8  }
0x305: {  	s29 =	sshll.u32 s30, $0x8  }
0x306: {  	p0 =	slt.u32 s30, $0xC8;
	s28 =	sadd.s32 $0xFFFF3800, s29  }
0x307: {  	s28 =	smov.u32 @p0 s29  }
0x308: {  	s28 =	sshra.s32 s28, $0x2;
	[tilespmem:s7+$0xFFFFFE80] =	vst.add.f32.msk $0xffff, v34  }
0x309: {  	v34 =	vld [tilespmem:s28+$0x0];
	_ =	sdelay $0x4  }
0x30a: {  	[tilespmem:s7+$0xFFFFFE90] =	vst.add.f32.msk $0xffff, v34  }
0x30b: {  	v34 =	vld [tilespmem:s28+$0x10];
	_ =	sdelay $0x4  }
0x30c: {  	[tilespmem:s7+$0xFFFFFEA0] =	vst.add.f32.msk $0xffff, v34  }
0x30d: {  	v34 =	vld [tilespmem:s28+$0x20];
	_ =	sdelay $0x4  }
0x30e: {  	[tilespmem:s7+$0xFFFFFEB0] =	vst.add.f32.msk $0xffff, v34  }
0x30f: {  	v34 =	vld [tilespmem:s28+$0x30]  }
0x310: {  	s30 =	sadd.s32 $0x5B, s8  }
0x311: {  	s29 =	sshll.u32 s30, $0x8  }
0x312: {  	p0 =	slt.u32 s30, $0xC8;
	s28 =	sadd.s32 $0xFFFF3800, s29  }
0x313: {  	s28 =	smov.u32 @p0 s29  }
0x314: {  	s28 =	sshra.s32 s28, $0x2;
	[tilespmem:s7+$0xFFFFFEC0] =	vst.add.f32.msk $0xffff, v34  }
0x315: {  	v34 =	vld [tilespmem:s28+$0x0];
	_ =	sdelay $0x4  }
0x316: {  	[tilespmem:s7+$0xFFFFFED0] =	vst.add.f32.msk $0xffff, v34  }
0x317: {  	v34 =	vld [tilespmem:s28+$0x10];
	_ =	sdelay $0x4  }
0x318: {  	[tilespmem:s7+$0xFFFFFEE0] =	vst.add.f32.msk $0xffff, v34  }
0x319: {  	v34 =	vld [tilespmem:s28+$0x20];
	_ =	sdelay $0x4  }
0x31a: {  	[tilespmem:s7+$0xFFFFFEF0] =	vst.add.f32.msk $0xffff, v34  }
0x31b: {  	v34 =	vld [tilespmem:s28+$0x30]  }
0x31c: {  	s30 =	sadd.s32 $0x5C, s8  }
0x31d: {  	s29 =	sshll.u32 s30, $0x8  }
0x31e: {  	p0 =	slt.u32 s30, $0xC8;
	s28 =	sadd.s32 $0xFFFF3800, s29  }
0x31f: {  	s28 =	smov.u32 @p0 s29  }
0x320: {  	s28 =	sshra.s32 s28, $0x2;
	[tilespmem:s7+$0xFFFFFF00] =	vst.add.f32.msk $0xffff, v34  }
0x321: {  	v34 =	vld [tilespmem:s28+$0x0];
	_ =	sdelay $0x4  }
0x322: {  	[tilespmem:s7+$0xFFFFFF10] =	vst.add.f32.msk $0xffff, v34  }
0x323: {  	v34 =	vld [tilespmem:s28+$0x10];
	_ =	sdelay $0x4  }
0x324: {  	[tilespmem:s7+$0xFFFFFF20] =	vst.add.f32.msk $0xffff, v34  }
0x325: {  	v34 =	vld [tilespmem:s28+$0x20];
	_ =	sdelay $0x4  }
0x326: {  	[tilespmem:s7+$0xFFFFFF30] =	vst.add.f32.msk $0xffff, v34  }
0x327: {  	v34 =	vld [tilespmem:s28+$0x30]  }
0x328: {  	s30 =	sadd.s32 $0x5D, s8  }
0x329: {  	s29 =	sshll.u32 s30, $0x8  }
0x32a: {  	p0 =	slt.u32 s30, $0xC8;
	s28 =	sadd.s32 $0xFFFF3800, s29  }
0x32b: {  	s28 =	smov.u32 @p0 s29  }
0x32c: {  	s28 =	sshra.s32 s28, $0x2;
	[tilespmem:s7+$0xFFFFFF40] =	vst.add.f32.msk $0xffff, v34  }
0x32d: {  	v34 =	vld [tilespmem:s28+$0x0];
	_ =	sdelay $0x4  }
0x32e: {  	[tilespmem:s7+$0xFFFFFF50] =	vst.add.f32.msk $0xffff, v34  }
0x32f: {  	v34 =	vld [tilespmem:s28+$0x10];
	_ =	sdelay $0x4  }
0x330: {  	[tilespmem:s7+$0xFFFFFF60] =	vst.add.f32.msk $0xffff, v34  }
0x331: {  	v34 =	vld [tilespmem:s28+$0x20];
	_ =	sdelay $0x4  }
0x332: {  	[tilespmem:s7+$0xFFFFFF70] =	vst.add.f32.msk $0xffff, v34  }
0x333: {  	v34 =	vld [tilespmem:s28+$0x30]  }
0x334: {  	s30 =	sadd.s32 $0x5E, s8  }
0x335: {  	s29 =	sshll.u32 s30, $0x8  }
0x336: {  	p0 =	slt.u32 s30, $0xC8;
	s28 =	sadd.s32 $0xFFFF3800, s29  }
0x337: {  	s28 =	smov.u32 @p0 s29  }
0x338: {  	s28 =	sshra.s32 s28, $0x2;
	[tilespmem:s7+$0xFFFFFF80] =	vst.add.f32.msk $0xffff, v34  }
0x339: {  	v34 =	vld [tilespmem:s28+$0x0];
	_ =	sdelay $0x4  }
0x33a: {  	[tilespmem:s7+$0xFFFFFF90] =	vst.add.f32.msk $0xffff, v34  }
0x33b: {  	v34 =	vld [tilespmem:s28+$0x10];
	_ =	sdelay $0x4  }
0x33c: {  	[tilespmem:s7+$0xFFFFFFA0] =	vst.add.f32.msk $0xffff, v34  }
0x33d: {  	v34 =	vld [tilespmem:s28+$0x20];
	_ =	sdelay $0x4  }
0x33e: {  	[tilespmem:s7+$0xFFFFFFB0] =	vst.add.f32.msk $0xffff, v34  }
0x33f: {  	v34 =	vld [tilespmem:s28+$0x30]  }
0x340: {  	s8 =	sadd.s32 $0x5F, s8  }
0x341: {  	s28 =	sshll.u32 s8, $0x8  }
0x342: {  	p0 =	slt.u32 s8, $0xC8;
	s8 =	sadd.s32 $0xFFFF3800, s28  }
0x343: {  	s8 =	smov.u32 @p0 s28  }
0x344: {  	s29 =	sshra.s32 s8, $0x2;
	[tilespmem:s7+$0xFFFFFFC0] =	vst.add.f32.msk $0xffff, v34  }
0x345: {  	v34 =	vld [tilespmem:s29+$0x0];
	_ =	sdelay $0x4  }
0x346: {  	[tilespmem:s7+$0xFFFFFFD0] =	vst.add.f32.msk $0xffff, v34  }
0x347: {  	v34 =	vld [tilespmem:s29+$0x10];
	_ =	sdelay $0x4  }
0x348: {  	[tilespmem:s7+$0xFFFFFFE0] =	vst.add.f32.msk $0xffff, v34  }
0x349: {  	s5 =	sadd.s32 $0x50, s5;
	s8 =	simm.s32 $0x0;
	v34 =	vld [tilespmem:s29+$0x20]  }
.LBB2_9:
0x34a: {  	_ =	sdelay $0x3  }
0x34b: {  	s28 =	rddreg [dreg:$0x4];
	s30 =	smov.u32 s8;
	[tilespmem:s7+$0xFFFFFFF0] =	vst.add.f32.msk $0xffff, v34  }
0x34c: {  	s28 =	sadd.s32 s30, s28;
	v34 =	vld [tilespmem:s29+$0x30]  }
0x34d: {  	s29 =	sadd.s32 $0x58, s28  }
0x34e: {  	s30 =	sshll.u32 s29, $0x8  }
0x34f: {  	p1 =	slt.u32 s29, $0xC8;
	s29 =	sadd.s32 $0xFFFF3800, s30  }
0x350: {  	s29 =	smov.u32 @p1 s30  }
0x351: {  	s29 =	sshra.s32 s29, $0x2;
	[tilespmem:s7+$0x0] =	vst.add.f32.msk $0xffff, v34  }
0x352: {  	v34 =	vld [tilespmem:s29+$0x0];
	_ =	sdelay $0x3  }
0x353: {  	s7 =	sadd.s32 $0x200, s7  }
0x354: {  	[tilespmem:s7+$0xFFFFFE10] =	vst.add.f32.msk $0xffff, v34  }
0x355: {  	v34 =	vld [tilespmem:s29+$0x10];
	_ =	sdelay $0x4  }
0x356: {  	[tilespmem:s7+$0xFFFFFE20] =	vst.add.f32.msk $0xffff, v34  }
0x357: {  	v34 =	vld [tilespmem:s29+$0x20];
	_ =	sdelay $0x4  }
0x358: {  	[tilespmem:s7+$0xFFFFFE30] =	vst.add.f32.msk $0xffff, v34  }
0x359: {  	v34 =	vld [tilespmem:s29+$0x30]  }
0x35a: {  	s29 =	sadd.s32 $0x59, s28  }
0x35b: {  	s30 =	sshll.u32 s29, $0x8  }
0x35c: {  	p1 =	slt.u32 s29, $0xC8;
	s29 =	sadd.s32 $0xFFFF3800, s30  }
0x35d: {  	s29 =	smov.u32 @p1 s30  }
0x35e: {  	s29 =	sshra.s32 s29, $0x2;
	[tilespmem:s7+$0xFFFFFE40] =	vst.add.f32.msk $0xffff, v34  }
0x35f: {  	v34 =	vld [tilespmem:s29+$0x0];
	_ =	sdelay $0x4  }
0x360: {  	[tilespmem:s7+$0xFFFFFE50] =	vst.add.f32.msk $0xffff, v34  }
0x361: {  	v34 =	vld [tilespmem:s29+$0x10];
	_ =	sdelay $0x4  }
0x362: {  	[tilespmem:s7+$0xFFFFFE60] =	vst.add.f32.msk $0xffff, v34  }
0x363: {  	v34 =	vld [tilespmem:s29+$0x20];
	_ =	sdelay $0x4  }
0x364: {  	[tilespmem:s7+$0xFFFFFE70] =	vst.add.f32.msk $0xffff, v34  }
0x365: {  	v34 =	vld [tilespmem:s29+$0x30]  }
0x366: {  	s29 =	sadd.s32 $0x5A, s28  }
0x367: {  	s30 =	sshll.u32 s29, $0x8  }
0x368: {  	p1 =	slt.u32 s29, $0xC8;
	s29 =	sadd.s32 $0xFFFF3800, s30  }
0x369: {  	s29 =	smov.u32 @p1 s30  }
0x36a: {  	s29 =	sshra.s32 s29, $0x2;
	[tilespmem:s7+$0xFFFFFE80] =	vst.add.f32.msk $0xffff, v34  }
0x36b: {  	v34 =	vld [tilespmem:s29+$0x0];
	_ =	sdelay $0x4  }
0x36c: {  	[tilespmem:s7+$0xFFFFFE90] =	vst.add.f32.msk $0xffff, v34  }
0x36d: {  	v34 =	vld [tilespmem:s29+$0x10];
	_ =	sdelay $0x4  }
0x36e: {  	[tilespmem:s7+$0xFFFFFEA0] =	vst.add.f32.msk $0xffff, v34  }
0x36f: {  	v34 =	vld [tilespmem:s29+$0x20];
	_ =	sdelay $0x4  }
0x370: {  	[tilespmem:s7+$0xFFFFFEB0] =	vst.add.f32.msk $0xffff, v34  }
0x371: {  	v34 =	vld [tilespmem:s29+$0x30]  }
0x372: {  	s29 =	sadd.s32 $0x5B, s28  }
0x373: {  	s30 =	sshll.u32 s29, $0x8  }
0x374: {  	p1 =	slt.u32 s29, $0xC8;
	s29 =	sadd.s32 $0xFFFF3800, s30  }
0x375: {  	s29 =	smov.u32 @p1 s30  }
0x376: {  	s29 =	sshra.s32 s29, $0x2;
	[tilespmem:s7+$0xFFFFFEC0] =	vst.add.f32.msk $0xffff, v34  }
0x377: {  	v34 =	vld [tilespmem:s29+$0x0];
	_ =	sdelay $0x4  }
0x378: {  	[tilespmem:s7+$0xFFFFFED0] =	vst.add.f32.msk $0xffff, v34  }
0x379: {  	v34 =	vld [tilespmem:s29+$0x10];
	_ =	sdelay $0x4  }
0x37a: {  	[tilespmem:s7+$0xFFFFFEE0] =	vst.add.f32.msk $0xffff, v34  }
0x37b: {  	v34 =	vld [tilespmem:s29+$0x20];
	_ =	sdelay $0x4  }
0x37c: {  	[tilespmem:s7+$0xFFFFFEF0] =	vst.add.f32.msk $0xffff, v34  }
0x37d: {  	v34 =	vld [tilespmem:s29+$0x30]  }
0x37e: {  	s29 =	sadd.s32 $0x5C, s28  }
0x37f: {  	s30 =	sshll.u32 s29, $0x8  }
0x380: {  	p1 =	slt.u32 s29, $0xC8;
	s29 =	sadd.s32 $0xFFFF3800, s30  }
0x381: {  	s29 =	smov.u32 @p1 s30  }
0x382: {  	s29 =	sshra.s32 s29, $0x2;
	[tilespmem:s7+$0xFFFFFF00] =	vst.add.f32.msk $0xffff, v34  }
0x383: {  	v34 =	vld [tilespmem:s29+$0x0];
	_ =	sdelay $0x4  }
0x384: {  	[tilespmem:s7+$0xFFFFFF10] =	vst.add.f32.msk $0xffff, v34  }
0x385: {  	v34 =	vld [tilespmem:s29+$0x10];
	_ =	sdelay $0x4  }
0x386: {  	[tilespmem:s7+$0xFFFFFF20] =	vst.add.f32.msk $0xffff, v34  }
0x387: {  	v34 =	vld [tilespmem:s29+$0x20];
	_ =	sdelay $0x4  }
0x388: {  	[tilespmem:s7+$0xFFFFFF30] =	vst.add.f32.msk $0xffff, v34  }
0x389: {  	v34 =	vld [tilespmem:s29+$0x30]  }
0x38a: {  	s29 =	sadd.s32 $0x5D, s28  }
0x38b: {  	s30 =	sshll.u32 s29, $0x8  }
0x38c: {  	p1 =	slt.u32 s29, $0xC8;
	s29 =	sadd.s32 $0xFFFF3800, s30  }
0x38d: {  	s29 =	smov.u32 @p1 s30  }
0x38e: {  	s29 =	sshra.s32 s29, $0x2;
	[tilespmem:s7+$0xFFFFFF40] =	vst.add.f32.msk $0xffff, v34  }
0x38f: {  	v34 =	vld [tilespmem:s29+$0x0];
	_ =	sdelay $0x4  }
0x390: {  	[tilespmem:s7+$0xFFFFFF50] =	vst.add.f32.msk $0xffff, v34  }
0x391: {  	v34 =	vld [tilespmem:s29+$0x10];
	_ =	sdelay $0x4  }
0x392: {  	[tilespmem:s7+$0xFFFFFF60] =	vst.add.f32.msk $0xffff, v34  }
0x393: {  	v34 =	vld [tilespmem:s29+$0x20];
	_ =	sdelay $0x4  }
0x394: {  	[tilespmem:s7+$0xFFFFFF70] =	vst.add.f32.msk $0xffff, v34  }
0x395: {  	v34 =	vld [tilespmem:s29+$0x30]  }
0x396: {  	s29 =	sadd.s32 $0x5E, s28  }
0x397: {  	s30 =	sshll.u32 s29, $0x8  }
0x398: {  	p1 =	slt.u32 s29, $0xC8;
	s29 =	sadd.s32 $0xFFFF3800, s30  }
0x399: {  	s29 =	smov.u32 @p1 s30  }
0x39a: {  	s29 =	sshra.s32 s29, $0x2;
	[tilespmem:s7+$0xFFFFFF80] =	vst.add.f32.msk $0xffff, v34  }
0x39b: {  	v34 =	vld [tilespmem:s29+$0x0];
	_ =	sdelay $0x4  }
0x39c: {  	[tilespmem:s7+$0xFFFFFF90] =	vst.add.f32.msk $0xffff, v34  }
0x39d: {  	v34 =	vld [tilespmem:s29+$0x10];
	_ =	sdelay $0x4  }
0x39e: {  	[tilespmem:s7+$0xFFFFFFA0] =	vst.add.f32.msk $0xffff, v34  }
0x39f: {  	v34 =	vld [tilespmem:s29+$0x20];
	_ =	sdelay $0x4  }
0x3a0: {  	[tilespmem:s7+$0xFFFFFFB0] =	vst.add.f32.msk $0xffff, v34  }
0x3a1: {  	v34 =	vld [tilespmem:s29+$0x30]  }
0x3a2: {  	s28 =	sadd.s32 $0x5F, s28  }
0x3a3: {  	s29 =	sshll.u32 s28, $0x8  }
0x3a4: {  	p1 =	slt.u32 s28, $0xC8;
	s28 =	sadd.s32 $0xFFFF3800, s29  }
0x3a5: {  	s28 =	smov.u32 @p1 s29  }
0x3a6: {  	s29 =	sshra.s32 s28, $0x2;
	[tilespmem:s7+$0xFFFFFFC0] =	vst.add.f32.msk $0xffff, v34  }
0x3a7: {  	v34 =	vld [tilespmem:s29+$0x0];
	_ =	sdelay $0x4  }
0x3a8: {  	[tilespmem:s7+$0xFFFFFFD0] =	vst.add.f32.msk $0xffff, v34  }
0x3a9: {  	s8 =	sadd.s32 $0x8, s8;
	v34 =	vld [tilespmem:s29+$0x10]  }
0x3aa: {  	p0 =	slt.u32 s8, $0x48  }
.Ltmp3:
0x3ab: {  	_ = 	snop;
	(pc) =	sbr.rel @p0 .LBB2_9-.Ltmp3, $3  }
0x3ac: {  	_ =	sdelay $0x1  }
0x3ad: {  	[tilespmem:s7+$0xFFFFFFE0] =	vst.add.f32.msk $0xffff, v34  }
0x3ae: {  	v34 =	vld [tilespmem:s29+$0x20]  }
0x3af: {  	_ =	sdelay $0x3  }
0x3b0: {  	[tilespmem:s7+$0xFFFFFFF0] =	vst.add.f32.msk $0xffff, v34  }
0x3b1: {  	v34 =	vld [tilespmem:s29+$0x30];
	_ =	sdelay $0x1  }
0x3b2: {  	s5 =	sadd.s32 s6, s5  }
0x3b3: {  	s5 =	sshll.u32 s5, $0x3  }
0x3b4: {  	s5 =	sand.u32 $0x1FFFFE80, s5  }
0x3b5: {  	p0 =	seq.s32 s14, $0x13;
	s5 =	sadd.s32 s2, s5;
	[tilespmem:s7+$0x0] =	vst.add.f32.msk $0xffff, v34  }
0x3b6: {  	[hbm4b:s5+s3] =	stream.linear.scatter [tilespmem:s19], [sflag:$0x6], $0x1400, $0x38;
	[tilespmem:$0xE600] =	vst v63  }
0x3b7: {  	s5 =	simm.s32 @!p0 $0x5  }
0x3b8: {  	s7 =	smul.u32 @!p0 $0x500, s14;
	_ =	swait.ge @!p0 [sflag:s5], $0x1400  }
0x3b9: {  	[sflag:s5] =	ssyncset.done @!p0 $0x0  }
0x3ba: {  	[sflag:s5] =	ssyncadd.s32 @!p0 $0xFFFFEC00;
	s5 =	sshra.s32 @!p0 s7, $0x2  }
0x3bb: {  	s8 =	simm.s32 @!p0 $0x50;
	s28 =	simm.s32 @!p0 $0x9600;
	s7 =	sadd.s32 @!p0 $0x7E40, s5  }
0x3bc: {  	[tilespmem:s28], [sflag:$0x1] =	stream.indirect.gather @!p0 [hbm4b:s4+s8], $0x40, s7, s8, $0xb8;
	[tilespmem:$0xE600] =	vst v63  }
0x3bd: {  	_ =	swait.ge [sflag:s25], $0x1400  }
0x3be: {  	s28 =	rddreg [dreg:$0x5]  }
0x3bf: {  	s8 =	sadd.s32 $0xFFFFFFF8, s28  }
0x3c0: {  	s7 =	sadd.s32 $0xA8, s8  }
0x3c1: {  	s28 =	sshll.u32 s7, $0x8  }
0x3c2: {  	p1 =	slt.u32 s7, $0xC8;
	s7 =	sadd.s32 $0xFFFF3800, s28  }
0x3c3: {  	[sflag:s25] =	ssyncset.done $0x0;
	s7 =	smov.u32 @p1 s28  }
0x3c4: {  	[sflag:s25] =	ssyncadd.s32 $0xFFFFEC00;
	s28 =	sshra.s32 s7, $0x2  }
0x3c5: {  	v63 =	vld [tilespmem:s28+$0x0];
	_ =	sdelay $0x3  }
0x3c6: {  	s7 =	simm.s32 $0xBFF0  }
0x3c7: {  	[tilespmem:s7+$0xFFFFFE10] =	vst.add.f32.msk $0xffff, v63  }
0x3c8: {  	v34 =	vld [tilespmem:s28+$0x10];
	_ =	sdelay $0x4  }
0x3c9: {  	[tilespmem:s7+$0xFFFFFE20] =	vst.add.f32.msk $0xffff, v34  }
0x3ca: {  	v34 =	vld [tilespmem:s28+$0x20];
	_ =	sdelay $0x4  }
0x3cb: {  	[tilespmem:s7+$0xFFFFFE30] =	vst.add.f32.msk $0xffff, v34  }
0x3cc: {  	v34 =	vld [tilespmem:s28+$0x30]  }
0x3cd: {  	s30 =	sadd.s32 $0xA9, s8  }
0x3ce: {  	s29 =	sshll.u32 s30, $0x8  }
0x3cf: {  	p1 =	slt.u32 s30, $0xC8;
	s28 =	sadd.s32 $0xFFFF3800, s29  }
0x3d0: {  	s28 =	smov.u32 @p1 s29  }
0x3d1: {  	s28 =	sshra.s32 s28, $0x2;
	[tilespmem:s7+$0xFFFFFE40] =	vst.add.f32.msk $0xffff, v34  }
0x3d2: {  	v34 =	vld [tilespmem:s28+$0x0];
	_ =	sdelay $0x4  }
0x3d3: {  	[tilespmem:s7+$0xFFFFFE50] =	vst.add.f32.msk $0xffff, v34  }
0x3d4: {  	v34 =	vld [tilespmem:s28+$0x10];
	_ =	sdelay $0x4  }
0x3d5: {  	[tilespmem:s7+$0xFFFFFE60] =	vst.add.f32.msk $0xffff, v34  }
0x3d6: {  	v34 =	vld [tilespmem:s28+$0x20];
	_ =	sdelay $0x4  }
0x3d7: {  	[tilespmem:s7+$0xFFFFFE70] =	vst.add.f32.msk $0xffff, v34  }
0x3d8: {  	v34 =	vld [tilespmem:s28+$0x30]  }
0x3d9: {  	s30 =	sadd.s32 $0xAA, s8  }
0x3da: {  	s29 =	sshll.u32 s30, $0x8  }
0x3db: {  	p1 =	slt.u32 s30, $0xC8;
	s28 =	sadd.s32 $0xFFFF3800, s29  }
0x3dc: {  	s28 =	smov.u32 @p1 s29  }
0x3dd: {  	s28 =	sshra.s32 s28, $0x2;
	[tilespmem:s7+$0xFFFFFE80] =	vst.add.f32.msk $0xffff, v34  }
0x3de: {  	v34 =	vld [tilespmem:s28+$0x0];
	_ =	sdelay $0x4  }
0x3df: {  	[tilespmem:s7+$0xFFFFFE90] =	vst.add.f32.msk $0xffff, v34  }
0x3e0: {  	v34 =	vld [tilespmem:s28+$0x10];
	_ =	sdelay $0x4  }
0x3e1: {  	[tilespmem:s7+$0xFFFFFEA0] =	vst.add.f32.msk $0xffff, v34  }
0x3e2: {  	v34 =	vld [tilespmem:s28+$0x20];
	_ =	sdelay $0x4  }
0x3e3: {  	[tilespmem:s7+$0xFFFFFEB0] =	vst.add.f32.msk $0xffff, v34  }
0x3e4: {  	v34 =	vld [tilespmem:s28+$0x30]  }
0x3e5: {  	s30 =	sadd.s32 $0xAB, s8  }
0x3e6: {  	s29 =	sshll.u32 s30, $0x8  }
0x3e7: {  	p1 =	slt.u32 s30, $0xC8;
	s28 =	sadd.s32 $0xFFFF3800, s29  }
0x3e8: {  	s28 =	smov.u32 @p1 s29  }
0x3e9: {  	s28 =	sshra.s32 s28, $0x2;
	[tilespmem:s7+$0xFFFFFEC0] =	vst.add.f32.msk $0xffff, v34  }
0x3ea: {  	v34 =	vld [tilespmem:s28+$0x0];
	_ =	sdelay $0x4  }
0x3eb: {  	[tilespmem:s7+$0xFFFFFED0] =	vst.add.f32.msk $0xffff, v34  }
0x3ec: {  	v34 =	vld [tilespmem:s28+$0x10];
	_ =	sdelay $0x4  }
0x3ed: {  	[tilespmem:s7+$0xFFFFFEE0] =	vst.add.f32.msk $0xffff, v34  }
0x3ee: {  	v34 =	vld [tilespmem:s28+$0x20];
	_ =	sdelay $0x4  }
0x3ef: {  	[tilespmem:s7+$0xFFFFFEF0] =	vst.add.f32.msk $0xffff, v34  }
0x3f0: {  	v34 =	vld [tilespmem:s28+$0x30]  }
0x3f1: {  	s30 =	sadd.s32 $0xAC, s8  }
0x3f2: {  	s29 =	sshll.u32 s30, $0x8  }
0x3f3: {  	p1 =	slt.u32 s30, $0xC8;
	s28 =	sadd.s32 $0xFFFF3800, s29  }
0x3f4: {  	s28 =	smov.u32 @p1 s29  }
0x3f5: {  	s28 =	sshra.s32 s28, $0x2;
	[tilespmem:s7+$0xFFFFFF00] =	vst.add.f32.msk $0xffff, v34  }
0x3f6: {  	v34 =	vld [tilespmem:s28+$0x0];
	_ =	sdelay $0x4  }
0x3f7: {  	[tilespmem:s7+$0xFFFFFF10] =	vst.add.f32.msk $0xffff, v34  }
0x3f8: {  	v34 =	vld [tilespmem:s28+$0x10];
	_ =	sdelay $0x4  }
0x3f9: {  	[tilespmem:s7+$0xFFFFFF20] =	vst.add.f32.msk $0xffff, v34  }
0x3fa: {  	v34 =	vld [tilespmem:s28+$0x20];
	_ =	sdelay $0x4  }
0x3fb: {  	[tilespmem:s7+$0xFFFFFF30] =	vst.add.f32.msk $0xffff, v34  }
0x3fc: {  	v34 =	vld [tilespmem:s28+$0x30]  }
0x3fd: {  	s30 =	sadd.s32 $0xAD, s8  }
0x3fe: {  	s29 =	sshll.u32 s30, $0x8  }
0x3ff: {  	p1 =	slt.u32 s30, $0xC8;
	s28 =	sadd.s32 $0xFFFF3800, s29  }
0x400: {  	s28 =	smov.u32 @p1 s29  }
0x401: {  	s28 =	sshra.s32 s28, $0x2;
	[tilespmem:s7+$0xFFFFFF40] =	vst.add.f32.msk $0xffff, v34  }
0x402: {  	v34 =	vld [tilespmem:s28+$0x0];
	_ =	sdelay $0x4  }
0x403: {  	[tilespmem:s7+$0xFFFFFF50] =	vst.add.f32.msk $0xffff, v34  }
0x404: {  	v34 =	vld [tilespmem:s28+$0x10];
	_ =	sdelay $0x4  }
0x405: {  	[tilespmem:s7+$0xFFFFFF60] =	vst.add.f32.msk $0xffff, v34  }
0x406: {  	v34 =	vld [tilespmem:s28+$0x20];
	_ =	sdelay $0x4  }
0x407: {  	[tilespmem:s7+$0xFFFFFF70] =	vst.add.f32.msk $0xffff, v34  }
0x408: {  	v34 =	vld [tilespmem:s28+$0x30]  }
0x409: {  	s30 =	sadd.s32 $0xAE, s8  }
0x40a: {  	s29 =	sshll.u32 s30, $0x8  }
0x40b: {  	p1 =	slt.u32 s30, $0xC8;
	s28 =	sadd.s32 $0xFFFF3800, s29  }
0x40c: {  	s28 =	smov.u32 @p1 s29  }
0x40d: {  	s28 =	sshra.s32 s28, $0x2;
	[tilespmem:s7+$0xFFFFFF80] =	vst.add.f32.msk $0xffff, v34  }
0x40e: {  	v34 =	vld [tilespmem:s28+$0x0];
	_ =	sdelay $0x4  }
0x40f: {  	[tilespmem:s7+$0xFFFFFF90] =	vst.add.f32.msk $0xffff, v34  }
0x410: {  	v34 =	vld [tilespmem:s28+$0x10];
	_ =	sdelay $0x4  }
0x411: {  	[tilespmem:s7+$0xFFFFFFA0] =	vst.add.f32.msk $0xffff, v34  }
0x412: {  	v34 =	vld [tilespmem:s28+$0x20];
	_ =	sdelay $0x4  }
0x413: {  	[tilespmem:s7+$0xFFFFFFB0] =	vst.add.f32.msk $0xffff, v34  }
0x414: {  	v34 =	vld [tilespmem:s28+$0x30]  }
0x415: {  	s8 =	sadd.s32 $0xAF, s8  }
0x416: {  	s28 =	sshll.u32 s8, $0x8  }
0x417: {  	p1 =	slt.u32 s8, $0xC8;
	s8 =	sadd.s32 $0xFFFF3800, s28  }
0x418: {  	s8 =	smov.u32 @p1 s28  }
0x419: {  	s29 =	sshra.s32 s8, $0x2;
	[tilespmem:s7+$0xFFFFFFC0] =	vst.add.f32.msk $0xffff, v34  }
0x41a: {  	v34 =	vld [tilespmem:s29+$0x0];
	_ =	sdelay $0x4  }
0x41b: {  	[tilespmem:s7+$0xFFFFFFD0] =	vst.add.f32.msk $0xffff, v34  }
0x41c: {  	v34 =	vld [tilespmem:s29+$0x10];
	_ =	sdelay $0x4  }
0x41d: {  	[tilespmem:s7+$0xFFFFFFE0] =	vst.add.f32.msk $0xffff, v34  }
0x41e: {  	s16 =	smul.u32 $0x50, s16;
	s8 =	simm.s32 $0x0;
	v34 =	vld [tilespmem:s29+$0x20]  }
.LBB2_11:
0x41f: {  	_ =	sdelay $0x3  }
0x420: {  	s28 =	rddreg [dreg:$0x5];
	s30 =	smov.u32 s8;
	[tilespmem:s7+$0xFFFFFFF0] =	vst.add.f32.msk $0xffff, v34  }
0x421: {  	s28 =	sadd.s32 s30, s28;
	v34 =	vld [tilespmem:s29+$0x30]  }
0x422: {  	s29 =	sadd.s32 $0xA8, s28  }
0x423: {  	s30 =	sshll.u32 s29, $0x8  }
0x424: {  	p2 =	slt.u32 s29, $0xC8;
	s29 =	sadd.s32 $0xFFFF3800, s30  }
0x425: {  	s29 =	smov.u32 @p2 s30  }
0x426: {  	s29 =	sshra.s32 s29, $0x2;
	[tilespmem:s7+$0x0] =	vst.add.f32.msk $0xffff, v34  }
0x427: {  	v34 =	vld [tilespmem:s29+$0x0];
	_ =	sdelay $0x3  }
0x428: {  	s7 =	sadd.s32 $0x200, s7  }
0x429: {  	[tilespmem:s7+$0xFFFFFE10] =	vst.add.f32.msk $0xffff, v34  }
0x42a: {  	v34 =	vld [tilespmem:s29+$0x10];
	_ =	sdelay $0x4  }
0x42b: {  	[tilespmem:s7+$0xFFFFFE20] =	vst.add.f32.msk $0xffff, v34  }
0x42c: {  	v34 =	vld [tilespmem:s29+$0x20];
	_ =	sdelay $0x4  }
0x42d: {  	[tilespmem:s7+$0xFFFFFE30] =	vst.add.f32.msk $0xffff, v34  }
0x42e: {  	v34 =	vld [tilespmem:s29+$0x30]  }
0x42f: {  	s29 =	sadd.s32 $0xA9, s28  }
0x430: {  	s30 =	sshll.u32 s29, $0x8  }
0x431: {  	p2 =	slt.u32 s29, $0xC8;
	s29 =	sadd.s32 $0xFFFF3800, s30  }
0x432: {  	s29 =	smov.u32 @p2 s30  }
0x433: {  	s29 =	sshra.s32 s29, $0x2;
	[tilespmem:s7+$0xFFFFFE40] =	vst.add.f32.msk $0xffff, v34  }
0x434: {  	v34 =	vld [tilespmem:s29+$0x0];
	_ =	sdelay $0x4  }
0x435: {  	[tilespmem:s7+$0xFFFFFE50] =	vst.add.f32.msk $0xffff, v34  }
0x436: {  	v34 =	vld [tilespmem:s29+$0x10];
	_ =	sdelay $0x4  }
0x437: {  	[tilespmem:s7+$0xFFFFFE60] =	vst.add.f32.msk $0xffff, v34  }
0x438: {  	v34 =	vld [tilespmem:s29+$0x20];
	_ =	sdelay $0x4  }
0x439: {  	[tilespmem:s7+$0xFFFFFE70] =	vst.add.f32.msk $0xffff, v34  }
0x43a: {  	v34 =	vld [tilespmem:s29+$0x30]  }
0x43b: {  	s29 =	sadd.s32 $0xAA, s28  }
0x43c: {  	s30 =	sshll.u32 s29, $0x8  }
0x43d: {  	p2 =	slt.u32 s29, $0xC8;
	s29 =	sadd.s32 $0xFFFF3800, s30  }
0x43e: {  	s29 =	smov.u32 @p2 s30  }
0x43f: {  	s29 =	sshra.s32 s29, $0x2;
	[tilespmem:s7+$0xFFFFFE80] =	vst.add.f32.msk $0xffff, v34  }
0x440: {  	v34 =	vld [tilespmem:s29+$0x0];
	_ =	sdelay $0x4  }
0x441: {  	[tilespmem:s7+$0xFFFFFE90] =	vst.add.f32.msk $0xffff, v34  }
0x442: {  	v34 =	vld [tilespmem:s29+$0x10];
	_ =	sdelay $0x4  }
0x443: {  	[tilespmem:s7+$0xFFFFFEA0] =	vst.add.f32.msk $0xffff, v34  }
0x444: {  	v34 =	vld [tilespmem:s29+$0x20];
	_ =	sdelay $0x4  }
0x445: {  	[tilespmem:s7+$0xFFFFFEB0] =	vst.add.f32.msk $0xffff, v34  }
0x446: {  	v34 =	vld [tilespmem:s29+$0x30]  }
0x447: {  	s29 =	sadd.s32 $0xAB, s28  }
0x448: {  	s30 =	sshll.u32 s29, $0x8  }
0x449: {  	p2 =	slt.u32 s29, $0xC8;
	s29 =	sadd.s32 $0xFFFF3800, s30  }
0x44a: {  	s29 =	smov.u32 @p2 s30  }
0x44b: {  	s29 =	sshra.s32 s29, $0x2;
	[tilespmem:s7+$0xFFFFFEC0] =	vst.add.f32.msk $0xffff, v34  }
0x44c: {  	v34 =	vld [tilespmem:s29+$0x0];
	_ =	sdelay $0x4  }
0x44d: {  	[tilespmem:s7+$0xFFFFFED0] =	vst.add.f32.msk $0xffff, v34  }
0x44e: {  	v34 =	vld [tilespmem:s29+$0x10];
	_ =	sdelay $0x4  }
0x44f: {  	[tilespmem:s7+$0xFFFFFEE0] =	vst.add.f32.msk $0xffff, v34  }
0x450: {  	v34 =	vld [tilespmem:s29+$0x20];
	_ =	sdelay $0x4  }
0x451: {  	[tilespmem:s7+$0xFFFFFEF0] =	vst.add.f32.msk $0xffff, v34  }
0x452: {  	v34 =	vld [tilespmem:s29+$0x30]  }
0x453: {  	s29 =	sadd.s32 $0xAC, s28  }
0x454: {  	s30 =	sshll.u32 s29, $0x8  }
0x455: {  	p2 =	slt.u32 s29, $0xC8;
	s29 =	sadd.s32 $0xFFFF3800, s30  }
0x456: {  	s29 =	smov.u32 @p2 s30  }
0x457: {  	s29 =	sshra.s32 s29, $0x2;
	[tilespmem:s7+$0xFFFFFF00] =	vst.add.f32.msk $0xffff, v34  }
0x458: {  	v34 =	vld [tilespmem:s29+$0x0];
	_ =	sdelay $0x4  }
0x459: {  	[tilespmem:s7+$0xFFFFFF10] =	vst.add.f32.msk $0xffff, v34  }
0x45a: {  	v34 =	vld [tilespmem:s29+$0x10];
	_ =	sdelay $0x4  }
0x45b: {  	[tilespmem:s7+$0xFFFFFF20] =	vst.add.f32.msk $0xffff, v34  }
0x45c: {  	v34 =	vld [tilespmem:s29+$0x20];
	_ =	sdelay $0x4  }
0x45d: {  	[tilespmem:s7+$0xFFFFFF30] =	vst.add.f32.msk $0xffff, v34  }
0x45e: {  	v34 =	vld [tilespmem:s29+$0x30]  }
0x45f: {  	s29 =	sadd.s32 $0xAD, s28  }
0x460: {  	s30 =	sshll.u32 s29, $0x8  }
0x461: {  	p2 =	slt.u32 s29, $0xC8;
	s29 =	sadd.s32 $0xFFFF3800, s30  }
0x462: {  	s29 =	smov.u32 @p2 s30  }
0x463: {  	s29 =	sshra.s32 s29, $0x2;
	[tilespmem:s7+$0xFFFFFF40] =	vst.add.f32.msk $0xffff, v34  }
0x464: {  	v34 =	vld [tilespmem:s29+$0x0];
	_ =	sdelay $0x4  }
0x465: {  	[tilespmem:s7+$0xFFFFFF50] =	vst.add.f32.msk $0xffff, v34  }
0x466: {  	v34 =	vld [tilespmem:s29+$0x10];
	_ =	sdelay $0x4  }
0x467: {  	[tilespmem:s7+$0xFFFFFF60] =	vst.add.f32.msk $0xffff, v34  }
0x468: {  	v34 =	vld [tilespmem:s29+$0x20];
	_ =	sdelay $0x4  }
0x469: {  	[tilespmem:s7+$0xFFFFFF70] =	vst.add.f32.msk $0xffff, v34  }
0x46a: {  	v34 =	vld [tilespmem:s29+$0x30]  }
0x46b: {  	s29 =	sadd.s32 $0xAE, s28  }
0x46c: {  	s30 =	sshll.u32 s29, $0x8  }
0x46d: {  	p2 =	slt.u32 s29, $0xC8;
	s29 =	sadd.s32 $0xFFFF3800, s30  }
0x46e: {  	s29 =	smov.u32 @p2 s30  }
0x46f: {  	s29 =	sshra.s32 s29, $0x2;
	[tilespmem:s7+$0xFFFFFF80] =	vst.add.f32.msk $0xffff, v34  }
0x470: {  	v34 =	vld [tilespmem:s29+$0x0];
	_ =	sdelay $0x4  }
0x471: {  	[tilespmem:s7+$0xFFFFFF90] =	vst.add.f32.msk $0xffff, v34  }
0x472: {  	v34 =	vld [tilespmem:s29+$0x10];
	_ =	sdelay $0x4  }
0x473: {  	[tilespmem:s7+$0xFFFFFFA0] =	vst.add.f32.msk $0xffff, v34  }
0x474: {  	v34 =	vld [tilespmem:s29+$0x20];
	_ =	sdelay $0x4  }
0x475: {  	[tilespmem:s7+$0xFFFFFFB0] =	vst.add.f32.msk $0xffff, v34  }
0x476: {  	v34 =	vld [tilespmem:s29+$0x30]  }
0x477: {  	s28 =	sadd.s32 $0xAF, s28  }
0x478: {  	s29 =	sshll.u32 s28, $0x8  }
0x479: {  	p2 =	slt.u32 s28, $0xC8;
	s28 =	sadd.s32 $0xFFFF3800, s29  }
0x47a: {  	s28 =	smov.u32 @p2 s29  }
0x47b: {  	s29 =	sshra.s32 s28, $0x2;
	[tilespmem:s7+$0xFFFFFFC0] =	vst.add.f32.msk $0xffff, v34  }
0x47c: {  	v34 =	vld [tilespmem:s29+$0x0];
	_ =	sdelay $0x4  }
0x47d: {  	[tilespmem:s7+$0xFFFFFFD0] =	vst.add.f32.msk $0xffff, v34  }
0x47e: {  	s8 =	sadd.s32 $0x8, s8;
	v34 =	vld [tilespmem:s29+$0x10]  }
0x47f: {  	p1 =	slt.u32 s8, $0x48  }
.Ltmp4:
0x480: {  	_ = 	snop;
	(pc) =	sbr.rel @p1 .LBB2_11-.Ltmp4, $3  }
0x481: {  	_ =	sdelay $0x1  }
0x482: {  	[tilespmem:s7+$0xFFFFFFE0] =	vst.add.f32.msk $0xffff, v34  }
0x483: {  	v34 =	vld [tilespmem:s29+$0x20]  }
0x484: {  	_ =	sdelay $0x3  }
0x485: {  	[tilespmem:s7+$0xFFFFFFF0] =	vst.add.f32.msk $0xffff, v34  }
0x486: {  	v34 =	vld [tilespmem:s29+$0x30];
	_ =	sdelay $0x1  }
0x487: {  	s8 =	sadd.s32 s6, s16  }
0x488: {  	s8 =	sshll.u32 s8, $0x3  }
0x489: {  	s8 =	sand.u32 $0x1FFFFF00, s8  }
0x48a: {  	s8 =	sadd.s32 s2, s8;
	[tilespmem:s7+$0x0] =	vst.add.f32.msk $0xffff, v34;
	s7 =	simm.s32 @!p0 $0x6  }
0x48b: {  	[hbm4b:s8+s3] =	stream.linear.scatter [tilespmem:s21], [sflag:$0x7], $0x1400, $0x38;
	[tilespmem:$0xE600] =	vst v63  }
0x48c: {  	_ =	swait.ge @!p0 [sflag:s7], $0x1400  }
0x48d: {  	s5 =	sadd.s32 @!p0 $0x7E90, s5;
	[sflag:s7] =	ssyncset.done @!p0 $0x0  }
0x48e: {  	s8 =	simm.s32 @!p0 $0xAA00;
	[sflag:s7] =	ssyncadd.s32 @!p0 $0xFFFFEC00;
	s7 =	simm.s32 @!p0 $0x50  }
0x48f: {  	[tilespmem:s8], [sflag:$0x2] =	stream.indirect.gather @!p0 [hbm4b:s4+s7], $0x40, s5, s7, $0xb8;
	[tilespmem:$0xE600] =	vst v63  }
0x490: {  	_ =	swait.ge [sflag:s26], $0x1400  }
0x491: {  	s16 =	rddreg [dreg:$0x6]  }
0x492: {  	s7 =	sadd.s32 $0xFFFFFFF8, s16  }
0x493: {  	s5 =	sadd.s32 $0xF8, s7  }
0x494: {  	s8 =	sshll.u32 s5, $0x8  }
0x495: {  	p0 =	slt.u32 s5, $0xC8;
	s5 =	sadd.s32 $0xFFFF3800, s8  }
0x496: {  	[sflag:s26] =	ssyncset.done $0x0;
	s5 =	smov.u32 @p0 s8  }
0x497: {  	[sflag:s26] =	ssyncadd.s32 $0xFFFFEC00;
	s8 =	sshra.s32 s5, $0x2  }
0x498: {  	v63 =	vld [tilespmem:s8+$0x0];
	_ =	sdelay $0x3  }
0x499: {  	s5 =	simm.s32 $0xD3F0  }
0x49a: {  	[tilespmem:s5+$0xFFFFFE10] =	vst.add.f32.msk $0xffff, v63  }
0x49b: {  	v34 =	vld [tilespmem:s8+$0x10];
	_ =	sdelay $0x4  }
0x49c: {  	[tilespmem:s5+$0xFFFFFE20] =	vst.add.f32.msk $0xffff, v34  }
0x49d: {  	v34 =	vld [tilespmem:s8+$0x20];
	_ =	sdelay $0x4  }
0x49e: {  	[tilespmem:s5+$0xFFFFFE30] =	vst.add.f32.msk $0xffff, v34  }
0x49f: {  	v34 =	vld [tilespmem:s8+$0x30]  }
0x4a0: {  	s29 =	sadd.s32 $0xF9, s7  }
0x4a1: {  	s16 =	sshll.u32 s29, $0x8  }
0x4a2: {  	p0 =	slt.u32 s29, $0xC8;
	s8 =	sadd.s32 $0xFFFF3800, s16  }
0x4a3: {  	s8 =	smov.u32 @p0 s16  }
0x4a4: {  	s8 =	sshra.s32 s8, $0x2;
	[tilespmem:s5+$0xFFFFFE40] =	vst.add.f32.msk $0xffff, v34  }
0x4a5: {  	v34 =	vld [tilespmem:s8+$0x0];
	_ =	sdelay $0x4  }
0x4a6: {  	[tilespmem:s5+$0xFFFFFE50] =	vst.add.f32.msk $0xffff, v34  }
0x4a7: {  	v34 =	vld [tilespmem:s8+$0x10];
	_ =	sdelay $0x4  }
0x4a8: {  	[tilespmem:s5+$0xFFFFFE60] =	vst.add.f32.msk $0xffff, v34  }
0x4a9: {  	v34 =	vld [tilespmem:s8+$0x20];
	_ =	sdelay $0x4  }
0x4aa: {  	[tilespmem:s5+$0xFFFFFE70] =	vst.add.f32.msk $0xffff, v34  }
0x4ab: {  	v34 =	vld [tilespmem:s8+$0x30]  }
0x4ac: {  	s30 =	sadd.s32 $0xFA, s7  }
0x4ad: {  	s16 =	sshll.u32 s30, $0x8  }
0x4ae: {  	p0 =	slt.u32 s30, $0xC8;
	s8 =	sadd.s32 $0xFFFF3800, s16  }
0x4af: {  	s8 =	smov.u32 @p0 s16  }
0x4b0: {  	s8 =	sshra.s32 s8, $0x2;
	[tilespmem:s5+$0xFFFFFE80] =	vst.add.f32.msk $0xffff, v34  }
0x4b1: {  	v34 =	vld [tilespmem:s8+$0x0];
	_ =	sdelay $0x4  }
0x4b2: {  	[tilespmem:s5+$0xFFFFFE90] =	vst.add.f32.msk $0xffff, v34  }
0x4b3: {  	v34 =	vld [tilespmem:s8+$0x10];
	_ =	sdelay $0x4  }
0x4b4: {  	[tilespmem:s5+$0xFFFFFEA0] =	vst.add.f32.msk $0xffff, v34  }
0x4b5: {  	v34 =	vld [tilespmem:s8+$0x20];
	_ =	sdelay $0x4  }
0x4b6: {  	[tilespmem:s5+$0xFFFFFEB0] =	vst.add.f32.msk $0xffff, v34  }
0x4b7: {  	v34 =	vld [tilespmem:s8+$0x30]  }
0x4b8: {  	s29 =	sadd.s32 $0xFB, s7  }
0x4b9: {  	s16 =	sshll.u32 s29, $0x8  }
0x4ba: {  	p0 =	slt.u32 s29, $0xC8;
	s8 =	sadd.s32 $0xFFFF3800, s16  }
0x4bb: {  	s8 =	smov.u32 @p0 s16  }
0x4bc: {  	s8 =	sshra.s32 s8, $0x2;
	[tilespmem:s5+$0xFFFFFEC0] =	vst.add.f32.msk $0xffff, v34  }
0x4bd: {  	v34 =	vld [tilespmem:s8+$0x0];
	_ =	sdelay $0x4  }
0x4be: {  	[tilespmem:s5+$0xFFFFFED0] =	vst.add.f32.msk $0xffff, v34  }
0x4bf: {  	v34 =	vld [tilespmem:s8+$0x10];
	_ =	sdelay $0x4  }
0x4c0: {  	[tilespmem:s5+$0xFFFFFEE0] =	vst.add.f32.msk $0xffff, v34  }
0x4c1: {  	v34 =	vld [tilespmem:s8+$0x20];
	_ =	sdelay $0x4  }
0x4c2: {  	[tilespmem:s5+$0xFFFFFEF0] =	vst.add.f32.msk $0xffff, v34  }
0x4c3: {  	v34 =	vld [tilespmem:s8+$0x30]  }
0x4c4: {  	s30 =	sadd.s32 $0xFC, s7  }
0x4c5: {  	s16 =	sshll.u32 s30, $0x8  }
0x4c6: {  	p0 =	slt.u32 s30, $0xC8;
	s8 =	sadd.s32 $0xFFFF3800, s16  }
0x4c7: {  	s8 =	smov.u32 @p0 s16  }
0x4c8: {  	s8 =	sshra.s32 s8, $0x2;
	[tilespmem:s5+$0xFFFFFF00] =	vst.add.f32.msk $0xffff, v34  }
0x4c9: {  	v34 =	vld [tilespmem:s8+$0x0];
	_ =	sdelay $0x4  }
0x4ca: {  	[tilespmem:s5+$0xFFFFFF10] =	vst.add.f32.msk $0xffff, v34  }
0x4cb: {  	v34 =	vld [tilespmem:s8+$0x10];
	_ =	sdelay $0x4  }
0x4cc: {  	[tilespmem:s5+$0xFFFFFF20] =	vst.add.f32.msk $0xffff, v34  }
0x4cd: {  	v34 =	vld [tilespmem:s8+$0x20];
	_ =	sdelay $0x4  }
0x4ce: {  	[tilespmem:s5+$0xFFFFFF30] =	vst.add.f32.msk $0xffff, v34  }
0x4cf: {  	v34 =	vld [tilespmem:s8+$0x30]  }
0x4d0: {  	s29 =	sadd.s32 $0xFD, s7  }
0x4d1: {  	s16 =	sshll.u32 s29, $0x8  }
0x4d2: {  	p0 =	slt.u32 s29, $0xC8;
	s8 =	sadd.s32 $0xFFFF3800, s16  }
0x4d3: {  	s8 =	smov.u32 @p0 s16  }
0x4d4: {  	s8 =	sshra.s32 s8, $0x2;
	[tilespmem:s5+$0xFFFFFF40] =	vst.add.f32.msk $0xffff, v34  }
0x4d5: {  	v34 =	vld [tilespmem:s8+$0x0];
	_ =	sdelay $0x4  }
0x4d6: {  	[tilespmem:s5+$0xFFFFFF50] =	vst.add.f32.msk $0xffff, v34  }
0x4d7: {  	v34 =	vld [tilespmem:s8+$0x10];
	_ =	sdelay $0x4  }
0x4d8: {  	[tilespmem:s5+$0xFFFFFF60] =	vst.add.f32.msk $0xffff, v34  }
0x4d9: {  	v34 =	vld [tilespmem:s8+$0x20];
	_ =	sdelay $0x4  }
0x4da: {  	[tilespmem:s5+$0xFFFFFF70] =	vst.add.f32.msk $0xffff, v34  }
0x4db: {  	v34 =	vld [tilespmem:s8+$0x30]  }
0x4dc: {  	s30 =	sadd.s32 $0xFE, s7  }
0x4dd: {  	s16 =	sshll.u32 s30, $0x8  }
0x4de: {  	p0 =	slt.u32 s30, $0xC8;
	s8 =	sadd.s32 $0xFFFF3800, s16  }
0x4df: {  	s8 =	smov.u32 @p0 s16  }
0x4e0: {  	s8 =	sshra.s32 s8, $0x2;
	[tilespmem:s5+$0xFFFFFF80] =	vst.add.f32.msk $0xffff, v34  }
0x4e1: {  	v34 =	vld [tilespmem:s8+$0x0];
	_ =	sdelay $0x4  }
0x4e2: {  	[tilespmem:s5+$0xFFFFFF90] =	vst.add.f32.msk $0xffff, v34  }
0x4e3: {  	v34 =	vld [tilespmem:s8+$0x10];
	_ =	sdelay $0x4  }
0x4e4: {  	[tilespmem:s5+$0xFFFFFFA0] =	vst.add.f32.msk $0xffff, v34  }
0x4e5: {  	v34 =	vld [tilespmem:s8+$0x20];
	_ =	sdelay $0x4  }
0x4e6: {  	[tilespmem:s5+$0xFFFFFFB0] =	vst.add.f32.msk $0xffff, v34  }
0x4e7: {  	v34 =	vld [tilespmem:s8+$0x30]  }
0x4e8: {  	s7 =	sadd.s32 $0xFF, s7  }
0x4e9: {  	s8 =	sshll.u32 s7, $0x8  }
0x4ea: {  	p0 =	slt.u32 s7, $0xC8;
	s7 =	sadd.s32 $0xFFFF3800, s8  }
0x4eb: {  	s7 =	smov.u32 @p0 s8  }
0x4ec: {  	s28 =	sshra.s32 s7, $0x2;
	[tilespmem:s5+$0xFFFFFFC0] =	vst.add.f32.msk $0xffff, v34  }
0x4ed: {  	v34 =	vld [tilespmem:s28+$0x0];
	_ =	sdelay $0x4  }
0x4ee: {  	[tilespmem:s5+$0xFFFFFFD0] =	vst.add.f32.msk $0xffff, v34  }
0x4ef: {  	v34 =	vld [tilespmem:s28+$0x10];
	_ =	sdelay $0x4  }
0x4f0: {  	[tilespmem:s5+$0xFFFFFFE0] =	vst.add.f32.msk $0xffff, v34  }
0x4f1: {  	s8 =	simm.s32 $0x0;
	s7 =	smul.u32 $0x50, s18;
	v34 =	vld [tilespmem:s28+$0x20]  }
.LBB2_13:
0x4f2: {  	_ =	sdelay $0x3  }
0x4f3: {  	s16 =	rddreg [dreg:$0x6];
	s18 =	smov.u32 s8;
	[tilespmem:s5+$0xFFFFFFF0] =	vst.add.f32.msk $0xffff, v34  }
0x4f4: {  	s16 =	sadd.s32 s18, s16;
	v34 =	vld [tilespmem:s28+$0x30]  }
0x4f5: {  	s18 =	sadd.s32 $0xF8, s16  }
0x4f6: {  	s28 =	sshll.u32 s18, $0x8  }
0x4f7: {  	p1 =	slt.u32 s18, $0xC8;
	s18 =	sadd.s32 $0xFFFF3800, s28  }
0x4f8: {  	s18 =	smov.u32 @p1 s28  }
0x4f9: {  	s18 =	sshra.s32 s18, $0x2;
	[tilespmem:s5+$0x0] =	vst.add.f32.msk $0xffff, v34  }
0x4fa: {  	v34 =	vld [tilespmem:s18+$0x0];
	_ =	sdelay $0x3  }
0x4fb: {  	s5 =	sadd.s32 $0x200, s5  }
0x4fc: {  	[tilespmem:s5+$0xFFFFFE10] =	vst.add.f32.msk $0xffff, v34  }
0x4fd: {  	v34 =	vld [tilespmem:s18+$0x10];
	_ =	sdelay $0x4  }
0x4fe: {  	[tilespmem:s5+$0xFFFFFE20] =	vst.add.f32.msk $0xffff, v34  }
0x4ff: {  	v34 =	vld [tilespmem:s18+$0x20];
	_ =	sdelay $0x4  }
0x500: {  	[tilespmem:s5+$0xFFFFFE30] =	vst.add.f32.msk $0xffff, v34  }
0x501: {  	v34 =	vld [tilespmem:s18+$0x30]  }
0x502: {  	s29 =	sadd.s32 $0xF9, s16  }
0x503: {  	s28 =	sshll.u32 s29, $0x8  }
0x504: {  	p1 =	slt.u32 s29, $0xC8;
	s18 =	sadd.s32 $0xFFFF3800, s28  }
0x505: {  	s18 =	smov.u32 @p1 s28  }
0x506: {  	s18 =	sshra.s32 s18, $0x2;
	[tilespmem:s5+$0xFFFFFE40] =	vst.add.f32.msk $0xffff, v34  }
0x507: {  	v34 =	vld [tilespmem:s18+$0x0];
	_ =	sdelay $0x4  }
0x508: {  	[tilespmem:s5+$0xFFFFFE50] =	vst.add.f32.msk $0xffff, v34  }
0x509: {  	v34 =	vld [tilespmem:s18+$0x10];
	_ =	sdelay $0x4  }
0x50a: {  	[tilespmem:s5+$0xFFFFFE60] =	vst.add.f32.msk $0xffff, v34  }
0x50b: {  	v34 =	vld [tilespmem:s18+$0x20];
	_ =	sdelay $0x4  }
0x50c: {  	[tilespmem:s5+$0xFFFFFE70] =	vst.add.f32.msk $0xffff, v34  }
0x50d: {  	v34 =	vld [tilespmem:s18+$0x30]  }
0x50e: {  	s30 =	sadd.s32 $0xFA, s16  }
0x50f: {  	s28 =	sshll.u32 s30, $0x8  }
0x510: {  	p1 =	slt.u32 s30, $0xC8;
	s18 =	sadd.s32 $0xFFFF3800, s28  }
0x511: {  	s18 =	smov.u32 @p1 s28  }
0x512: {  	s18 =	sshra.s32 s18, $0x2;
	[tilespmem:s5+$0xFFFFFE80] =	vst.add.f32.msk $0xffff, v34  }
0x513: {  	v34 =	vld [tilespmem:s18+$0x0];
	_ =	sdelay $0x4  }
0x514: {  	[tilespmem:s5+$0xFFFFFE90] =	vst.add.f32.msk $0xffff, v34  }
0x515: {  	v34 =	vld [tilespmem:s18+$0x10];
	_ =	sdelay $0x4  }
0x516: {  	[tilespmem:s5+$0xFFFFFEA0] =	vst.add.f32.msk $0xffff, v34  }
0x517: {  	v34 =	vld [tilespmem:s18+$0x20];
	_ =	sdelay $0x4  }
0x518: {  	[tilespmem:s5+$0xFFFFFEB0] =	vst.add.f32.msk $0xffff, v34  }
0x519: {  	v34 =	vld [tilespmem:s18+$0x30]  }
0x51a: {  	s29 =	sadd.s32 $0xFB, s16  }
0x51b: {  	s28 =	sshll.u32 s29, $0x8  }
0x51c: {  	p1 =	slt.u32 s29, $0xC8;
	s18 =	sadd.s32 $0xFFFF3800, s28  }
0x51d: {  	s18 =	smov.u32 @p1 s28  }
0x51e: {  	s18 =	sshra.s32 s18, $0x2;
	[tilespmem:s5+$0xFFFFFEC0] =	vst.add.f32.msk $0xffff, v34  }
0x51f: {  	v34 =	vld [tilespmem:s18+$0x0];
	_ =	sdelay $0x4  }
0x520: {  	[tilespmem:s5+$0xFFFFFED0] =	vst.add.f32.msk $0xffff, v34  }
0x521: {  	v34 =	vld [tilespmem:s18+$0x10];
	_ =	sdelay $0x4  }
0x522: {  	[tilespmem:s5+$0xFFFFFEE0] =	vst.add.f32.msk $0xffff, v34  }
0x523: {  	v34 =	vld [tilespmem:s18+$0x20];
	_ =	sdelay $0x4  }
0x524: {  	[tilespmem:s5+$0xFFFFFEF0] =	vst.add.f32.msk $0xffff, v34  }
0x525: {  	v34 =	vld [tilespmem:s18+$0x30]  }
0x526: {  	s30 =	sadd.s32 $0xFC, s16  }
0x527: {  	s28 =	sshll.u32 s30, $0x8  }
0x528: {  	p1 =	slt.u32 s30, $0xC8;
	s18 =	sadd.s32 $0xFFFF3800, s28  }
0x529: {  	s18 =	smov.u32 @p1 s28  }
0x52a: {  	s18 =	sshra.s32 s18, $0x2;
	[tilespmem:s5+$0xFFFFFF00] =	vst.add.f32.msk $0xffff, v34  }
0x52b: {  	v34 =	vld [tilespmem:s18+$0x0];
	_ =	sdelay $0x4  }
0x52c: {  	[tilespmem:s5+$0xFFFFFF10] =	vst.add.f32.msk $0xffff, v34  }
0x52d: {  	v34 =	vld [tilespmem:s18+$0x10];
	_ =	sdelay $0x4  }
0x52e: {  	[tilespmem:s5+$0xFFFFFF20] =	vst.add.f32.msk $0xffff, v34  }
0x52f: {  	v34 =	vld [tilespmem:s18+$0x20];
	_ =	sdelay $0x4  }
0x530: {  	[tilespmem:s5+$0xFFFFFF30] =	vst.add.f32.msk $0xffff, v34  }
0x531: {  	v34 =	vld [tilespmem:s18+$0x30]  }
0x532: {  	s29 =	sadd.s32 $0xFD, s16  }
0x533: {  	s28 =	sshll.u32 s29, $0x8  }
0x534: {  	p1 =	slt.u32 s29, $0xC8;
	s18 =	sadd.s32 $0xFFFF3800, s28  }
0x535: {  	s18 =	smov.u32 @p1 s28  }
0x536: {  	s18 =	sshra.s32 s18, $0x2;
	[tilespmem:s5+$0xFFFFFF40] =	vst.add.f32.msk $0xffff, v34  }
0x537: {  	v34 =	vld [tilespmem:s18+$0x0];
	_ =	sdelay $0x4  }
0x538: {  	[tilespmem:s5+$0xFFFFFF50] =	vst.add.f32.msk $0xffff, v34  }
0x539: {  	v34 =	vld [tilespmem:s18+$0x10];
	_ =	sdelay $0x4  }
0x53a: {  	[tilespmem:s5+$0xFFFFFF60] =	vst.add.f32.msk $0xffff, v34  }
0x53b: {  	v34 =	vld [tilespmem:s18+$0x20];
	_ =	sdelay $0x4  }
0x53c: {  	[tilespmem:s5+$0xFFFFFF70] =	vst.add.f32.msk $0xffff, v34  }
0x53d: {  	v34 =	vld [tilespmem:s18+$0x30]  }
0x53e: {  	s30 =	sadd.s32 $0xFE, s16  }
0x53f: {  	s28 =	sshll.u32 s30, $0x8  }
0x540: {  	p1 =	slt.u32 s30, $0xC8;
	s18 =	sadd.s32 $0xFFFF3800, s28  }
0x541: {  	s18 =	smov.u32 @p1 s28  }
0x542: {  	s18 =	sshra.s32 s18, $0x2;
	[tilespmem:s5+$0xFFFFFF80] =	vst.add.f32.msk $0xffff, v34  }
0x543: {  	v34 =	vld [tilespmem:s18+$0x0];
	_ =	sdelay $0x4  }
0x544: {  	[tilespmem:s5+$0xFFFFFF90] =	vst.add.f32.msk $0xffff, v34  }
0x545: {  	v34 =	vld [tilespmem:s18+$0x10];
	_ =	sdelay $0x4  }
0x546: {  	[tilespmem:s5+$0xFFFFFFA0] =	vst.add.f32.msk $0xffff, v34  }
0x547: {  	v34 =	vld [tilespmem:s18+$0x20];
	_ =	sdelay $0x4  }
0x548: {  	[tilespmem:s5+$0xFFFFFFB0] =	vst.add.f32.msk $0xffff, v34  }
0x549: {  	v34 =	vld [tilespmem:s18+$0x30]  }
0x54a: {  	s16 =	sadd.s32 $0xFF, s16  }
0x54b: {  	s18 =	sshll.u32 s16, $0x8  }
0x54c: {  	p1 =	slt.u32 s16, $0xC8;
	s16 =	sadd.s32 $0xFFFF3800, s18  }
0x54d: {  	s16 =	smov.u32 @p1 s18  }
0x54e: {  	s28 =	sshra.s32 s16, $0x2;
	[tilespmem:s5+$0xFFFFFFC0] =	vst.add.f32.msk $0xffff, v34  }
0x54f: {  	v34 =	vld [tilespmem:s28+$0x0];
	_ =	sdelay $0x4  }
0x550: {  	[tilespmem:s5+$0xFFFFFFD0] =	vst.add.f32.msk $0xffff, v34  }
0x551: {  	s8 =	sadd.s32 $0x8, s8;
	v34 =	vld [tilespmem:s28+$0x10]  }
0x552: {  	p0 =	slt.u32 s8, $0x48  }
.Ltmp5:
0x553: {  	_ = 	snop;
	(pc) =	sbr.rel @p0 .LBB2_13-.Ltmp5, $3  }
0x554: {  	_ =	sdelay $0x1  }
0x555: {  	[tilespmem:s5+$0xFFFFFFE0] =	vst.add.f32.msk $0xffff, v34  }
0x556: {  	v34 =	vld [tilespmem:s28+$0x20]  }
0x557: {  	_ =	sdelay $0x3  }
0x558: {  	[tilespmem:s5+$0xFFFFFFF0] =	vst.add.f32.msk $0xffff, v34  }
0x559: {  	s14 =	sadd.s32 $0x1, s14;
	v34 =	vld [tilespmem:s28+$0x30]  }
0x55a: {  	p0 =	sne.s32 s14, $0x14  }
.Ltmp6:
0x55b: {  	s7 =	sadd.s32 s6, s7;
	(pc) =	sbr.rel @p0 .LBB2_6-.Ltmp6, $4  }
0x55c: {  	s7 =	sshll.u32 s7, $0x3  }
0x55d: {  	s9 =	sadd.s32 $0x140, s9;
	s0 =	sadd.s32 $0x140, s0;
	s7 =	sand.u32 $0x1FFFFF80, s7  }
0x55e: {  	s10 =	sadd.s32 $0x140, s10;
	s13 =	sadd.s32 $0x140, s13;
	s30 =	sadd.s32 s2, s7;
	[tilespmem:s5+$0x0] =	vst.add.f32.msk $0xffff, v34  }
0x55f: {  	[hbm4b:s30+s3] =	stream.linear.scatter [tilespmem:s23], [sflag:$0x8], $0x1400, $0x38;
	[tilespmem:$0xE600] =	vst v63  }
0x560: {  	s0 =	simm.s32 $0x5  }
0x561: {  	_ =	swait.ge [sflag:s0], $0x1400  }
0x562: {  	[sflag:s0] =	ssyncset.done $0x0  }
0x563: {  	s28 =	simm.s32 $0x6;
	[sflag:s0] =	ssyncadd.s32 $0xFFFFEC00  }
0x564: {  	_ =	swait.ge [sflag:s28], $0x1400  }
0x565: {  	[sflag:s28] =	ssyncset.done $0x0  }
0x566: {  	s29 =	simm.s32 $0x7;
	[sflag:s28] =	ssyncadd.s32 $0xFFFFEC00  }
0x567: {  	_ =	swait.ge [sflag:s29], $0x1400  }
0x568: {  	[sflag:s29] =	ssyncset.done $0x0  }
0x569: {  	[sflag:s29] =	ssyncadd.s32 $0xFFFFEC00  }
0x56a: {  	_ =	swait.ge [sflag:s31], $0x1400  }
0x56b: {  	s1 =	sadd.s32 $0x1, s1;
	s30 =	rddreg [dreg:$0x9]  }
0x56c: {  	p0 =	sne.s32 s1, s30  }
.Ltmp7:
0x56d: {  	_ = 	snop;
	(pc) =	sbr.rel @p0 .LBB2_1-.Ltmp7, $3  }
0x56e: {  	_ =	sdelay $0x1  }
0x56f: {  	[sflag:s31] =	ssyncset.done $0x0  }
0x570: {  	[sflag:s31] =	ssyncadd.s32 $0xFFFFEC00  }
0x571: {  	_ =	sfence.sel $0x180000  }
0x572: {  	[bflag:$0x0] =	sbarrier.arrive $0xFFFF  }
0x573: {  	_ =	strace $0x9000004A  }
0x574: {  	s0 =	stileid.u32;
	[bflag:$0x2] =	sbarrier.arrive $0xFFFF  }
0x575: {  	p0 =	sne.s32 s0, $0x0;
	s0 =	rddreg [dreg:$0x2]  }
0x576: {  	s0 =	sadd.s32 @!p0 $0x100000, s0  }
0x577: {  	[sflag:s0] =	ssyncadd.tile.s32 @!p0 $0x1;
	_ =	shalt  }
.Lfunc_end2:
_tile_overlayer_lowered:
.L_overlay_start_2:
0x578: {  	(tag) =	ssettag $0x2  }
0x579: {  	s0 =	rddreg [dreg:$0x0];
	s2 =	stileid.u32  }
0x57a: {  	s1 =	rddreg [dreg:$0x1];
	p0 =	sne.s32 s2, $0x0  }
0x57b: {  	s3 =	rddreg [dreg:$0x2];
	[bflag:$0x3] =	sbarrier.arrive $0xFFFF;
	s2 =	simm.s32 @!p0 $0x1C09  }
0x57c: {  	[timem:s3], [sflag:s2] =	dma.local @!p0 [hbm:s0], s1  }
0x57d: {  	s0 =	simm.s32 @!p0 $0x9  }
0x57e: {  	_ =	swait.ge @!p0 [sflag:s0], s1  }
0x57f: {  	s1 =	ssub.s32 @!p0 $0x0, s1;
	[sflag:s0] =	ssyncset.done @!p0 $0x0  }
0x580: {  	[sflag:s0] =	ssyncadd.s32 @!p0 s1  }
0x581: {  	[bflag:$0x3] =	sbarrier.arrive $0xFFFF  }
0x582: {  	_ =	shalt  }

// kernel: sparse-core-data-format-call.1.cloned.1.call-start
scs
called_computation.1_lowered:
.L_overlay_start_0:
0x0: {  	s2 =	sld [smem:$0x3FD9]  }
0x1: {  	s3 =	sld [smem:$0x3FFE];
	_ =	sdelay $0x1  }
0x2: {  	s1 =	srdreg.scid  }
0x3: {  	s0 =	sand.u32 $0x1, s1  }
0x4: {  	s18 =	sshll.u32 s0, $0xA;
	s2 =	sadd.s32 s3, s2  }
0x5: {  	s2 =	sadd.s32 s2, s18  }
0x6: {  	[smem:$0x3FC5] =	sst s2  }
0x7: {  	_ = 	snop  }
0x8: {  	s2 =	sld [smem:$0x3FC8];
	(tm) =	ssettm $0x1  }
0x9: {  	s19 =	sld [smem:$0x3FFB];
	_ =	sdelay $0x3  }
0xa: {  	_ =	strace s19  }
0xb: {  	s3 =	sld [smem:$0x3FFC];
	_ =	sdelay $0x3  }
0xc: {  	_ =	strace s3  }
0xd: {  	s3 =	sld [smem:$0x3FFD];
	_ =	sdelay $0x3  }
0xe: {  	_ =	strace s3  }
0xf: {  	_ =	strace $0x8FFFFFFF  }
0x10: {  	s20 =	sld [smem:$0x3FDB];
	_ =	sdelay $0x1  }
0x11: {  	s4 =	simm.s32 $_scs_section_size  }
0x12: {  	s5 =	simm.s32 $_size__tile_overlayer_lowered;
	s6 =	simm.s32 $_tile_overlayer_lowered  }
0x13: {  	s23 =	simm.s32 $0x1BFF;
	s22 =	sshll.u32 s6, $0x1;
	s3 =	sadd.s32 s4, s20  }
0x14: {  	s7 =	simm.s32 $0x0;
	s21 =	sshll.u32 s5, $0x1;
	s5 =	sadd.s32 s22, s3  }
0x15: {  	[timem:s7], [sflag:s23] =	dma.local [hbm:s5], s21  }
0x16: {  	_ =	swait.ge [sflag:s23], s21  }
0x17: {  	s4 =	ssub.s32 $0x0, s21;
	[sflag:s23] =	ssyncset.done $0x0  }
0x18: {  	[sflag:s23] =	ssyncadd.s32 s4;
	_ =	sdelay $0x1  }
0x19: {  	s24 =	simm.s32 $0x1B8B  }
0x1a: {  	_ =	swait.ge [sflag:s24], $0x1  }
0x1b: {  	[sflag:s24] =	ssyncset.done $0x0  }
0x1c: {  	s26 =	simm.s32 $0x1B8E;
	s25 =	sld [smem:$0x3FFE];
	[sflag:s24] =	ssyncadd.s32 $0xFFFFFFFF  }
0x1d: {  	s27 =	simm.s32 $execute0_lowered;
	[smem:$0x3FD2] =	sst s26  }
0x1e: {  	s5 =	sshll.u32 s27, $0x1;
	_ =	strace $0x80000046;
	[dreg:$0x1] =	wrdreg $0xFFFFFFFF  }
0x1f: {  	s28 =	simm.s32 $_size_execute0_lowered;
	s3 =	sadd.s32 s3, s5;
	[dreg:$0x0] =	wrdreg $0x0  }
0x20: {  	s5 =	sshll.u32 s28, $0x1;
	[dreg:$0x2] =	wrdreg s3  }
0x21: {  	[dreg:$0x3] =	wrdreg s5  }
0x22: {  	[dreg:$0x4] =	wrdreg $0xC0  }
0x23: {  	_ =	task [dreg:s7], $0x5FFFF  }
0x24: {  	[dreg:$0x1] =	wrdreg $0xFFFFFFFF  }
0x25: {  	[dreg:$0x0] =	wrdreg $0x60  }
0x26: {  	[dreg:$0x2] =	wrdreg s2  }
0x27: {  	[dreg:$0x3] =	wrdreg s25  }
0x28: {  	[dreg:$0x4] =	wrdreg $0x9  }
0x29: {  	_ =	task.clear_ibuf [dreg:s7], $0x5FFFF;
	_ =	strace $0x90000046  }
0x2a: {  	s29 =	simm.s32 $0x9;
	_ =	strace $0x80000048  }
0x2b: {  	_ =	swait.ge [sflag:s29], $0x1  }
0x2c: {  	[sflag:s29] =	ssyncadd.s32 $0xFFFFFFFF  }
0x2d: {  	_ =	strace $0x90000048  }
0x2e: {  	_ =	sfence  }
0x2f: {  	s30 =	sld [smem:$0x0];
	_ =	sdelay $0x2  }
0x30: {  	s31 =	sshll.u32 s1, $0xD;
	s1 =	sshrl.u32 s1, $0x2  }
0x31: {  	s3 =	sand.u32 $0x4000, s31;
	s1 =	sadd.s32 s1, s30  }
0x32: {  	s0 =	sor.u32 s3, s0;
	s1 =	sshll.u32 s1, $0x11  }
0x33: {  	s0 =	sor.u32 s1, s0  }
0x34: {  	s0 =	sadd.s32 $0x8F2B, s0  }
0x35: {  	[sflag:s0] =	ssyncadd.remote.s32 $0x1  }
0x36: {  	_ =	sfence.sel $0xFFFF  }
0x37: {  	[dreg:$0x0] =	wrdreg $0xFFFFFFFF;
	(pc) =	sbr.abs _section_cstart, $3  }
0x38: {  	[dreg:$0x1] =	wrdreg $0xFFFFFFFF  }
0x39: {  	_ =	task.clear_ibuf [dreg:s7], $0x2FFFF;
	_ =	strace $0x9FFFFFFF  }
0x3a: {  	(tm) =	ssettm $0x7FFFFFFF  }
0x3b: {  	_ =	shalt  }
tec
execute0_lowered:
.L_overlay_start_1:
0x0: {  	(tag) =	ssettag $0x1  }
0x1: {  	s0 =	srdreg.scid;
	s2 =	rddreg [dreg:$0x0]  }
0x2: {  	s5 =	rddreg [dreg:$0x1];
	s1 =	stileid.u32  }
0x3: {  	s4 =	simm.s32 $0x1;
	s6 =	simm.s32 $0x2;
	s15 =	simm.s32 $0x0  }
0x4: {  	p0 =	por $0x0, $0x0;
	s8 =	simm.s32 $0x80;
	s0 =	sshll.u32 s0, $0x4  }
0x5: {  	s14 =	simm.s32 $0x0;
	s9 =	simm.s32 $0x0;
	s3 =	sand.u32 $0x10, s0  }
.Ltmp0:
0x6: {  	s10 =	simm.s32 $0x0;
	s3 =	sor.u32 s1, s3;
	(pc) =	sbr.rel .LBB1_1-.Ltmp0, $4  }
0x7: {  	s0 =	rddreg [dreg:$0x2];
	_ =	strace $0x80000047;
	s3 =	sshll.u32 s3, $0x7  }
0x8: {  	s12 =	simm.s32 $0x0;
	[sflag:s4] =	ssyncpa.u1 $0x0;
	s7 =	ssub.s32 $0xF4200, s3  }
0x9: {  	s13 =	simm.s32 $0x0;
	[sflag:s6] =	ssyncpa.u1 $0x0;
	s6 =	sshrl.u32 s7, $0xC  }
0xa: {  	s5 =	sadd.s32 $0x1000, s5;
	s11 =	smov.u32 s3;
	s7 =	sadd.s32 $0x2, s6  }
.LBB1_5:
0xb: {  	p1 =	slt.u32 s13, $0x2  }
0xc: {  	s17 =	smov.u32 s15;
	p2 =	sgt.s32 @!p1 s15, $0xF41C0;
	s16 =	sshra.s32 @!p1 s15, $0x1F  }
0xd: {  	p3 =	sgt.s32 @!p1 s14, $0x40;
	s18 =	sshra.s32 @!p1 s14, $0x1F;
	p2 =	por !p2, p1  }
0xe: {  	s15 =	sand.u32 @!p1 s16, s15;
	p3 =	por !p3, p1;
	s16 =	smov.u32 s14  }
0xf: {  	s14 =	sand.u32 @!p1 s18, s14;
	s17 =	simm.s32 @p2 $0xF41C0;
	s16 =	simm.s32 @p3 $0x40  }
0x10: {  	s15 =	ssub.s32 @!p1 s17, s15;
	s14 =	ssub.s32 @!p1 s16, s14  }
0x11: {  	s18 =	smov.u32 s12;
	s16 =	sadd.s32 @!p1 $0xFFF0BE40, s15;
	s17 =	sadd.s32 @!p1 $0xFFFFFFC0, s14  }
0x12: {  	s15 =	ssub.s32 @!p1 $0xF4240, s15;
	p2 =	sgt.s32 @!p1 s16, $0x7F;
	p3 =	sgt.s32 @!p1 s17, $0x3F  }
0x13: {  	s14 =	ssub.s32 @!p1 $0x80, s14;
	p2 =	por !p2, p1;
	p3 =	por !p3, p1  }
0x14: {  	s16 =	sadd.s32 $0x1000, s11;
	s15 =	simm.s32 @!p2 $0x0;
	s14 =	simm.s32 @!p3 $0x0  }
0x15: {  	p2 =	sgt.s32 s16, $0xF423F;
	s14 =	smul.u32 @!p1 s14, s15;
	s15 =	sadd.s32 $0x40, s12  }
0x16: {  	s18 =	smov.u32 @p2 s15  }
0x17: {  	s16 =	smov.u32 @p2 s3;
	p2 =	sgt.s32 s18, $0x3F  }
0x18: {  	s18 =	simm.s32 @p2 $0x0;
	p2 =	sne.s32 s13, s7  }
.Ltmp1:
0x19: {  	p0 =	por !p0, !p0;
	s17 =	simm.s32 @!p1 $0x2;
	(pc) =	sbr.rel @!p2 .LBB1_6-.Ltmp1, $4  }
0x1a: {  	s15 =	smov.u32 s9;
	s9 =	smov.u32 s11;
	s14 =	sand.u32 @!p1 $0x3FFFFFFF, s14  }
0x1b: {  	s11 =	smov.u32 s16;
	_ =	swait.ge @!p1 [sflag:s17], s14;
	s19 =	ssub.s32 @!p1 $0x0, s14  }
0x1c: {  	s14 =	smov.u32 s10;
	s13 =	sadd.s32 $0x1, s13;
	[sflag:s17] =	ssyncset.done @!p1 $0x0  }
0x1d: {  	s10 =	smov.u32 s12;
	s12 =	smov.u32 s18;
	[sflag:s17] =	ssyncadd.s32 @!p1 s19  }
.LBB1_1:
0x1e: {  	p1 =	sgt.u32 s13, s6  }
0x1f: {  	s16 =	sshrl.u32 @!p1 s12, $0x3  }
0x20: {  	s17 =	sshll.u32 @!p1 s11, $0x3;
	s16 =	smul.u32 @!p1 $0x7A1400, s16  }
0x21: {  	s18 =	sshll.u32 @!p1 s12, $0x7;
	s17 =	sand.u32 @!p1 $0xFFFFFC00, s17  }
0x22: {  	s16 =	sadd.s32 @!p1 s16, s17;
	s17 =	sand.u32 @!p1 $0x380, s18  }
0x23: {  	s18 =	sand.u32 @!p1 $0x7F, s11;
	s16 =	sor.u32 @!p1 s17, s16  }
0x24: {  	s17 =	sor.u32 @!p1 s18, s16  }
0x25: {  	s18 =	smulhi.u32 @!p1 $0x218D6287, s17;
	_ =	sdelay $0x1  }
0x26: {  	s16 =	smulhi.u32 @!p1 $0x218D6287, s16;
	s18 =	sshrl.u32 @!p1 s18, $0x11  }
0x27: {  	s18 =	smul.u32 @!p1 $0xF4280, s18  }
0x28: {  	s19 =	sxor.u32 @!p1 $0xFFFFFFFF, s13;
	s16 =	sshrl.u32 @!p1 s16, $0x11  }
0x29: {  	s19 =	sshll.u32 @!p1 s19, $0xD;
	s16 =	sand.u32 @!p1 $0x3F, s16;
	s17 =	ssub.s32 @!p1 s17, s18  }
0x2a: {  	s16 =	smul.u32 @!p1 $0x1E850, s16;
	s18 =	sshrl.u32 @!p1 s17, $0x3;
	s17 =	sand.u32 @!p1 $0x7, s17  }
0x2b: {  	s19 =	sand.u32 @!p1 $0x2000, s19;
	s18 =	sadd.s32 @!p1 s2, s18;
	s17 =	sshll.u32 @!p1 s17, $0x12  }
0x2c: {  	s16 =	sadd.s32 @!p1 s16, s18;
	s17 =	sor.u32 @!p1 $0x400, s17;
	s18 =	simm.s32 @!p1 $0x7A1400  }
0x2d: {  	[tilespmem:s19], [sflag:$0x1] =	stream.strided.gather @!p1 [hbm4b:s16+s17], $0x2000, s18, s17, $0x38;
	[tilespmem:$0x8100] =	vst v63  }
0x2e: {  	p1 =	seq.s32 s13, $0x0  }
0x2f: {  	p2 =	sge.u32 @!p1 s13, s7  }
0x30: {  	p1 =	por p1, p2  }
.Ltmp2:
0x31: {  	_ = 	snop;
	(pc) =	sbr.rel @p1 .LBB1_5-.Ltmp2, $1  }
0x32: {  	_ =	sdelay $0x3  }
0x33: {  	s16 =	simm.s32 $0x1  }
0x34: {  	_ =	swait.ge [sflag:s4], $0x2000;
	s16 =	simm.s32 @!p0 $0x0  }
0x35: {  	[sflag:s4] =	ssyncset.done $0x0;
	s17 =	sshll.u32 s16, $0xD  }
0x36: {  	[sflag:s4] =	ssyncadd.s32 $0xFFFFE000;
	s17 =	sor.u32 $0x40, s17  }
0x37: {  	s16 =	smul.u32 $0x8200, s16;
	v0 =	vld [tilespmem:s17+$0x30]  }
0x38: {  	v1 =	vld [tilespmem:s17+$0xFFFFFFD0]  }
0x39: {  	s16 =	sshrl.u32 s16, $0x2;
	v5 =	vld [tilespmem:s17+$0xFFFFFFE0]  }
0x3a: {  	v6 =	vld [tilespmem:s17+$0xFFFFFFF0];
	s19 =	sor.u32 $0x4000, s16  }
0x3b: {  	s31 =	sand.u32 $0x1, s13;
	v4 =	vld [tilespmem:s17+$0x0];
	s18 =	sadd.s32 $0x0, s19  }
0x3c: {  	v3 =	vld [tilespmem:s17+$0x10];
	s16 =	smul.u32 $0x8200, s31;
	[tilespmem:s18+$0x1C70 ss:$0x41] =	vst.msk $0xffff, v0  }
0x3d: {  	v2 =	vld [tilespmem:s17+$0x20];
	[tilespmem:s18+$0x410 ss:$0x41] =	vst.msk $0xffff, v1  }
0x3e: {  	s16 =	sshrl.u32 s16, $0x2;
	v1 =	vld [tilespmem:s17+$0xFFFFFFC0];
	[tilespmem:s18+$0x820 ss:$0x41] =	vst.msk $0xffff, v5;
	s17 =	sadd.s32 $0x80, s17  }
0x3f: {  	s20 =	simm.s32 $0x4;
	s21 =	simm.s32 $0x8;
	s16 =	sor.u32 $0x4000, s16;
	[tilespmem:s18+$0xC30 ss:$0x41] =	vst.msk $0xffff, v6;
	v0 =	vld [tilespmem:s17+$0x30]  }
.LBB1_3:
0x40: {  	p1 =	sne.s32 s21, $0xFC;
	v5 =	vld [tilespmem:s17+$0xFFFFFFD0];
	[tilespmem:s18+$0x1040 ss:$0x41] =	vst.msk $0xffff, v4  }
0x41: {  	v6 =	vld [tilespmem:s17+$0xFFFFFFE0];
	[tilespmem:s18+$0x1450 ss:$0x41] =	vst.msk $0xffff, v3  }
0x42: {  	s22 =	sshra.s32 s20, $0x2;
	s20 =	smov.u32 s21;
	v7 =	vld [tilespmem:s17+$0xFFFFFFF0];
	[tilespmem:s18+$0x1860 ss:$0x41] =	vst.msk $0xffff, v2  }
.Ltmp3:
0x43: {  	v4 =	vld [tilespmem:s17+$0x0];
	[tilespmem:s18+$0x0 ss:$0x41] =	vst.msk $0xffff, v1;
	s18 =	sadd.s32 s22, s19;
	(pc) =	sbr.rel @p1 .LBB1_3-.Ltmp3, $4  }
0x44: {  	v3 =	vld [tilespmem:s17+$0x10];
	[tilespmem:s18+$0x1C70 ss:$0x41] =	vst.msk $0xffff, v0  }
0x45: {  	[tilespmem:s18+$0x410 ss:$0x41] =	vst.msk $0xffff, v5;
	v2 =	vld [tilespmem:s17+$0x20]  }
0x46: {  	v1 =	vld [tilespmem:s17+$0xFFFFFFC0];
	[tilespmem:s18+$0x820 ss:$0x41] =	vst.msk $0xffff, v6;
	s17 =	sadd.s32 $0x80, s17  }
0x47: {  	s21 =	sadd.s32 $0x4, s21;
	v0 =	vld [tilespmem:s17+$0x30];
	[tilespmem:s18+$0xC30 ss:$0x41] =	vst.msk $0xffff, v7  }
0x48: {  	s21 =	sshll.u32 s9, $0x7;
	s22 =	sshll.u32 s10, $0x3;
	s20 =	sshra.s32 s20, $0x2  }
0x49: {  	p1 =	sgt.s32 s9, $0xF41C0;
	s30 =	sshra.s32 s9, $0x1F;
	s25 =	sshra.s32 s10, $0x1F  }
0x4a: {  	v5 =	vld [tilespmem:s17+$0xFFFFFFD0];
	s28 =	sshrl.u32 s10, $0x3;
	s23 =	sand.u32 $0xFFFFFC00, s21;
	s22 =	sand.u32 $0xFFFFFC00, s22  }
0x4b: {  	[tilespmem:s18+$0x1040 ss:$0x41] =	vst.msk $0xffff, v4;
	v58 =	vld [tilespmem:s17+$0xFFFFFFE0];
	s21 =	sand.u32 $0x380, s21;
	s19 =	sadd.s32 s20, s19;
	s22 =	sadd.s32 s22, s23  }
0x4c: {  	v59 =	vld [tilespmem:s17+$0xFFFFFFF0];
	[tilespmem:s18+$0x1450 ss:$0x41] =	vst.msk $0xffff, v3;
	s29 =	sor.u32 s21, s22;
	s21 =	smov.u32 s9;
	s22 =	sand.u32 s30, s9  }
0x4d: {  	v60 =	vld [tilespmem:s17+$0x0];
	[tilespmem:s18+$0x1860 ss:$0x41] =	vst.msk $0xffff, v2;
	s30 =	sand.u32 $0x7, s10;
	s20 =	sshrl.u32 s29, $0x7;
	s21 =	simm.s32 @!p1 $0xF41C0  }
0x4e: {  	v61 =	vld [tilespmem:s17+$0x10];
	[tilespmem:s18+$0x0 ss:$0x41] =	vst.msk $0xffff, v1;
	p1 =	sgt.s32 s10, $0x40;
	s24 =	ssub.s32 s21, s22;
	s21 =	smov.u32 s10  }
0x4f: {  	v62 =	vld [tilespmem:s17+$0x20];
	[tilespmem:s19+$0x1C70 ss:$0x41] =	vst.msk $0xffff, v0;
	s31 =	smulhi.u32 $0x218DEF5, s20;
	s22 =	sand.u32 s25, s10;
	s21 =	simm.s32 @!p1 $0x40  }
0x50: {  	v63 =	vld [tilespmem:s17+$0xFFFFFFC0];
	[tilespmem:s19+$0x410 ss:$0x41] =	vst.msk $0xffff, v5;
	s26 =	sadd.s32 $0xFFF0BE40, s24;
	s17 =	ssub.s32 $0xF4240, s24;
	s21 =	ssub.s32 s21, s22  }
0x51: {  	[tilespmem:s19+$0x820 ss:$0x41] =	vst.msk $0xffff, v58;
	s23 =	sshrl.u32 s31, $0xD;
	p1 =	sgt.s32 s26, $0x7F;
	s27 =	sadd.s32 $0xFFFFFFC0, s21  }
0x52: {  	[tilespmem:s19+$0xC30 ss:$0x41] =	vst.msk $0xffff, v59;
	s23 =	smul.u32 $0xF4240, s23;
	s18 =	ssub.s32 $0x80, s21;
	p2 =	sgt.s32 s27, $0x3F  }
.Ltmp4:
0x53: {  	[tilespmem:s19+$0x1040 ss:$0x41] =	vst.msk $0xffff, v60;
	s17 =	simm.s32 @p1 $0x0;
	s18 =	simm.s32 @p2 $0x0;
	(pc) =	sbr.rel .LBB1_5-.Ltmp4, $4  }
0x54: {  	s29 =	sand.u32 $0xF, s28;
	[tilespmem:s19+$0x1450 ss:$0x41] =	vst.msk $0xffff, v61;
	s20 =	ssub.s32 s20, s23;
	s17 =	smul.u32 s18, s17  }
0x55: {  	[tilespmem:s19+$0x1860 ss:$0x41] =	vst.msk $0xffff, v62;
	s21 =	sshll.u32 s30, $0x12;
	s20 =	sshll.u32 s20, $0x4;
	s18 =	sadd.s32 s5, s29  }
0x56: {  	[tilespmem:s19+$0x0 ss:$0x41] =	vst.msk $0xffff, v63;
	s31 =	sor.u32 $0x40, s21;
	s18 =	sadd.s32 s20, s18;
	s17 =	sand.u32 $0x3FFFFFFF, s17  }
0x57: {  	[hbm4b:s18+s31] =	stream.strided.scatter [tilespmem:s16], [sflag:$0x2], s17, s8, s31, $0x18;
	[tilespmem:$0x8100] =	vst v63  }
.LBB1_6:
0x58: {  	_ =	sfence.sel $0x180000  }
0x59: {  	s2 =	simm.s32 $0x1;
	[bflag:$0x0] =	sbarrier.arrive $0xFFFF  }
0x5a: {  	s31 =	simm.s32 $0x2;
	[sflag:s2] =	ssyncpa.u1 $0x1  }
0x5b: {  	[sflag:s31] =	ssyncpa.u1 $0x1  }
0x5c: {  	p0 =	sne.s32 s1, $0x0;
	_ =	strace $0x90000047  }
0x5d: {  	s0 =	sadd.s32 @!p0 $0x100000, s0;
	[bflag:$0x2] =	sbarrier.arrive $0xFFFF  }
0x5e: {  	[sflag:s0] =	ssyncadd.tile.s32 @!p0 $0x1;
	_ =	shalt  }
.Lfunc_end1:
_tile_overlayer_lowered:
.L_overlay_start_2:
0x5f: {  	(tag) =	ssettag $0x2  }
0x60: {  	s0 =	rddreg [dreg:$0x0];
	s2 =	stileid.u32  }
0x61: {  	s1 =	rddreg [dreg:$0x1];
	p0 =	sne.s32 s2, $0x0  }
0x62: {  	s3 =	rddreg [dreg:$0x2];
	[bflag:$0x3] =	sbarrier.arrive $0xFFFF;
	s2 =	simm.s32 @!p0 $0x1C01  }
0x63: {  	[timem:s3], [sflag:s2] =	dma.local @!p0 [hbm:s0], s1  }
0x64: {  	s0 =	simm.s32 @!p0 $0x1  }
0x65: {  	_ =	swait.ge @!p0 [sflag:s0], s1  }
0x66: {  	s1 =	ssub.s32 @!p0 $0x0, s1;
	[sflag:s0] =	ssyncset.done @!p0 $0x0  }
0x67: {  	[sflag:s0] =	ssyncadd.s32 @!p0 s1  }
0x68: {  	[bflag:$0x3] =	sbarrier.arrive $0xFFFF  }
0x69: {  	_ =	shalt  }

// kernel: sparse-core-data-format-call.cloned.1.call-start
scs
called_computation_lowered:
.L_overlay_start_0:
0x0: {  	s2 =	sld [smem:$0x3FD9]  }
0x1: {  	s3 =	sld [smem:$0x3FFE];
	_ =	sdelay $0x1  }
0x2: {  	s1 =	srdreg.scid  }
0x3: {  	s0 =	sand.u32 $0x1, s1  }
0x4: {  	s18 =	sshll.u32 s0, $0xA;
	s2 =	sadd.s32 s3, s2  }
0x5: {  	s2 =	sadd.s32 s2, s18  }
0x6: {  	[smem:$0x3FC5] =	sst s2  }
0x7: {  	_ = 	snop  }
0x8: {  	s2 =	sld [smem:$0x3FD0];
	(tm) =	ssettm $0x1  }
0x9: {  	s19 =	sld [smem:$0x3FFB];
	_ =	sdelay $0x3  }
0xa: {  	_ =	strace s19  }
0xb: {  	s3 =	sld [smem:$0x3FFC];
	_ =	sdelay $0x3  }
0xc: {  	_ =	strace s3  }
0xd: {  	s3 =	sld [smem:$0x3FFD];
	_ =	sdelay $0x3  }
0xe: {  	_ =	strace s3  }
0xf: {  	_ =	strace $0x8FFFFFFF  }
0x10: {  	s20 =	sld [smem:$0x3FDB];
	_ =	sdelay $0x1  }
0x11: {  	s4 =	simm.s32 $_scs_section_size  }
0x12: {  	s5 =	simm.s32 $_size__tile_overlayer_lowered;
	s6 =	simm.s32 $_tile_overlayer_lowered  }
0x13: {  	s23 =	simm.s32 $0x1BFF;
	s22 =	sshll.u32 s6, $0x1;
	s3 =	sadd.s32 s4, s20  }
0x14: {  	s7 =	simm.s32 $0x0;
	s21 =	sshll.u32 s5, $0x1;
	s5 =	sadd.s32 s22, s3  }
0x15: {  	[timem:s7], [sflag:s23] =	dma.local [hbm:s5], s21  }
0x16: {  	_ =	swait.ge [sflag:s23], s21  }
0x17: {  	s4 =	ssub.s32 $0x0, s21;
	[sflag:s23] =	ssyncset.done $0x0  }
0x18: {  	[sflag:s23] =	ssyncadd.s32 s4;
	_ =	sdelay $0x1  }
0x19: {  	s24 =	simm.s32 $0x1B8B  }
0x1a: {  	_ =	swait.ge [sflag:s24], $0x1  }
0x1b: {  	[sflag:s24] =	ssyncset.done $0x0  }
0x1c: {  	s26 =	simm.s32 $0x1B8E;
	s25 =	sld [smem:$0x3FFE];
	[sflag:s24] =	ssyncadd.s32 $0xFFFFFFFF  }
0x1d: {  	s27 =	simm.s32 $execute0_lowered;
	[smem:$0x3FD2] =	sst s26  }
0x1e: {  	s5 =	sshll.u32 s27, $0x1;
	_ =	strace $0x8000004C;
	[dreg:$0x1] =	wrdreg $0xFFFFFFFF  }
0x1f: {  	s28 =	simm.s32 $_size_execute0_lowered;
	s3 =	sadd.s32 s3, s5;
	[dreg:$0x0] =	wrdreg $0x0  }
0x20: {  	s5 =	sshll.u32 s28, $0x1;
	[dreg:$0x2] =	wrdreg s3  }
0x21: {  	[dreg:$0x3] =	wrdreg s5  }
0x22: {  	[dreg:$0x4] =	wrdreg $0xC0  }
0x23: {  	_ =	task [dreg:s7], $0x5FFFF  }
0x24: {  	[dreg:$0x1] =	wrdreg $0xFFFFFFFF  }
0x25: {  	[dreg:$0x0] =	wrdreg $0x60  }
0x26: {  	[dreg:$0x2] =	wrdreg s25  }
0x27: {  	[dreg:$0x3] =	wrdreg s2  }
0x28: {  	[dreg:$0x4] =	wrdreg $0x9  }
0x29: {  	_ =	task.clear_ibuf [dreg:s7], $0x5FFFF;
	_ =	strace $0x9000004C  }
0x2a: {  	s29 =	simm.s32 $0x9;
	_ =	strace $0x8000004E  }
0x2b: {  	_ =	swait.ge [sflag:s29], $0x1  }
0x2c: {  	[sflag:s29] =	ssyncadd.s32 $0xFFFFFFFF  }
0x2d: {  	_ =	strace $0x9000004E  }
0x2e: {  	_ =	sfence  }
0x2f: {  	s30 =	sld [smem:$0x0];
	_ =	sdelay $0x2  }
0x30: {  	s31 =	sshll.u32 s1, $0xD;
	s1 =	sshrl.u32 s1, $0x2  }
0x31: {  	s3 =	sand.u32 $0x4000, s31;
	s1 =	sadd.s32 s1, s30  }
0x32: {  	s0 =	sor.u32 s3, s0;
	s1 =	sshll.u32 s1, $0x11  }
0x33: {  	s0 =	sor.u32 s1, s0  }
0x34: {  	s0 =	sadd.s32 $0x8F2B, s0  }
0x35: {  	[sflag:s0] =	ssyncadd.remote.s32 $0x1  }
0x36: {  	_ =	sfence.sel $0xFFFF  }
0x37: {  	[dreg:$0x0] =	wrdreg $0xFFFFFFFF;
	(pc) =	sbr.abs _section_cstart, $3  }
0x38: {  	[dreg:$0x1] =	wrdreg $0xFFFFFFFF  }
0x39: {  	_ =	task.clear_ibuf [dreg:s7], $0x2FFFF;
	_ =	strace $0x9FFFFFFF  }
0x3a: {  	(tm) =	ssettm $0x7FFFFFFF  }
0x3b: {  	_ =	shalt  }
tec
execute0_lowered:
.L_overlay_start_1:
0x0: {  	(tag) =	ssettag $0x1  }
0x1: {  	s0 =	stileid.u32;
	s6 =	rddreg [dreg:$0x0]  }
0x2: {  	s2 =	rddreg [dreg:$0x1];
	s5 =	srdreg.scid  }
0x3: {  	s31 =	simm.s32 $0x2;
	s13 =	simm.s32 $0x0;
	s1 =	sshll.u32 s0, $0x7  }
0x4: {  	s14 =	simm.s32 $0x0;
	s12 =	simm.s32 $0x0;
	s3 =	sand.u32 $0x380, s1  }
0x5: {  	s5 =	sshll.u32 s5, $0x4;
	s6 =	sadd.s32 $0x1000, s6;
	s4 =	ssub.s32 $0x400, s3  }
0x6: {  	s1 =	rddreg [dreg:$0x2];
	_ =	strace $0x8000004D;
	s7 =	sand.u32 $0x380, s4  }
0x7: {  	s5 =	sand.u32 $0x10, s5;
	p0 =	sne.s32 s7, $0x0;
	s7 =	simm.s32 $0x1  }
.Ltmp0:
0x8: {  	s8 =	sshrl.u32 s4, $0xA;
	s7 =	simm.s32 @!p0 $0x0;
	(pc) =	sbr.rel .LBB1_1-.Ltmp0, $4  }
0x9: {  	s9 =	sor.u32 s0, s5;
	s4 =	simm.s32 $0x1;
	s30 =	sadd.s32 s7, s8  }
0xa: {  	s11 =	smov.u32 s3;
	[sflag:s4] =	ssyncpa.u1 $0x0;
	s5 =	smul.u32 $0x32, s30  }
0xb: {  	[sflag:s31] =	ssyncpa.u1 $0x0;
	p0 =	por $0x0, $0x0;
	s7 =	sshrl.u32 s9, $0x3  }
0xc: {  	s9 =	simm.s32 $0x2000;
	s10 =	smov.u32 s7;
	s8 =	sor.u32 $0x1, s5  }
.LBB1_4:
0xd: {  	s17 =	sand.u32 $0x1F80, s14;
	s13 =	sshll.u32 s13, $0xD  }
0xe: {  	[tilespmem:s16+$0x810 ss:$0x81] =	vst.msk $0xffff, v2;
	s18 =	sshrl.u32 s14, $0x3;
	s31 =	sand.u32 $0x7, s14;
	s17 =	sadd.s32 s2, s17  }
0xf: {  	[tilespmem:s16+$0x1020 ss:$0x81] =	vst.msk $0xffff, v0;
	s18 =	sand.u32 $0xF, s18;
	s14 =	sshll.u32 s31, $0x12;
	s13 =	sadd.s32 s13, s17  }
0x10: {  	[tilespmem:s16+$0x0 ss:$0x81] =	vst.msk $0xffff, v1;
	s14 =	sor.u32 $0x400, s14;
	s13 =	sadd.s32 s18, s13  }
0x11: {  	[hbm4b:s13+s14] =	stream.strided.scatter [tilespmem:s15], [sflag:$0x2], $0x2000, s9, s14, $0x20;
	[tilespmem:$0x8080] =	vst v63  }
.LBB1_5:
0x12: {  	s15 =	sadd.s32 $0x4, s10  }
0x13: {  	s13 =	sadd.s32 $0x400, s11;
	s17 =	smov.u32 s11;
	p2 =	sgt.s32 s15, $0xC7  }
0x14: {  	s17 =	smov.u32 @p2 s13  }
0x15: {  	s15 =	smov.u32 @p2 s7;
	p2 =	sgt.s32 s17, $0x3FF  }
0x16: {  	s17 =	smov.u32 @p2 s3;
	p2 =	sne.s32 s12, s8  }
.Ltmp1:
0x17: {  	p1 =	slt.u32 s12, $0x2;
	(pc) =	sbr.rel @!p2 .LBB1_6-.Ltmp1, $4  }
0x18: {  	s16 =	simm.s32 @!p1 $0x2  }
0x19: {  	s14 =	smov.u32 s11;
	p0 =	por !p0, !p0;
	_ =	swait.ge @!p1 [sflag:s16], $0x2000  }
0x1a: {  	s13 =	smov.u32 s10;
	[sflag:s16] =	ssyncset.done @!p1 $0x0;
	s10 =	smov.u32 s15  }
0x1b: {  	s12 =	sadd.s32 $0x1, s12;
	[sflag:s16] =	ssyncadd.s32 @!p1 $0xFFFFE000;
	s11 =	smov.u32 s17  }
.LBB1_1:
0x1c: {  	p1 =	sge.u32 s12, s5  }
0x1d: {  	s15 =	sand.u32 @!p1 $0x1FFFFFF, s10  }
0x1e: {  	s16 =	smulhi.u32 @!p1 $0x147AE15, s15;
	_ =	sdelay $0x1  }
0x1f: {  	s16 =	smul.u32 @!p1 $0xC8, s16  }
0x20: {  	s17 =	sxor.u32 @!p1 $0xFFFFFFFF, s12;
	s18 =	smul.u32 @!p1 $0xC80, s11  }
0x21: {  	s31 =	sadd.s32 $0xFFFFFFFF, s12;
	s17 =	sshll.u32 @!p1 s17, $0xD;
	s15 =	ssub.s32 @!p1 s15, s16  }
0x22: {  	s16 =	sand.u32 @!p1 $0x2000, s17;
	s17 =	sadd.s32 @!p1 s6, s18;
	s15 =	sshll.u32 @!p1 s15, $0x4  }
0x23: {  	s18 =	simm.s32 @!p1 $0x6400;
	s15 =	sadd.s32 @!p1 s15, s17;
	s17 =	simm.s32 @!p1 $0x40  }
0x24: {  	[tilespmem:s16], [sflag:$0x1] =	stream.strided.gather @!p1 [hbm4b:s15+s17], $0x2000, s18, s17, $0x38;
	[tilespmem:$0x8080] =	vst v63  }
0x25: {  	p1 =	sge.u32 s31, s5  }
.Ltmp2:
0x26: {  	_ = 	snop;
	(pc) =	sbr.rel @p1 .LBB1_5-.Ltmp2, $1  }
0x27: {  	_ =	sdelay $0x3  }
0x28: {  	s15 =	simm.s32 $0x1  }
0x29: {  	_ =	swait.ge [sflag:s4], $0x2000;
	s15 =	simm.s32 @!p0 $0x0  }
0x2a: {  	[sflag:s4] =	ssyncset.done $0x0;
	s16 =	sshll.u32 s15, $0xD  }
0x2b: {  	[sflag:s4] =	ssyncadd.s32 $0xFFFFE000;
	s19 =	sor.u32 $0x20, s16  }
0x2c: {  	s15 =	smul.u32 $0x8100, s15;
	v3 =	vld [tilespmem:s19+$0x10]  }
0x2d: {  	s30 =	sand.u32 $0x1, s12;
	v2 =	vld [tilespmem:s19+$0xFFFFFFF0]  }
0x2e: {  	s16 =	smul.u32 $0x8100, s30;
	s15 =	sshrl.u32 s15, $0x2;
	v0 =	vld [tilespmem:s19+$0x0]  }
0x2f: {  	v1 =	vld [tilespmem:s19+$0xFFFFFFE0];
	s17 =	sor.u32 $0x4000, s15  }
0x30: {  	s31 =	sshrl.u32 s16, $0x2;
	s16 =	sadd.s32 $0x0, s17  }
0x31: {  	s18 =	simm.s32 $0x4;
	s19 =	sadd.s32 $0x40, s19;
	s15 =	sor.u32 $0x4000, s31;
	[tilespmem:s16+$0x1830 ss:$0x81] =	vst.msk $0xffff, v3  }
.LBB1_3:
0x32: {  	v3 =	vld [tilespmem:s19+$0x10];
	p1 =	sne.s32 s18, $0x1FC;
	[tilespmem:s16+$0x810 ss:$0x81] =	vst.msk $0xffff, v2;
	s20 =	smov.u32 s18;
	s18 =	sadd.s32 $0x4, s18  }
.Ltmp3:
0x33: {  	v2 =	vld [tilespmem:s19+$0xFFFFFFF0];
	[tilespmem:s16+$0x1020 ss:$0x81] =	vst.msk $0xffff, v0;
	(pc) =	sbr.rel @p1 .LBB1_3-.Ltmp3, $4  }
0x34: {  	v0 =	vld [tilespmem:s19+$0x0];
	[tilespmem:s16+$0x0 ss:$0x81] =	vst.msk $0xffff, v1  }
0x35: {  	s16 =	sshra.s32 s20, $0x2;
	v1 =	vld [tilespmem:s19+$0xFFFFFFE0]  }
0x36: {  	s16 =	sadd.s32 s16, s17  }
0x37: {  	s19 =	sadd.s32 $0x40, s19;
	[tilespmem:s16+$0x1830 ss:$0x81] =	vst.msk $0xffff, v3  }
.Ltmp4:
0x38: {  	_ = 	snop;
	(pc) =	sbr.rel .LBB1_4-.Ltmp4, $1  }
0x39: {  	_ =	sdelay $0x3  }
.LBB1_6:
0x3a: {  	_ =	sfence.sel $0x180000  }
0x3b: {  	s2 =	simm.s32 $0x1;
	[bflag:$0x0] =	sbarrier.arrive $0xFFFF  }
0x3c: {  	s31 =	simm.s32 $0x2;
	[sflag:s2] =	ssyncpa.u1 $0x1  }
0x3d: {  	[sflag:s31] =	ssyncpa.u1 $0x1  }
0x3e: {  	p0 =	sne.s32 s0, $0x0;
	_ =	strace $0x9000004D  }
0x3f: {  	s0 =	sadd.s32 @!p0 $0x100000, s1;
	[bflag:$0x2] =	sbarrier.arrive $0xFFFF  }
0x40: {  	[sflag:s0] =	ssyncadd.tile.s32 @!p0 $0x1;
	_ =	shalt  }
.Lfunc_end1:
_tile_overlayer_lowered:
.L_overlay_start_2:
0x41: {  	(tag) =	ssettag $0x2  }
0x42: {  	s0 =	rddreg [dreg:$0x0];
	s2 =	stileid.u32  }
0x43: {  	s1 =	rddreg [dreg:$0x1];
	p0 =	sne.s32 s2, $0x0  }
0x44: {  	s3 =	rddreg [dreg:$0x2];
	[bflag:$0x3] =	sbarrier.arrive $0xFFFF;
	s2 =	simm.s32 @!p0 $0x1C01  }
0x45: {  	[timem:s3], [sflag:s2] =	dma.local @!p0 [hbm:s0], s1  }
0x46: {  	s0 =	simm.s32 @!p0 $0x1  }
0x47: {  	_ =	swait.ge @!p0 [sflag:s0], s1  }
0x48: {  	s1 =	ssub.s32 @!p0 $0x0, s1;
	[sflag:s0] =	ssyncset.done @!p0 $0x0  }
0x49: {  	[sflag:s0] =	ssyncadd.s32 @!p0 s1  }
0x4a: {  	[bflag:$0x3] =	sbarrier.arrive $0xFFFF  }
0x4b: {  	_ =	shalt  }

</sc_bundles>
